<compile_context>
chip_gen: v7x
topology: tpu7x:2x2x1
jax: 0.10.2.dev20260603
libtpu: 0.0.44.dev20260713+nightly
codegen_flags: <defaults>
</compile_context>

<pallas_src>
import functools

import jax
import jax.numpy as jnp
from jax import lax
from jax.experimental import pallas as pl
from jax.experimental.pallas import tpu as pltpu
from jax.experimental.pallas import tpu_sc as plsc

N = 10000
E = 320000
D = 128
SCALE = 1.8

NC = 2
NS = 16
NW = NC * NS
CHUNK = 64
NCHT = 160
DCH = 128
DNCHT = 80
E_PAD = NW * NCHT * CHUNK
N_PAD = E_PAD - E
N_ZS = 10240
ZS_BN = 2048
ROWS_A = 632
ROWS_B = N - 15 * ROWS_A
N_DEG = 10240
DEG_PER_TILE = N_DEG // NS

EP_BN = 65536


@functools.lru_cache(maxsize=None)
def _sc_mesh():
    return plsc.VectorSubcoreMesh(
        core_axis_name="c", subcore_axis_name="s", num_cores=NC, num_subcores=NS
    )


def _deg_body(dst_hbm, out_hbm, didx, ones_v, zeros_v, dsem, isem, deg_sh):
    c = lax.axis_index("c")
    s = lax.axis_index("s")
    wid = c * NS + s
    e0 = wid * DNCHT * DCH

    @pl.loop(0, DCH, step=16)
    def _(i):
        ones_v[pl.ds(i, 16)] = jnp.full((16,), 1.0, jnp.float32)

    @pl.loop(0, DEG_PER_TILE, step=16)
    def _(i):
        zeros_v[pl.ds(i, 16)] = jnp.zeros((16,), jnp.float32)

    pltpu.sync_copy(zeros_v, deg_sh.at[pl.ds(s * DEG_PER_TILE, DEG_PER_TILE)])

    def idx_load(j, slot):
        pltpu.async_copy(dst_hbm.at[pl.ds(e0 + j * DCH, DCH)],
                         didx.at[slot], isem.at[slot])

    def idx_wait(j, slot):
        pltpu.make_async_copy(dst_hbm.at[pl.ds(e0 + j * DCH, DCH)],
                              didx.at[slot], isem.at[slot]).wait()

    idx_load(0, 0)
    idx_load(1, 1)
    idx_load(2, 2)
    plsc.subcore_barrier()

    @pl.loop(0, DNCHT, step=4)
    def _(i):
        for b in range(4):
            j = i + b
            idx_wait(j, b)
            pltpu.async_copy(ones_v, deg_sh.at[didx.at[b]], dsem, add=True)

            prev_slot = (b + 3) % 4
            if b == 0:
                @pl.when(j > 0)
                def _():
                    pltpu.make_async_copy(ones_v, deg_sh.at[didx.at[prev_slot]],
                                          dsem).wait()
            else:
                pltpu.make_async_copy(ones_v, deg_sh.at[didx.at[prev_slot]],
                                      dsem).wait()

            @pl.when(j + 3 < DNCHT)
            def _():
                idx_load(j + 3, prev_slot)

    pltpu.make_async_copy(ones_v, deg_sh.at[didx.at[3]], dsem).wait()
    plsc.subcore_barrier()
    pltpu.sync_copy(
        deg_sh.at[pl.ds(s * DEG_PER_TILE, DEG_PER_TILE)],
        out_hbm.at[c, pl.ds(s * DEG_PER_TILE, DEG_PER_TILE)],
    )


@functools.lru_cache(maxsize=None)
def _deg_kernel():
    return pl.kernel(
        _deg_body,
        out_type=jax.ShapeDtypeStruct((NC, N_DEG), jnp.float32),
        mesh=_sc_mesh(),
        scratch_types=[
            pltpu.VMEM((4, DCH), jnp.int32),
            pltpu.VMEM((DCH,), jnp.float32),
            pltpu.VMEM((DEG_PER_TILE,), jnp.float32),
            pltpu.SemaphoreType.DMA,
            pltpu.SemaphoreType.DMA((4,)),
            pltpu.VMEM_SHARED((N_DEG,), jnp.float32),
        ],
    )


def _msg_body(zs_hbm, src_hbm, dst_hbm, out_hbm,
              sidx, didx, rows, gsem, ssem, isem, acc_sh):
    c = lax.axis_index("c")
    s = lax.axis_index("s")
    wid = c * NS + s
    r0 = s * ROWS_A
    e0 = wid * NCHT * CHUNK

    @pl.when(s < NS - 1)
    def _():
        pltpu.sync_copy(zs_hbm.at[pl.ds(r0, ROWS_A)],
                        acc_sh.at[pl.ds(r0, ROWS_A)])

    @pl.when(s == NS - 1)
    def _():
        pltpu.sync_copy(zs_hbm.at[pl.ds(15 * ROWS_A, ROWS_B)],
                        acc_sh.at[pl.ds(15 * ROWS_A, ROWS_B)])

    def idx_load(j, slot):
        pltpu.async_copy(src_hbm.at[pl.ds(e0 + j * CHUNK, CHUNK)],
                         sidx.at[slot], isem.at[slot])
        pltpu.async_copy(dst_hbm.at[pl.ds(e0 + j * CHUNK, CHUNK)],
                         didx.at[slot], isem.at[slot])

    def idx_wait(j, slot):
        pltpu.make_async_copy(src_hbm.at[pl.ds(e0 + j * CHUNK, CHUNK)],
                              sidx.at[slot], isem.at[slot]).wait()
        pltpu.make_async_copy(dst_hbm.at[pl.ds(e0 + j * CHUNK, CHUNK)],
                              didx.at[slot], isem.at[slot]).wait()

    def g_start(rslot, kslot):
        pltpu.async_copy(zs_hbm.at[sidx.at[kslot]], rows.at[rslot],
                         gsem.at[rslot])

    def g_wait(rslot, kslot):
        pltpu.make_async_copy(zs_hbm.at[sidx.at[kslot]], rows.at[rslot],
                              gsem.at[rslot]).wait()

    def s_start(rslot, kslot):
        pltpu.async_copy(rows.at[rslot], acc_sh.at[didx.at[kslot]],
                         ssem.at[rslot], add=True)

    def s_wait(rslot, kslot):
        pltpu.make_async_copy(rows.at[rslot], acc_sh.at[didx.at[kslot]],
                              ssem.at[rslot]).wait()

    pltpu.sync_copy(src_hbm.at[pl.ds(e0, CHUNK)], sidx.at[0])
    pltpu.sync_copy(dst_hbm.at[pl.ds(e0, CHUNK)], didx.at[0])
    g_start(0, 0)
    idx_load(1, 1)
    idx_load(2, 2)
    idx_load(3, 3)
    idx_load(4, 4)
    idx_wait(1, 1)
    g_start(1, 1)
    plsc.subcore_barrier()

    @pl.loop(0, NCHT, step=8)
    def _(i):
        for b in range(8):
            j = i + b
            r = b % 4
            k = b % 8

            g_wait(r, k)
            s_start(r, k)

            if b >= 2:
                s_wait((b - 2) % 4, (b - 2) % 8)
            else:
                @pl.when(j >= 2)
                def _():
                    s_wait((b - 2) % 4, (b - 2) % 8)

            if b < 6:
                @pl.when(j + 2 < NCHT)
                def _():
                    idx_wait(j + 2, (b + 2) % 8)
                    g_start((b + 2) % 4, (b + 2) % 8)
            else:
                @pl.when(j + 2 < NCHT)
                def _():
                    idx_wait(j + 2, (b + 2) % 8)
                    g_start((b + 2) % 4, (b + 2) % 8)

            @pl.when(j + 5 < NCHT)
            def _():
                idx_load(j + 5, (b + 5) % 8)

    s_wait((NCHT - 2) % 4, (NCHT - 2) % 8)
    s_wait((NCHT - 1) % 4, (NCHT - 1) % 8)
    plsc.subcore_barrier()

    @pl.when(s < NS - 1)
    def _():
        pltpu.sync_copy(acc_sh.at[pl.ds(r0, ROWS_A)],
                        out_hbm.at[c, pl.ds(r0, ROWS_A)])

    @pl.when(s == NS - 1)
    def _():
        pltpu.sync_copy(acc_sh.at[pl.ds(15 * ROWS_A, ROWS_B)],
                        out_hbm.at[c, pl.ds(15 * ROWS_A, ROWS_B)])


@functools.lru_cache(maxsize=None)
def _msg_kernel():
    return pl.kernel(
        _msg_body,
        out_type=jax.ShapeDtypeStruct((NC, N, D), jnp.float32),
        mesh=_sc_mesh(),
        scratch_types=[
            pltpu.VMEM((8, CHUNK), jnp.int32),
            pltpu.VMEM((8, CHUNK), jnp.int32),
            pltpu.VMEM((4, CHUNK, D), jnp.float32),
            pltpu.SemaphoreType.DMA((4,)),
            pltpu.SemaphoreType.DMA((4,)),
            pltpu.SemaphoreType.DMA((8,)),
            pltpu.VMEM_SHARED((N, D), jnp.float32),
        ],
    )


def _eprep_body(ei_ref, src_ref, dst_ref):
    i = pl.program_id(0)
    col = lax.broadcasted_iota(jnp.int32, (1, EP_BN), 1) + i * EP_BN
    real = col < E
    pcol = col - E
    src_ref[...] = jnp.where(real, ei_ref[0:1, :], N + (pcol & 127))[0]
    dst_ref[...] = jnp.where(real, ei_ref[1:2, :], pcol)[0]


def _eprep(ei):
    return pl.pallas_call(
        _eprep_body,
        grid=(E_PAD // EP_BN,),
        in_specs=[pl.BlockSpec((2, EP_BN), lambda i: (0, i))],
        out_specs=[
            pl.BlockSpec((EP_BN,), lambda i: (i,)),
            pl.BlockSpec((EP_BN,), lambda i: (i,)),
        ],
        out_shape=[
            jax.ShapeDtypeStruct((E_PAD,), jnp.int32),
            jax.ShapeDtypeStruct((E_PAD,), jnp.int32),
        ],
    )(ei)


def _proj_body(x_ref, w_ref, b_ref, zn_ref):
    z = lax.dot_general(
        x_ref[...], w_ref[...], (((1,), (1,)), ((), ())),
        preferred_element_type=jnp.float32,
        precision=lax.Precision.DEFAULT,
    ) + b_ref[...]
    nrm = jnp.sqrt(jnp.sum(z * z, axis=1, keepdims=True))
    zn_ref[...] = z * (SCALE / jnp.maximum(nrm, 1e-12))


def _proj(x, W, b2, bn=2000):
    return pl.pallas_call(
        _proj_body,
        grid=(N // bn,),
        in_specs=[
            pl.BlockSpec((bn, D), lambda i: (i, 0)),
            pl.BlockSpec((D, D), lambda i: (0, 0)),
            pl.BlockSpec((1, D), lambda i: (0, 0)),
        ],
        out_specs=pl.BlockSpec((bn, D), lambda i: (i, 0)),
        out_shape=jax.ShapeDtypeStruct((N, D), jnp.float32),
    )(x, W, b2)


def _scale_body(zn_ref, ds_ref, zs_ref, dinv_ref):
    i = pl.program_id(0)
    rows = lax.broadcasted_iota(jnp.int32, (ZS_BN, 1), 0) + i * ZS_BN
    real = rows < N
    deg = ds_ref[...] + 1.0 - jnp.where(rows < N_PAD, 1.0, 0.0)
    dinv = jnp.where(real, lax.rsqrt(deg), 0.0)
    zs_ref[...] = jnp.where(real, zn_ref[...] * dinv, 0.0)
    dinv_ref[...] = dinv


def _scale(zn, dsum):
    return pl.pallas_call(
        _scale_body,
        grid=(N_ZS // ZS_BN,),
        in_specs=[
            pl.BlockSpec((ZS_BN, D), lambda i: (i, 0)),
            pl.BlockSpec((ZS_BN, 1), lambda i: (i, 0)),
        ],
        out_specs=[
            pl.BlockSpec((ZS_BN, D), lambda i: (i, 0)),
            pl.BlockSpec((ZS_BN, 1), lambda i: (i, 0)),
        ],
        out_shape=[
            jax.ShapeDtypeStruct((N_ZS, D), jnp.float32),
            jax.ShapeDtypeStruct((N_ZS, 1), jnp.float32),
        ],
    )(zn, dsum)


def _comb_body(p_ref, zs_ref, dinv_ref, out_ref):
    out_ref[...] = dinv_ref[...] * (p_ref[0] + p_ref[1] - zs_ref[...])


def _combine(parts, zs, dinv, bn=ZS_BN):
    return pl.pallas_call(
        _comb_body,
        grid=(N_ZS // bn,),
        in_specs=[
            pl.BlockSpec((NC, bn, D), lambda i: (0, i, 0)),
            pl.BlockSpec((bn, D), lambda i: (i, 0)),
            pl.BlockSpec((bn, 1), lambda i: (i, 0)),
        ],
        out_specs=pl.BlockSpec((bn, D), lambda i: (i, 0)),
        out_shape=jax.ShapeDtypeStruct((N, D), jnp.float32),
    )(parts, zs, dinv)


@jax.jit
def kernel(x, edge_index, W, b):
    src1, dst1 = _eprep(edge_index.astype(jnp.int32))

    deg_p = _deg_kernel()(dst1)
    zn = _proj(x, W, b.reshape(1, D))

    dsum = (deg_p[0] + deg_p[1])[:N].reshape(N, 1)
    zs, dinv = _scale(zn, dsum)

    parts = _msg_kernel()(zs, src1, dst1)
    return _combine(parts, zs, dinv)

# --- scband reference (transcript-rebuilt; emitter-appended) ---
"""Pipeline reference for scband-gncnencoder-9766755631465 (READ-ONLY COPY).

The authoritative reference and input builder live on the scoring server;
editing this copy changes nothing except your own understanding.
"""

import jax, jax.numpy as jnp
import numpy as np

N = 10000
E = 320000
D_IN = 128
D_OUT = 128
SCALING_FACTOR = 1.8


def setup_inputs(seed: int = 0) -> dict:
    key = jax.random.key(seed)
    k1, k2, k3, k4 = jax.random.split(key, 4)
    x = jax.random.normal(k1, (N, D_IN), dtype=jnp.float32)
    edge_index = jax.random.randint(k2, (2, E), 0, N)
    # Linear layer params (torch nn.Linear: W [out, in], b [out])
    bound = 1.0 / np.sqrt(D_IN)
    W = jax.random.uniform(k3, (D_OUT, D_IN), dtype=jnp.float32, minval=-bound, maxval=bound)
    b = jax.random.uniform(k4, (D_OUT,), dtype=jnp.float32, minval=-bound, maxval=bound)
    return {"x": x, "edge_index": edge_index, "W": W, "b": b}


def reference(x, edge_index, W, b):
    # z = Linear(x)
    z = x @ W.T + b
    # z = F.normalize(z, p=2, dim=1) * scaling_factor
    nrm = jnp.sqrt(jnp.sum(z * z, axis=1, keepdims=True))
    z = z / jnp.maximum(nrm, 1e-12)
    z = z * SCALING_FACTOR
    # APPNP(K=1, alpha=0): out = A_hat z with GCN symmetric normalization + self-loops
    n = z.shape[0]
    loop = jnp.arange(n, dtype=edge_index.dtype)
    src = jnp.concatenate([edge_index[0], loop])
    dst = jnp.concatenate([edge_index[1], loop])
    deg = jax.ops.segment_sum(jnp.ones_like(dst, dtype=z.dtype), dst, num_segments=n)
    deg_inv_sqrt = jnp.where(deg > 0, 1.0 / jnp.sqrt(deg), 0.0)
    norm = deg_inv_sqrt[src] * deg_inv_sqrt[dst]
    msg = norm[:, None] * jnp.take(z, src, axis=0)
    out = jax.ops.segment_sum(msg, dst, num_segments=n)
    return out

if __name__ == "__main__":
    import jax
    _d = setup_inputs()
    print(jax.jit(kernel)(*tuple(_d.values())))

</pallas_src>

<mosaic_0001>
#map = affine_map<(d0, d1) -> (0, 0)>
#map1 = affine_map<(d0, d1) -> (0)>
#map2 = affine_map<(d0, d1) -> (0, 0, 0)>
module attributes {stable_mosaic.version = 14 : i64} {
  func.func @_msg_body(%arg0: i32, %arg1: i32, %arg2: memref<10240x128xf32, #tpu.memory_space<hbm>>, %arg3: memref<327680xi32, #tpu.memory_space<hbm>>, %arg4: memref<327680xi32, #tpu.memory_space<hbm>>, %arg5: memref<2x10000x128xf32, #tpu.memory_space<hbm>>, %arg6: memref<8x64xi32, #tpu.memory_space<vmem>>, %arg7: memref<8x64xi32, #tpu.memory_space<vmem>>, %arg8: memref<4x64x128xf32, #tpu.memory_space<vmem>>, %arg9: memref<4x!tpu.dma_semaphore, #tpu.memory_space<semaphore_mem>>, %arg10: memref<4x!tpu.dma_semaphore, #tpu.memory_space<semaphore_mem>>, %arg11: memref<8x!tpu.dma_semaphore, #tpu.memory_space<semaphore_mem>>, %arg12: memref<10000x128xf32, #tpu.memory_space<vmem_shared>>) attributes {dimension_semantics = [#tpu.dimension_semantics<core_parallel>, #tpu.dimension_semantics<subcore_parallel>], iteration_bounds = array<i64: 2, 16>, scalar_prefetch = 0 : i64, scratch_operands = 7 : i64, tpu.core_type = #tpu.core_type<sc_vector_subcore>, window_params = [{transform_indices = #map}, {transform_indices = #map1}, {transform_indices = #map1}, {transform_indices = #map2}]} {
    %mul3A = arith.constant 16 : i32
    %mul3A_0 = arith.muli %arg0, %mul3A : i32
    %add3A = arith.addi %mul3A_0, %arg1 : i32
    %mul3A_1 = arith.constant 632 : i32
    %mul3A_2 = arith.muli %arg1, %mul3A_1 : i32
    %mul3A_3 = arith.constant 160 : i32
    %mul3A_4 = arith.muli %add3A, %mul3A_3 : i32
    %mul3A_5 = arith.constant 64 : i32
    %mul3A_6 = arith.muli %mul3A_4, %mul3A_5 : i32
    %lt3A = arith.constant 15 : i32
    %lt3A_7 = arith.cmpi slt, %arg1, %lt3A : i32
    %convert_element_type3A = arith.extui %lt3A_7 : i1 to i32
    %cond3A = arith.constant 0 : i32
    %cond3A_8 = arith.cmpi ne, %convert_element_type3A, %cond3A : i32
    scf.if %cond3A_8 {
      "tpu.region"() ({
        %run_scoped3A_227 = tpu.sem_alloc : memref<!tpu.dma_semaphore, #tpu.memory_space<semaphore_mem>>
        %dma_start3A_228 = arith.constant 0 : i32
        %dma_start3A_229 = tpu.memref_slice %arg12[%mul3A_2, %dma_start3A_228] : memref<10000x128xf32, #tpu.memory_space<vmem_shared>> -> memref<632x128xf32, #tpu.memory_space<vmem_shared>>
        %dma_start3A_230 = arith.constant 0 : i32
        %dma_start3A_231 = tpu.memref_slice %arg2[%mul3A_2, %dma_start3A_230] : memref<10240x128xf32, #tpu.memory_space<hbm>> -> memref<632x128xf32, #tpu.memory_space<hbm>>
        tpu.enqueue_dma source(%dma_start3A_231 : memref<632x128xf32, #tpu.memory_space<hbm>>) target(%dma_start3A_229 : memref<632x128xf32, #tpu.memory_space<vmem_shared>>) target_semaphore(%run_scoped3A_227 : memref<!tpu.dma_semaphore, #tpu.memory_space<semaphore_mem>>)
        %dma_wait3A_232 = arith.constant 0 : i32
        %dma_wait3A_233 = tpu.memref_slice %arg12[%mul3A_2, %dma_wait3A_232] : memref<10000x128xf32, #tpu.memory_space<vmem_shared>> -> memref<632x128xf32, #tpu.memory_space<vmem_shared>>
        %dma_wait3A_234 = arith.constant 0 : i32
        %dma_wait3A_235 = tpu.memref_slice %arg2[%mul3A_2, %dma_wait3A_234] : memref<10240x128xf32, #tpu.memory_space<hbm>> -> memref<632x128xf32, #tpu.memory_space<hbm>>
        tpu.wait_dma2 semaphore(%run_scoped3A_227 : memref<!tpu.dma_semaphore, #tpu.memory_space<semaphore_mem>>) src(%dma_wait3A_235 : memref<632x128xf32, #tpu.memory_space<hbm>>) dst(%dma_wait3A_233 : memref<632x128xf32, #tpu.memory_space<vmem_shared>>)
        tpu.yield
      }) : () -> ()
    } else {
    }
    %eq3A = arith.constant 15 : i32
    %eq3A_9 = arith.cmpi eq, %arg1, %eq3A : i32
    %convert_element_type3A_10 = arith.extui %eq3A_9 : i1 to i32
    %cond3A_11 = arith.constant 0 : i32
    %cond3A_12 = arith.cmpi ne, %convert_element_type3A_10, %cond3A_11 : i32
    scf.if %cond3A_12 {
      "tpu.region"() ({
        %run_scoped3A_227 = tpu.sem_alloc : memref<!tpu.dma_semaphore, #tpu.memory_space<semaphore_mem>>
        %dma_start3A_228 = arith.constant 9480 : i32
        %dma_start3A_229 = arith.constant 0 : i32
        %dma_start3A_230 = tpu.memref_slice %arg12[%dma_start3A_228, %dma_start3A_229] : memref<10000x128xf32, #tpu.memory_space<vmem_shared>> -> memref<520x128xf32, #tpu.memory_space<vmem_shared>>
        %dma_start3A_231 = arith.constant 9480 : i32
        %dma_start3A_232 = arith.constant 0 : i32
        %dma_start3A_233 = tpu.memref_slice %arg2[%dma_start3A_231, %dma_start3A_232] : memref<10240x128xf32, #tpu.memory_space<hbm>> -> memref<520x128xf32, #tpu.memory_space<hbm>>
        tpu.enqueue_dma source(%dma_start3A_233 : memref<520x128xf32, #tpu.memory_space<hbm>>) target(%dma_start3A_230 : memref<520x128xf32, #tpu.memory_space<vmem_shared>>) target_semaphore(%run_scoped3A_227 : memref<!tpu.dma_semaphore, #tpu.memory_space<semaphore_mem>>)
        %dma_wait3A_234 = arith.constant 9480 : i32
        %dma_wait3A_235 = arith.constant 0 : i32
        %dma_wait3A_236 = tpu.memref_slice %arg12[%dma_wait3A_234, %dma_wait3A_235] : memref<10000x128xf32, #tpu.memory_space<vmem_shared>> -> memref<520x128xf32, #tpu.memory_space<vmem_shared>>
        %dma_wait3A_237 = arith.constant 9480 : i32
        %dma_wait3A_238 = arith.constant 0 : i32
        %dma_wait3A_239 = tpu.memref_slice %arg2[%dma_wait3A_237, %dma_wait3A_238] : memref<10240x128xf32, #tpu.memory_space<hbm>> -> memref<520x128xf32, #tpu.memory_space<hbm>>
        tpu.wait_dma2 semaphore(%run_scoped3A_227 : memref<!tpu.dma_semaphore, #tpu.memory_space<semaphore_mem>>) src(%dma_wait3A_239 : memref<520x128xf32, #tpu.memory_space<hbm>>) dst(%dma_wait3A_236 : memref<520x128xf32, #tpu.memory_space<vmem_shared>>)
        tpu.yield
      }) : () -> ()
    } else {
    }
    %run_scoped3A = arith.constant 0 : i32
    "tpu.region"() ({
      %run_scoped3A_227 = tpu.sem_alloc : memref<!tpu.dma_semaphore, #tpu.memory_space<semaphore_mem>>
      %dma_start3A_228 = arith.constant 0 : i32
      %dma_start3A_229 = tpu.memref_slice %arg6[%run_scoped3A, %dma_start3A_228] : memref<8x64xi32, #tpu.memory_space<vmem>> -> memref<1x64xi32, #tpu.memory_space<vmem>>
      %dma_start3A_230 = tpu.memref_squeeze %dma_start3A_229 : memref<1x64xi32, #tpu.memory_space<vmem>> -> memref<64xi32, #tpu.memory_space<vmem>>
      %dma_start3A_231 = tpu.memref_slice %arg3[%mul3A_6] : memref<327680xi32, #tpu.memory_space<hbm>> -> memref<64xi32, #tpu.memory_space<hbm>>
      %dma_start3A_232 = arith.constant 0 : i32
      %dma_start3A_233 = tpu.memref_slice %arg6[%run_scoped3A, %dma_start3A_232] : memref<8x64xi32, #tpu.memory_space<vmem>> -> memref<1x64xi32, #tpu.memory_space<vmem>>
      %dma_start3A_234 = tpu.memref_squeeze %dma_start3A_233 : memref<1x64xi32, #tpu.memory_space<vmem>> -> memref<64xi32, #tpu.memory_space<vmem>>
      %dma_start3A_235 = tpu.memref_slice %arg3[%mul3A_6] : memref<327680xi32, #tpu.memory_space<hbm>> -> memref<64xi32, #tpu.memory_space<hbm>>
      tpu.enqueue_dma source(%dma_start3A_235 : memref<64xi32, #tpu.memory_space<hbm>>) target(%dma_start3A_234 : memref<64xi32, #tpu.memory_space<vmem>>) target_semaphore(%run_scoped3A_227 : memref<!tpu.dma_semaphore, #tpu.memory_space<semaphore_mem>>)
      %dma_wait3A_236 = arith.constant 0 : i32
      %dma_wait3A_237 = tpu.memref_slice %arg6[%run_scoped3A, %dma_wait3A_236] : memref<8x64xi32, #tpu.memory_space<vmem>> -> memref<1x64xi32, #tpu.memory_space<vmem>>
      %dma_wait3A_238 = tpu.memref_squeeze %dma_wait3A_237 : memref<1x64xi32, #tpu.memory_space<vmem>> -> memref<64xi32, #tpu.memory_space<vmem>>
      %dma_wait3A_239 = tpu.memref_slice %arg3[%mul3A_6] : memref<327680xi32, #tpu.memory_space<hbm>> -> memref<64xi32, #tpu.memory_space<hbm>>
      %dma_wait3A_240 = arith.constant 0 : i32
      %dma_wait3A_241 = tpu.memref_slice %arg6[%run_scoped3A, %dma_wait3A_240] : memref<8x64xi32, #tpu.memory_space<vmem>> -> memref<1x64xi32, #tpu.memory_space<vmem>>
      %dma_wait3A_242 = tpu.memref_squeeze %dma_wait3A_241 : memref<1x64xi32, #tpu.memory_space<vmem>> -> memref<64xi32, #tpu.memory_space<vmem>>
      %dma_wait3A_243 = tpu.memref_slice %arg3[%mul3A_6] : memref<327680xi32, #tpu.memory_space<hbm>> -> memref<64xi32, #tpu.memory_space<hbm>>
      tpu.wait_dma2 semaphore(%run_scoped3A_227 : memref<!tpu.dma_semaphore, #tpu.memory_space<semaphore_mem>>) src(%dma_wait3A_243 : memref<64xi32, #tpu.memory_space<hbm>>) dst(%dma_wait3A_242 : memref<64xi32, #tpu.memory_space<vmem>>)
      tpu.yield
    }) : () -> ()
    %run_scoped3A_13 = arith.constant 0 : i32
    "tpu.region"() ({
      %run_scoped3A_227 = tpu.sem_alloc : memref<!tpu.dma_semaphore, #tpu.memory_space<semaphore_mem>>
      %dma_start3A_228 = arith.constant 0 : i32
      %dma_start3A_229 = tpu.memref_slice %arg7[%run_scoped3A_13, %dma_start3A_228] : memref<8x64xi32, #tpu.memory_space<vmem>> -> memref<1x64xi32, #tpu.memory_space<vmem>>
      %dma_start3A_230 = tpu.memref_squeeze %dma_start3A_229 : memref<1x64xi32, #tpu.memory_space<vmem>> -> memref<64xi32, #tpu.memory_space<vmem>>
      %dma_start3A_231 = tpu.memref_slice %arg4[%mul3A_6] : memref<327680xi32, #tpu.memory_space<hbm>> -> memref<64xi32, #tpu.memory_space<hbm>>
      %dma_start3A_232 = arith.constant 0 : i32
      %dma_start3A_233 = tpu.memref_slice %arg7[%run_scoped3A_13, %dma_start3A_232] : memref<8x64xi32, #tpu.memory_space<vmem>> -> memref<1x64xi32, #tpu.memory_space<vmem>>
      %dma_start3A_234 = tpu.memref_squeeze %dma_start3A_233 : memref<1x64xi32, #tpu.memory_space<vmem>> -> memref<64xi32, #tpu.memory_space<vmem>>
      %dma_start3A_235 = tpu.memref_slice %arg4[%mul3A_6] : memref<327680xi32, #tpu.memory_space<hbm>> -> memref<64xi32, #tpu.memory_space<hbm>>
      tpu.enqueue_dma source(%dma_start3A_235 : memref<64xi32, #tpu.memory_space<hbm>>) target(%dma_start3A_234 : memref<64xi32, #tpu.memory_space<vmem>>) target_semaphore(%run_scoped3A_227 : memref<!tpu.dma_semaphore, #tpu.memory_space<semaphore_mem>>)
      %dma_wait3A_236 = arith.constant 0 : i32
      %dma_wait3A_237 = tpu.memref_slice %arg7[%run_scoped3A_13, %dma_wait3A_236] : memref<8x64xi32, #tpu.memory_space<vmem>> -> memref<1x64xi32, #tpu.memory_space<vmem>>
      %dma_wait3A_238 = tpu.memref_squeeze %dma_wait3A_237 : memref<1x64xi32, #tpu.memory_space<vmem>> -> memref<64xi32, #tpu.memory_space<vmem>>
      %dma_wait3A_239 = tpu.memref_slice %arg4[%mul3A_6] : memref<327680xi32, #tpu.memory_space<hbm>> -> memref<64xi32, #tpu.memory_space<hbm>>
      %dma_wait3A_240 = arith.constant 0 : i32
      %dma_wait3A_241 = tpu.memref_slice %arg7[%run_scoped3A_13, %dma_wait3A_240] : memref<8x64xi32, #tpu.memory_space<vmem>> -> memref<1x64xi32, #tpu.memory_space<vmem>>
      %dma_wait3A_242 = tpu.memref_squeeze %dma_wait3A_241 : memref<1x64xi32, #tpu.memory_space<vmem>> -> memref<64xi32, #tpu.memory_space<vmem>>
      %dma_wait3A_243 = tpu.memref_slice %arg4[%mul3A_6] : memref<327680xi32, #tpu.memory_space<hbm>> -> memref<64xi32, #tpu.memory_space<hbm>>
      tpu.wait_dma2 semaphore(%run_scoped3A_227 : memref<!tpu.dma_semaphore, #tpu.memory_space<semaphore_mem>>) src(%dma_wait3A_243 : memref<64xi32, #tpu.memory_space<hbm>>) dst(%dma_wait3A_242 : memref<64xi32, #tpu.memory_space<vmem>>)
      tpu.yield
    }) : () -> ()
    %dma_start3A = arith.constant 0 : i32
    %dma_start3A_14 = arith.constant 0 : i32
    %dma_start3A_15 = arith.constant 0 : i32
    %dma_start3A_16 = arith.constant 0 : i32
    %dma_start3A_17 = arith.constant 0 : i32
    %dma_start3A_18 = tpu.memref_slice %arg8[%dma_start3A_14, %dma_start3A_16, %dma_start3A_17] : memref<4x64x128xf32, #tpu.memory_space<vmem>> -> memref<1x64x128xf32, #tpu.memory_space<vmem>>
    %dma_start3A_19 = tpu.memref_squeeze %dma_start3A_18 : memref<1x64x128xf32, #tpu.memory_space<vmem>> -> memref<64x128xf32, #tpu.memory_space<vmem>>
    %dma_start3A_20 = arith.constant 0 : i32
    %dma_start3A_21 = tpu.memref_slice %arg6[%dma_start3A, %dma_start3A_20] : memref<8x64xi32, #tpu.memory_space<vmem>> -> memref<1x64xi32, #tpu.memory_space<vmem>>
    %dma_start3A_22 = tpu.memref_squeeze %dma_start3A_21 : memref<1x64xi32, #tpu.memory_space<vmem>> -> memref<64xi32, #tpu.memory_space<vmem>>
    %dma_start3A_23 = arith.constant 0 : i32
    %dma_start3A_24 = arith.constant 0 : i32
    %dma_start3A_25 = tpu.memref_slice %arg2[%dma_start3A_23, %dma_start3A_24] : memref<10240x128xf32, #tpu.memory_space<hbm>> -> memref<10240x128xf32, #tpu.memory_space<hbm>>
    %dma_start3A_26 = tpu.memref_slice %arg9[%dma_start3A_15] : memref<4x!tpu.dma_semaphore, #tpu.memory_space<semaphore_mem>> -> memref<1x!tpu.dma_semaphore, #tpu.memory_space<semaphore_mem>>
    %dma_start3A_27 = tpu.memref_squeeze %dma_start3A_26 : memref<1x!tpu.dma_semaphore, #tpu.memory_space<semaphore_mem>> -> memref<!tpu.dma_semaphore, #tpu.memory_space<semaphore_mem>>
    tpu.enqueue_indirect_dma source(%dma_start3A_25 : memref<10240x128xf32, #tpu.memory_space<hbm>>) target(%dma_start3A_19 : memref<64x128xf32, #tpu.memory_space<vmem>>) offsets(%dma_start3A_22 : memref<64xi32, #tpu.memory_space<vmem>>) semaphore(%dma_start3A_27 : memref<!tpu.dma_semaphore, #tpu.memory_space<semaphore_mem>>)
    %add3A_28 = arith.constant 64 : i32
    %add3A_29 = arith.addi %mul3A_6, %add3A_28 : i32
    %dma_start3A_30 = arith.constant 1 : i32
    %dma_start3A_31 = arith.constant 1 : i32
    %dma_start3A_32 = arith.constant 0 : i32
    %dma_start3A_33 = tpu.memref_slice %arg6[%dma_start3A_30, %dma_start3A_32] : memref<8x64xi32, #tpu.memory_space<vmem>> -> memref<1x64xi32, #tpu.memory_space<vmem>>
    %dma_start3A_34 = tpu.memref_squeeze %dma_start3A_33 : memref<1x64xi32, #tpu.memory_space<vmem>> -> memref<64xi32, #tpu.memory_space<vmem>>
    %dma_start3A_35 = tpu.memref_slice %arg3[%add3A_29] : memref<327680xi32, #tpu.memory_space<hbm>> -> memref<64xi32, #tpu.memory_space<hbm>>
    %dma_start3A_36 = tpu.memref_slice %arg11[%dma_start3A_31] : memref<8x!tpu.dma_semaphore, #tpu.memory_space<semaphore_mem>> -> memref<1x!tpu.dma_semaphore, #tpu.memory_space<semaphore_mem>>
    %dma_start3A_37 = tpu.memref_squeeze %dma_start3A_36 : memref<1x!tpu.dma_semaphore, #tpu.memory_space<semaphore_mem>> -> memref<!tpu.dma_semaphore, #tpu.memory_space<semaphore_mem>>
    %dma_start3A_38 = arith.constant 0 : i32
    %dma_start3A_39 = tpu.memref_slice %arg6[%dma_start3A_30, %dma_start3A_38] : memref<8x64xi32, #tpu.memory_space<vmem>> -> memref<1x64xi32, #tpu.memory_space<vmem>>
    %dma_start3A_40 = tpu.memref_squeeze %dma_start3A_39 : memref<1x64xi32, #tpu.memory_space<vmem>> -> memref<64xi32, #tpu.memory_space<vmem>>
    %dma_start3A_41 = tpu.memref_slice %arg3[%add3A_29] : memref<327680xi32, #tpu.memory_space<hbm>> -> memref<64xi32, #tpu.memory_space<hbm>>
    tpu.enqueue_dma source(%dma_start3A_41 : memref<64xi32, #tpu.memory_space<hbm>>) target(%dma_start3A_40 : memref<64xi32, #tpu.memory_space<vmem>>) target_semaphore(%dma_start3A_37 : memref<!tpu.dma_semaphore, #tpu.memory_space<semaphore_mem>>)
    %add3A_42 = arith.constant 64 : i32
    %add3A_43 = arith.addi %mul3A_6, %add3A_42 : i32
    %dma_start3A_44 = arith.constant 1 : i32
    %dma_start3A_45 = arith.constant 1 : i32
    %dma_start3A_46 = arith.constant 0 : i32
    %dma_start3A_47 = tpu.memref_slice %arg7[%dma_start3A_44, %dma_start3A_46] : memref<8x64xi32, #tpu.memory_space<vmem>> -> memref<1x64xi32, #tpu.memory_space<vmem>>
    %dma_start3A_48 = tpu.memref_squeeze %dma_start3A_47 : memref<1x64xi32, #tpu.memory_space<vmem>> -> memref<64xi32, #tpu.memory_space<vmem>>
    %dma_start3A_49 = tpu.memref_slice %arg4[%add3A_43] : memref<327680xi32, #tpu.memory_space<hbm>> -> memref<64xi32, #tpu.memory_space<hbm>>
    %dma_start3A_50 = tpu.memref_slice %arg11[%dma_start3A_45] : memref<8x!tpu.dma_semaphore, #tpu.memory_space<semaphore_mem>> -> memref<1x!tpu.dma_semaphore, #tpu.memory_space<semaphore_mem>>
    %dma_start3A_51 = tpu.memref_squeeze %dma_start3A_50 : memref<1x!tpu.dma_semaphore, #tpu.memory_space<semaphore_mem>> -> memref<!tpu.dma_semaphore, #tpu.memory_space<semaphore_mem>>
    %dma_start3A_52 = arith.constant 0 : i32
    %dma_start3A_53 = tpu.memref_slice %arg7[%dma_start3A_44, %dma_start3A_52] : memref<8x64xi32, #tpu.memory_space<vmem>> -> memref<1x64xi32, #tpu.memory_space<vmem>>
    %dma_start3A_54 = tpu.memref_squeeze %dma_start3A_53 : memref<1x64xi32, #tpu.memory_space<vmem>> -> memref<64xi32, #tpu.memory_space<vmem>>
    %dma_start3A_55 = tpu.memref_slice %arg4[%add3A_43] : memref<327680xi32, #tpu.memory_space<hbm>> -> memref<64xi32, #tpu.memory_space<hbm>>
    tpu.enqueue_dma source(%dma_start3A_55 : memref<64xi32, #tpu.memory_space<hbm>>) target(%dma_start3A_54 : memref<64xi32, #tpu.memory_space<vmem>>) target_semaphore(%dma_start3A_51 : memref<!tpu.dma_semaphore, #tpu.memory_space<semaphore_mem>>)
    %add3A_56 = arith.constant 128 : i32
    %add3A_57 = arith.addi %mul3A_6, %add3A_56 : i32
    %dma_start3A_58 = arith.constant 2 : i32
    %dma_start3A_59 = arith.constant 2 : i32
    %dma_start3A_60 = arith.constant 0 : i32
    %dma_start3A_61 = tpu.memref_slice %arg6[%dma_start3A_58, %dma_start3A_60] : memref<8x64xi32, #tpu.memory_space<vmem>> -> memref<1x64xi32, #tpu.memory_space<vmem>>
    %dma_start3A_62 = tpu.memref_squeeze %dma_start3A_61 : memref<1x64xi32, #tpu.memory_space<vmem>> -> memref<64xi32, #tpu.memory_space<vmem>>
    %dma_start3A_63 = tpu.memref_slice %arg3[%add3A_57] : memref<327680xi32, #tpu.memory_space<hbm>> -> memref<64xi32, #tpu.memory_space<hbm>>
    %dma_start3A_64 = tpu.memref_slice %arg11[%dma_start3A_59] : memref<8x!tpu.dma_semaphore, #tpu.memory_space<semaphore_mem>> -> memref<1x!tpu.dma_semaphore, #tpu.memory_space<semaphore_mem>>
    %dma_start3A_65 = tpu.memref_squeeze %dma_start3A_64 : memref<1x!tpu.dma_semaphore, #tpu.memory_space<semaphore_mem>> -> memref<!tpu.dma_semaphore, #tpu.memory_space<semaphore_mem>>
    %dma_start3A_66 = arith.constant 0 : i32
    %dma_start3A_67 = tpu.memref_slice %arg6[%dma_start3A_58, %dma_start3A_66] : memref<8x64xi32, #tpu.memory_space<vmem>> -> memref<1x64xi32, #tpu.memory_space<vmem>>
    %dma_start3A_68 = tpu.memref_squeeze %dma_start3A_67 : memref<1x64xi32, #tpu.memory_space<vmem>> -> memref<64xi32, #tpu.memory_space<vmem>>
    %dma_start3A_69 = tpu.memref_slice %arg3[%add3A_57] : memref<327680xi32, #tpu.memory_space<hbm>> -> memref<64xi32, #tpu.memory_space<hbm>>
    tpu.enqueue_dma source(%dma_start3A_69 : memref<64xi32, #tpu.memory_space<hbm>>) target(%dma_start3A_68 : memref<64xi32, #tpu.memory_space<vmem>>) target_semaphore(%dma_start3A_65 : memref<!tpu.dma_semaphore, #tpu.memory_space<semaphore_mem>>)
    %add3A_70 = arith.constant 128 : i32
    %add3A_71 = arith.addi %mul3A_6, %add3A_70 : i32
    %dma_start3A_72 = arith.constant 2 : i32
    %dma_start3A_73 = arith.constant 2 : i32
    %dma_start3A_74 = arith.constant 0 : i32
    %dma_start3A_75 = tpu.memref_slice %arg7[%dma_start3A_72, %dma_start3A_74] : memref<8x64xi32, #tpu.memory_space<vmem>> -> memref<1x64xi32, #tpu.memory_space<vmem>>
    %dma_start3A_76 = tpu.memref_squeeze %dma_start3A_75 : memref<1x64xi32, #tpu.memory_space<vmem>> -> memref<64xi32, #tpu.memory_space<vmem>>
    %dma_start3A_77 = tpu.memref_slice %arg4[%add3A_71] : memref<327680xi32, #tpu.memory_space<hbm>> -> memref<64xi32, #tpu.memory_space<hbm>>
    %dma_start3A_78 = tpu.memref_slice %arg11[%dma_start3A_73] : memref<8x!tpu.dma_semaphore, #tpu.memory_space<semaphore_mem>> -> memref<1x!tpu.dma_semaphore, #tpu.memory_space<semaphore_mem>>
    %dma_start3A_79 = tpu.memref_squeeze %dma_start3A_78 : memref<1x!tpu.dma_semaphore, #tpu.memory_space<semaphore_mem>> -> memref<!tpu.dma_semaphore, #tpu.memory_space<semaphore_mem>>
    %dma_start3A_80 = arith.constant 0 : i32
    %dma_start3A_81 = tpu.memref_slice %arg7[%dma_start3A_72, %dma_start3A_80] : memref<8x64xi32, #tpu.memory_space<vmem>> -> memref<1x64xi32, #tpu.memory_space<vmem>>
    %dma_start3A_82 = tpu.memref_squeeze %dma_start3A_81 : memref<1x64xi32, #tpu.memory_space<vmem>> -> memref<64xi32, #tpu.memory_space<vmem>>
    %dma_start3A_83 = tpu.memref_slice %arg4[%add3A_71] : memref<327680xi32, #tpu.memory_space<hbm>> -> memref<64xi32, #tpu.memory_space<hbm>>
    tpu.enqueue_dma source(%dma_start3A_83 : memref<64xi32, #tpu.memory_space<hbm>>) target(%dma_start3A_82 : memref<64xi32, #tpu.memory_space<vmem>>) target_semaphore(%dma_start3A_79 : memref<!tpu.dma_semaphore, #tpu.memory_space<semaphore_mem>>)
    %add3A_84 = arith.constant 192 : i32
    %add3A_85 = arith.addi %mul3A_6, %add3A_84 : i32
    %dma_start3A_86 = arith.constant 3 : i32
    %dma_start3A_87 = arith.constant 3 : i32
    %dma_start3A_88 = arith.constant 0 : i32
    %dma_start3A_89 = tpu.memref_slice %arg6[%dma_start3A_86, %dma_start3A_88] : memref<8x64xi32, #tpu.memory_space<vmem>> -> memref<1x64xi32, #tpu.memory_space<vmem>>
    %dma_start3A_90 = tpu.memref_squeeze %dma_start3A_89 : memref<1x64xi32, #tpu.memory_space<vmem>> -> memref<64xi32, #tpu.memory_space<vmem>>
    %dma_start3A_91 = tpu.memref_slice %arg3[%add3A_85] : memref<327680xi32, #tpu.memory_space<hbm>> -> memref<64xi32, #tpu.memory_space<hbm>>
    %dma_start3A_92 = tpu.memref_slice %arg11[%dma_start3A_87] : memref<8x!tpu.dma_semaphore, #tpu.memory_space<semaphore_mem>> -> memref<1x!tpu.dma_semaphore, #tpu.memory_space<semaphore_mem>>
    %dma_start3A_93 = tpu.memref_squeeze %dma_start3A_92 : memref<1x!tpu.dma_semaphore, #tpu.memory_space<semaphore_mem>> -> memref<!tpu.dma_semaphore, #tpu.memory_space<semaphore_mem>>
    %dma_start3A_94 = arith.constant 0 : i32
    %dma_start3A_95 = tpu.memref_slice %arg6[%dma_start3A_86, %dma_start3A_94] : memref<8x64xi32, #tpu.memory_space<vmem>> -> memref<1x64xi32, #tpu.memory_space<vmem>>
    %dma_start3A_96 = tpu.memref_squeeze %dma_start3A_95 : memref<1x64xi32, #tpu.memory_space<vmem>> -> memref<64xi32, #tpu.memory_space<vmem>>
    %dma_start3A_97 = tpu.memref_slice %arg3[%add3A_85] : memref<327680xi32, #tpu.memory_space<hbm>> -> memref<64xi32, #tpu.memory_space<hbm>>
    tpu.enqueue_dma source(%dma_start3A_97 : memref<64xi32, #tpu.memory_space<hbm>>) target(%dma_start3A_96 : memref<64xi32, #tpu.memory_space<vmem>>) target_semaphore(%dma_start3A_93 : memref<!tpu.dma_semaphore, #tpu.memory_space<semaphore_mem>>)
    %add3A_98 = arith.constant 192 : i32
    %add3A_99 = arith.addi %mul3A_6, %add3A_98 : i32
    %dma_start3A_100 = arith.constant 3 : i32
    %dma_start3A_101 = arith.constant 3 : i32
    %dma_start3A_102 = arith.constant 0 : i32
    %dma_start3A_103 = tpu.memref_slice %arg7[%dma_start3A_100, %dma_start3A_102] : memref<8x64xi32, #tpu.memory_space<vmem>> -> memref<1x64xi32, #tpu.memory_space<vmem>>
    %dma_start3A_104 = tpu.memref_squeeze %dma_start3A_103 : memref<1x64xi32, #tpu.memory_space<vmem>> -> memref<64xi32, #tpu.memory_space<vmem>>
    %dma_start3A_105 = tpu.memref_slice %arg4[%add3A_99] : memref<327680xi32, #tpu.memory_space<hbm>> -> memref<64xi32, #tpu.memory_space<hbm>>
    %dma_start3A_106 = tpu.memref_slice %arg11[%dma_start3A_101] : memref<8x!tpu.dma_semaphore, #tpu.memory_space<semaphore_mem>> -> memref<1x!tpu.dma_semaphore, #tpu.memory_space<semaphore_mem>>
    %dma_start3A_107 = tpu.memref_squeeze %dma_start3A_106 : memref<1x!tpu.dma_semaphore, #tpu.memory_space<semaphore_mem>> -> memref<!tpu.dma_semaphore, #tpu.memory_space<semaphore_mem>>
    %dma_start3A_108 = arith.constant 0 : i32
    %dma_start3A_109 = tpu.memref_slice %arg7[%dma_start3A_100, %dma_start3A_108] : memref<8x64xi32, #tpu.memory_space<vmem>> -> memref<1x64xi32, #tpu.memory_space<vmem>>
    %dma_start3A_110 = tpu.memref_squeeze %dma_start3A_109 : memref<1x64xi32, #tpu.memory_space<vmem>> -> memref<64xi32, #tpu.memory_space<vmem>>
    %dma_start3A_111 = tpu.memref_slice %arg4[%add3A_99] : memref<327680xi32, #tpu.memory_space<hbm>> -> memref<64xi32, #tpu.memory_space<hbm>>
    tpu.enqueue_dma source(%dma_start3A_111 : memref<64xi32, #tpu.memory_space<hbm>>) target(%dma_start3A_110 : memref<64xi32, #tpu.memory_space<vmem>>) target_semaphore(%dma_start3A_107 : memref<!tpu.dma_semaphore, #tpu.memory_space<semaphore_mem>>)
    %add3A_112 = arith.constant 256 : i32
    %add3A_113 = arith.addi %mul3A_6, %add3A_112 : i32
    %dma_start3A_114 = arith.constant 4 : i32
    %dma_start3A_115 = arith.constant 4 : i32
    %dma_start3A_116 = arith.constant 0 : i32
    %dma_start3A_117 = tpu.memref_slice %arg6[%dma_start3A_114, %dma_start3A_116] : memref<8x64xi32, #tpu.memory_space<vmem>> -> memref<1x64xi32, #tpu.memory_space<vmem>>
    %dma_start3A_118 = tpu.memref_squeeze %dma_start3A_117 : memref<1x64xi32, #tpu.memory_space<vmem>> -> memref<64xi32, #tpu.memory_space<vmem>>
    %dma_start3A_119 = tpu.memref_slice %arg3[%add3A_113] : memref<327680xi32, #tpu.memory_space<hbm>> -> memref<64xi32, #tpu.memory_space<hbm>>
    %dma_start3A_120 = tpu.memref_slice %arg11[%dma_start3A_115] : memref<8x!tpu.dma_semaphore, #tpu.memory_space<semaphore_mem>> -> memref<1x!tpu.dma_semaphore, #tpu.memory_space<semaphore_mem>>
    %dma_start3A_121 = tpu.memref_squeeze %dma_start3A_120 : memref<1x!tpu.dma_semaphore, #tpu.memory_space<semaphore_mem>> -> memref<!tpu.dma_semaphore, #tpu.memory_space<semaphore_mem>>
    %dma_start3A_122 = arith.constant 0 : i32
    %dma_start3A_123 = tpu.memref_slice %arg6[%dma_start3A_114, %dma_start3A_122] : memref<8x64xi32, #tpu.memory_space<vmem>> -> memref<1x64xi32, #tpu.memory_space<vmem>>
    %dma_start3A_124 = tpu.memref_squeeze %dma_start3A_123 : memref<1x64xi32, #tpu.memory_space<vmem>> -> memref<64xi32, #tpu.memory_space<vmem>>
    %dma_start3A_125 = tpu.memref_slice %arg3[%add3A_113] : memref<327680xi32, #tpu.memory_space<hbm>> -> memref<64xi32, #tpu.memory_space<hbm>>
    tpu.enqueue_dma source(%dma_start3A_125 : memref<64xi32, #tpu.memory_space<hbm>>) target(%dma_start3A_124 : memref<64xi32, #tpu.memory_space<vmem>>) target_semaphore(%dma_start3A_121 : memref<!tpu.dma_semaphore, #tpu.memory_space<semaphore_mem>>)
    %add3A_126 = arith.constant 256 : i32
    %add3A_127 = arith.addi %mul3A_6, %add3A_126 : i32
    %dma_start3A_128 = arith.constant 4 : i32
    %dma_start3A_129 = arith.constant 4 : i32
    %dma_start3A_130 = arith.constant 0 : i32
    %dma_start3A_131 = tpu.memref_slice %arg7[%dma_start3A_128, %dma_start3A_130] : memref<8x64xi32, #tpu.memory_space<vmem>> -> memref<1x64xi32, #tpu.memory_space<vmem>>
    %dma_start3A_132 = tpu.memref_squeeze %dma_start3A_131 : memref<1x64xi32, #tpu.memory_space<vmem>> -> memref<64xi32, #tpu.memory_space<vmem>>
    %dma_start3A_133 = tpu.memref_slice %arg4[%add3A_127] : memref<327680xi32, #tpu.memory_space<hbm>> -> memref<64xi32, #tpu.memory_space<hbm>>
    %dma_start3A_134 = tpu.memref_slice %arg11[%dma_start3A_129] : memref<8x!tpu.dma_semaphore, #tpu.memory_space<semaphore_mem>> -> memref<1x!tpu.dma_semaphore, #tpu.memory_space<semaphore_mem>>
    %dma_start3A_135 = tpu.memref_squeeze %dma_start3A_134 : memref<1x!tpu.dma_semaphore, #tpu.memory_space<semaphore_mem>> -> memref<!tpu.dma_semaphore, #tpu.memory_space<semaphore_mem>>
    %dma_start3A_136 = arith.constant 0 : i32
    %dma_start3A_137 = tpu.memref_slice %arg7[%dma_start3A_128, %dma_start3A_136] : memref<8x64xi32, #tpu.memory_space<vmem>> -> memref<1x64xi32, #tpu.memory_space<vmem>>
    %dma_start3A_138 = tpu.memref_squeeze %dma_start3A_137 : memref<1x64xi32, #tpu.memory_space<vmem>> -> memref<64xi32, #tpu.memory_space<vmem>>
    %dma_start3A_139 = tpu.memref_slice %arg4[%add3A_127] : memref<327680xi32, #tpu.memory_space<hbm>> -> memref<64xi32, #tpu.memory_space<hbm>>
    tpu.enqueue_dma source(%dma_start3A_139 : memref<64xi32, #tpu.memory_space<hbm>>) target(%dma_start3A_138 : memref<64xi32, #tpu.memory_space<vmem>>) target_semaphore(%dma_start3A_135 : memref<!tpu.dma_semaphore, #tpu.memory_space<semaphore_mem>>)
    %add3A_140 = arith.constant 64 : i32
    %add3A_141 = arith.addi %mul3A_6, %add3A_140 : i32
    %dma_wait3A = arith.constant 1 : i32
    %dma_wait3A_142 = arith.constant 1 : i32
    %dma_wait3A_143 = arith.constant 0 : i32
    %dma_wait3A_144 = tpu.memref_slice %arg6[%dma_wait3A, %dma_wait3A_143] : memref<8x64xi32, #tpu.memory_space<vmem>> -> memref<1x64xi32, #tpu.memory_space<vmem>>
    %dma_wait3A_145 = tpu.memref_squeeze %dma_wait3A_144 : memref<1x64xi32, #tpu.memory_space<vmem>> -> memref<64xi32, #tpu.memory_space<vmem>>
    %dma_wait3A_146 = tpu.memref_slice %arg3[%add3A_141] : memref<327680xi32, #tpu.memory_space<hbm>> -> memref<64xi32, #tpu.memory_space<hbm>>
    %dma_wait3A_147 = tpu.memref_slice %arg11[%dma_wait3A_142] : memref<8x!tpu.dma_semaphore, #tpu.memory_space<semaphore_mem>> -> memref<1x!tpu.dma_semaphore, #tpu.memory_space<semaphore_mem>>
    %dma_wait3A_148 = tpu.memref_squeeze %dma_wait3A_147 : memref<1x!tpu.dma_semaphore, #tpu.memory_space<semaphore_mem>> -> memref<!tpu.dma_semaphore, #tpu.memory_space<semaphore_mem>>
    %dma_wait3A_149 = arith.constant 0 : i32
    %dma_wait3A_150 = tpu.memref_slice %arg6[%dma_wait3A, %dma_wait3A_149] : memref<8x64xi32, #tpu.memory_space<vmem>> -> memref<1x64xi32, #tpu.memory_space<vmem>>
    %dma_wait3A_151 = tpu.memref_squeeze %dma_wait3A_150 : memref<1x64xi32, #tpu.memory_space<vmem>> -> memref<64xi32, #tpu.memory_space<vmem>>
    %dma_wait3A_152 = tpu.memref_slice %arg3[%add3A_141] : memref<327680xi32, #tpu.memory_space<hbm>> -> memref<64xi32, #tpu.memory_space<hbm>>
    tpu.wait_dma2 semaphore(%dma_wait3A_148 : memref<!tpu.dma_semaphore, #tpu.memory_space<semaphore_mem>>) src(%dma_wait3A_152 : memref<64xi32, #tpu.memory_space<hbm>>) dst(%dma_wait3A_151 : memref<64xi32, #tpu.memory_space<vmem>>)
    %add3A_153 = arith.constant 64 : i32
    %add3A_154 = arith.addi %mul3A_6, %add3A_153 : i32
    %dma_wait3A_155 = arith.constant 1 : i32
    %dma_wait3A_156 = arith.constant 1 : i32
    %dma_wait3A_157 = arith.constant 0 : i32
    %dma_wait3A_158 = tpu.memref_slice %arg7[%dma_wait3A_155, %dma_wait3A_157] : memref<8x64xi32, #tpu.memory_space<vmem>> -> memref<1x64xi32, #tpu.memory_space<vmem>>
    %dma_wait3A_159 = tpu.memref_squeeze %dma_wait3A_158 : memref<1x64xi32, #tpu.memory_space<vmem>> -> memref<64xi32, #tpu.memory_space<vmem>>
    %dma_wait3A_160 = tpu.memref_slice %arg4[%add3A_154] : memref<327680xi32, #tpu.memory_space<hbm>> -> memref<64xi32, #tpu.memory_space<hbm>>
    %dma_wait3A_161 = tpu.memref_slice %arg11[%dma_wait3A_156] : memref<8x!tpu.dma_semaphore, #tpu.memory_space<semaphore_mem>> -> memref<1x!tpu.dma_semaphore, #tpu.memory_space<semaphore_mem>>
    %dma_wait3A_162 = tpu.memref_squeeze %dma_wait3A_161 : memref<1x!tpu.dma_semaphore, #tpu.memory_space<semaphore_mem>> -> memref<!tpu.dma_semaphore, #tpu.memory_space<semaphore_mem>>
    %dma_wait3A_163 = arith.constant 0 : i32
    %dma_wait3A_164 = tpu.memref_slice %arg7[%dma_wait3A_155, %dma_wait3A_163] : memref<8x64xi32, #tpu.memory_space<vmem>> -> memref<1x64xi32, #tpu.memory_space<vmem>>
    %dma_wait3A_165 = tpu.memref_squeeze %dma_wait3A_164 : memref<1x64xi32, #tpu.memory_space<vmem>> -> memref<64xi32, #tpu.memory_space<vmem>>
    %dma_wait3A_166 = tpu.memref_slice %arg4[%add3A_154] : memref<327680xi32, #tpu.memory_space<hbm>> -> memref<64xi32, #tpu.memory_space<hbm>>
    tpu.wait_dma2 semaphore(%dma_wait3A_162 : memref<!tpu.dma_semaphore, #tpu.memory_space<semaphore_mem>>) src(%dma_wait3A_166 : memref<64xi32, #tpu.memory_space<hbm>>) dst(%dma_wait3A_165 : memref<64xi32, #tpu.memory_space<vmem>>)
    %dma_start3A_167 = arith.constant 1 : i32
    %dma_start3A_168 = arith.constant 1 : i32
    %dma_start3A_169 = arith.constant 1 : i32
    %dma_start3A_170 = arith.constant 0 : i32
    %dma_start3A_171 = arith.constant 0 : i32
    %dma_start3A_172 = tpu.memref_slice %arg8[%dma_start3A_168, %dma_start3A_170, %dma_start3A_171] : memref<4x64x128xf32, #tpu.memory_space<vmem>> -> memref<1x64x128xf32, #tpu.memory_space<vmem>>
    %dma_start3A_173 = tpu.memref_squeeze %dma_start3A_172 : memref<1x64x128xf32, #tpu.memory_space<vmem>> -> memref<64x128xf32, #tpu.memory_space<vmem>>
    %dma_start3A_174 = arith.constant 0 : i32
    %dma_start3A_175 = tpu.memref_slice %arg6[%dma_start3A_167, %dma_start3A_174] : memref<8x64xi32, #tpu.memory_space<vmem>> -> memref<1x64xi32, #tpu.memory_space<vmem>>
    %dma_start3A_176 = tpu.memref_squeeze %dma_start3A_175 : memref<1x64xi32, #tpu.memory_space<vmem>> -> memref<64xi32, #tpu.memory_space<vmem>>
    %dma_start3A_177 = arith.constant 0 : i32
    %dma_start3A_178 = arith.constant 0 : i32
    %dma_start3A_179 = tpu.memref_slice %arg2[%dma_start3A_177, %dma_start3A_178] : memref<10240x128xf32, #tpu.memory_space<hbm>> -> memref<10240x128xf32, #tpu.memory_space<hbm>>
    %dma_start3A_180 = tpu.memref_slice %arg9[%dma_start3A_169] : memref<4x!tpu.dma_semaphore, #tpu.memory_space<semaphore_mem>> -> memref<1x!tpu.dma_semaphore, #tpu.memory_space<semaphore_mem>>
    %dma_start3A_181 = tpu.memref_squeeze %dma_start3A_180 : memref<1x!tpu.dma_semaphore, #tpu.memory_space<semaphore_mem>> -> memref<!tpu.dma_semaphore, #tpu.memory_space<semaphore_mem>>
    tpu.enqueue_indirect_dma source(%dma_start3A_179 : memref<10240x128xf32, #tpu.memory_space<hbm>>) target(%dma_start3A_173 : memref<64x128xf32, #tpu.memory_space<vmem>>) offsets(%dma_start3A_176 : memref<64xi32, #tpu.memory_space<vmem>>) semaphore(%dma_start3A_181 : memref<!tpu.dma_semaphore, #tpu.memory_space<semaphore_mem>>)
    %barrier3A = arith.constant 0 : index
    tpu.barrier barrier_id(%barrier3A)
    %scan3A = arith.constant 0 : i32
    %scan3A_182 = arith.constant 20 : i32
    %scan3A_183 = arith.addi %scan3A, %scan3A_182 : i32
    %scan3A_184 = arith.constant 1 : i32
    scf.for %scan3A_227 = %scan3A to %scan3A_183 step %scan3A_184  : i32 {
      %mul3A_228 = arith.constant 8 : i32
      %mul3A_229 = arith.muli %scan3A_227, %mul3A_228 : i32
      %add3A_230 = arith.constant 0 : i32
      %add3A_231 = arith.addi %add3A_230, %mul3A_229 : i32
      %add3A_232 = arith.constant 0 : i32
      %add3A_233 = arith.addi %add3A_231, %add3A_232 : i32
      %dma_wait3A_234 = arith.constant 0 : i32
      %dma_wait3A_235 = arith.constant 0 : i32
      %dma_wait3A_236 = arith.constant 0 : i32
      %dma_wait3A_237 = arith.constant 0 : i32
      %dma_wait3A_238 = arith.constant 0 : i32
      %dma_wait3A_239 = tpu.memref_slice %arg8[%dma_wait3A_235, %dma_wait3A_237, %dma_wait3A_238] : memref<4x64x128xf32, #tpu.memory_space<vmem>> -> memref<1x64x128xf32, #tpu.memory_space<vmem>>
      %dma_wait3A_240 = tpu.memref_squeeze %dma_wait3A_239 : memref<1x64x128xf32, #tpu.memory_space<vmem>> -> memref<64x128xf32, #tpu.memory_space<vmem>>
      %dma_wait3A_241 = arith.constant 0 : i32
      %dma_wait3A_242 = tpu.memref_slice %arg6[%dma_wait3A_234, %dma_wait3A_241] : memref<8x64xi32, #tpu.memory_space<vmem>> -> memref<1x64xi32, #tpu.memory_space<vmem>>
      %dma_wait3A_243 = tpu.memref_squeeze %dma_wait3A_242 : memref<1x64xi32, #tpu.memory_space<vmem>> -> memref<64xi32, #tpu.memory_space<vmem>>
      %dma_wait3A_244 = arith.constant 0 : i32
      %dma_wait3A_245 = arith.constant 0 : i32
      %dma_wait3A_246 = tpu.memref_slice %arg2[%dma_wait3A_244, %dma_wait3A_245] : memref<10240x128xf32, #tpu.memory_space<hbm>> -> memref<10240x128xf32, #tpu.memory_space<hbm>>
      %dma_wait3A_247 = tpu.memref_slice %arg9[%dma_wait3A_236] : memref<4x!tpu.dma_semaphore, #tpu.memory_space<semaphore_mem>> -> memref<1x!tpu.dma_semaphore, #tpu.memory_space<semaphore_mem>>
      %dma_wait3A_248 = tpu.memref_squeeze %dma_wait3A_247 : memref<1x!tpu.dma_semaphore, #tpu.memory_space<semaphore_mem>> -> memref<!tpu.dma_semaphore, #tpu.memory_space<semaphore_mem>>
      tpu.wait_indirect_dma semaphore(%dma_wait3A_248 : memref<!tpu.dma_semaphore, #tpu.memory_space<semaphore_mem>>) src(%dma_wait3A_246 : memref<10240x128xf32, #tpu.memory_space<hbm>>) dst(%dma_wait3A_240 : memref<64x128xf32, #tpu.memory_space<vmem>>)
      %dma_start3A_249 = arith.constant 0 : i32
      %dma_start3A_250 = arith.constant 0 : i32
      %dma_start3A_251 = arith.constant 0 : i32
      %dma_start3A_252 = arith.constant 0 : i32
      %dma_start3A_253 = arith.constant 0 : i32
      %dma_start3A_254 = tpu.memref_slice %arg8[%dma_start3A_249, %dma_start3A_252, %dma_start3A_253] : memref<4x64x128xf32, #tpu.memory_space<vmem>> -> memref<1x64x128xf32, #tpu.memory_space<vmem>>
      %dma_start3A_255 = tpu.memref_squeeze %dma_start3A_254 : memref<1x64x128xf32, #tpu.memory_space<vmem>> -> memref<64x128xf32, #tpu.memory_space<vmem>>
      %dma_start3A_256 = arith.constant 0 : i32
      %dma_start3A_257 = tpu.memref_slice %arg7[%dma_start3A_250, %dma_start3A_256] : memref<8x64xi32, #tpu.memory_space<vmem>> -> memref<1x64xi32, #tpu.memory_space<vmem>>
      %dma_start3A_258 = tpu.memref_squeeze %dma_start3A_257 : memref<1x64xi32, #tpu.memory_space<vmem>> -> memref<64xi32, #tpu.memory_space<vmem>>
      %dma_start3A_259 = arith.constant 0 : i32
      %dma_start3A_260 = arith.constant 0 : i32
      %dma_start3A_261 = tpu.memref_slice %arg12[%dma_start3A_259, %dma_start3A_260] : memref<10000x128xf32, #tpu.memory_space<vmem_shared>> -> memref<10000x128xf32, #tpu.memory_space<vmem_shared>>
      %dma_start3A_262 = tpu.memref_slice %arg10[%dma_start3A_251] : memref<4x!tpu.dma_semaphore, #tpu.memory_space<semaphore_mem>> -> memref<1x!tpu.dma_semaphore, #tpu.memory_space<semaphore_mem>>
      %dma_start3A_263 = tpu.memref_squeeze %dma_start3A_262 : memref<1x!tpu.dma_semaphore, #tpu.memory_space<semaphore_mem>> -> memref<!tpu.dma_semaphore, #tpu.memory_space<semaphore_mem>>
      tpu.enqueue_indirect_dma source(%dma_start3A_255 : memref<64x128xf32, #tpu.memory_space<vmem>>) target(%dma_start3A_261 : memref<10000x128xf32, #tpu.memory_space<vmem_shared>>) offsets(%dma_start3A_258 : memref<64xi32, #tpu.memory_space<vmem>>) semaphore(%dma_start3A_263 : memref<!tpu.dma_semaphore, #tpu.memory_space<semaphore_mem>>) {add = true}
      %ge3A = arith.constant 2 : i32
      %ge3A_264 = arith.cmpi sge, %add3A_233, %ge3A : i32
      %convert_element_type3A_265 = arith.extui %ge3A_264 : i1 to i32
      %cond3A_266 = arith.constant 0 : i32
      %cond3A_267 = arith.cmpi ne, %convert_element_type3A_265, %cond3A_266 : i32
      scf.if %cond3A_267 {
        %dma_wait3A_699 = arith.constant 2 : i32
        %dma_wait3A_700 = arith.constant 6 : i32
        %dma_wait3A_701 = arith.constant 2 : i32
        %dma_wait3A_702 = arith.constant 0 : i32
        %dma_wait3A_703 = arith.constant 0 : i32
        %dma_wait3A_704 = tpu.memref_slice %arg8[%dma_wait3A_699, %dma_wait3A_702, %dma_wait3A_703] : memref<4x64x128xf32, #tpu.memory_space<vmem>> -> memref<1x64x128xf32, #tpu.memory_space<vmem>>
        %dma_wait3A_705 = tpu.memref_squeeze %dma_wait3A_704 : memref<1x64x128xf32, #tpu.memory_space<vmem>> -> memref<64x128xf32, #tpu.memory_space<vmem>>
        %dma_wait3A_706 = arith.constant 0 : i32
        %dma_wait3A_707 = tpu.memref_slice %arg7[%dma_wait3A_700, %dma_wait3A_706] : memref<8x64xi32, #tpu.memory_space<vmem>> -> memref<1x64xi32, #tpu.memory_space<vmem>>
        %dma_wait3A_708 = tpu.memref_squeeze %dma_wait3A_707 : memref<1x64xi32, #tpu.memory_space<vmem>> -> memref<64xi32, #tpu.memory_space<vmem>>
        %dma_wait3A_709 = arith.constant 0 : i32
        %dma_wait3A_710 = arith.constant 0 : i32
        %dma_wait3A_711 = tpu.memref_slice %arg12[%dma_wait3A_709, %dma_wait3A_710] : memref<10000x128xf32, #tpu.memory_space<vmem_shared>> -> memref<10000x128xf32, #tpu.memory_space<vmem_shared>>
        %dma_wait3A_712 = tpu.memref_slice %arg10[%dma_wait3A_701] : memref<4x!tpu.dma_semaphore, #tpu.memory_space<semaphore_mem>> -> memref<1x!tpu.dma_semaphore, #tpu.memory_space<semaphore_mem>>
        %dma_wait3A_713 = tpu.memref_squeeze %dma_wait3A_712 : memref<1x!tpu.dma_semaphore, #tpu.memory_space<semaphore_mem>> -> memref<!tpu.dma_semaphore, #tpu.memory_space<semaphore_mem>>
        tpu.wait_indirect_dma semaphore(%dma_wait3A_713 : memref<!tpu.dma_semaphore, #tpu.memory_space<semaphore_mem>>) src(%dma_wait3A_705 : memref<64x128xf32, #tpu.memory_space<vmem>>) dst(%dma_wait3A_711 : memref<10000x128xf32, #tpu.memory_space<vmem_shared>>)
      } else {
      }
      %add3A_268 = arith.constant 2 : i32
      %add3A_269 = arith.addi %add3A_233, %add3A_268 : i32
      %lt3A_270 = arith.constant 160 : i32
      %lt3A_271 = arith.cmpi slt, %add3A_269, %lt3A_270 : i32
      %convert_element_type3A_272 = arith.extui %lt3A_271 : i1 to i32
      %cond3A_273 = arith.constant 0 : i32
      %cond3A_274 = arith.cmpi ne, %convert_element_type3A_272, %cond3A_273 : i32
      scf.if %cond3A_274 {
        %add3A_699 = arith.constant 2 : i32
        %add3A_700 = arith.addi %add3A_233, %add3A_699 : i32
        %mul3A_701 = arith.constant 64 : i32
        %mul3A_702 = arith.muli %add3A_700, %mul3A_701 : i32
        %add3A_703 = arith.addi %mul3A_6, %mul3A_702 : i32
        %dma_wait3A_704 = arith.constant 2 : i32
        %dma_wait3A_705 = arith.constant 2 : i32
        %dma_wait3A_706 = arith.constant 0 : i32
        %dma_wait3A_707 = tpu.memref_slice %arg6[%dma_wait3A_704, %dma_wait3A_706] : memref<8x64xi32, #tpu.memory_space<vmem>> -> memref<1x64xi32, #tpu.memory_space<vmem>>
        %dma_wait3A_708 = tpu.memref_squeeze %dma_wait3A_707 : memref<1x64xi32, #tpu.memory_space<vmem>> -> memref<64xi32, #tpu.memory_space<vmem>>
        %dma_wait3A_709 = tpu.memref_slice %arg3[%add3A_703] : memref<327680xi32, #tpu.memory_space<hbm>> -> memref<64xi32, #tpu.memory_space<hbm>>
        %dma_wait3A_710 = tpu.memref_slice %arg11[%dma_wait3A_705] : memref<8x!tpu.dma_semaphore, #tpu.memory_space<semaphore_mem>> -> memref<1x!tpu.dma_semaphore, #tpu.memory_space<semaphore_mem>>
        %dma_wait3A_711 = tpu.memref_squeeze %dma_wait3A_710 : memref<1x!tpu.dma_semaphore, #tpu.memory_space<semaphore_mem>> -> memref<!tpu.dma_semaphore, #tpu.memory_space<semaphore_mem>>
        %dma_wait3A_712 = arith.constant 0 : i32
        %dma_wait3A_713 = tpu.memref_slice %arg6[%dma_wait3A_704, %dma_wait3A_712] : memref<8x64xi32, #tpu.memory_space<vmem>> -> memref<1x64xi32, #tpu.memory_space<vmem>>
        %dma_wait3A_714 = tpu.memref_squeeze %dma_wait3A_713 : memref<1x64xi32, #tpu.memory_space<vmem>> -> memref<64xi32, #tpu.memory_space<vmem>>
        %dma_wait3A_715 = tpu.memref_slice %arg3[%add3A_703] : memref<327680xi32, #tpu.memory_space<hbm>> -> memref<64xi32, #tpu.memory_space<hbm>>
        tpu.wait_dma2 semaphore(%dma_wait3A_711 : memref<!tpu.dma_semaphore, #tpu.memory_space<semaphore_mem>>) src(%dma_wait3A_715 : memref<64xi32, #tpu.memory_space<hbm>>) dst(%dma_wait3A_714 : memref<64xi32, #tpu.memory_space<vmem>>)
        %mul3A_716 = arith.constant 64 : i32
        %mul3A_717 = arith.muli %add3A_700, %mul3A_716 : i32
        %add3A_718 = arith.addi %mul3A_6, %mul3A_717 : i32
        %dma_wait3A_719 = arith.constant 2 : i32
        %dma_wait3A_720 = arith.constant 2 : i32
        %dma_wait3A_721 = arith.constant 0 : i32
        %dma_wait3A_722 = tpu.memref_slice %arg7[%dma_wait3A_719, %dma_wait3A_721] : memref<8x64xi32, #tpu.memory_space<vmem>> -> memref<1x64xi32, #tpu.memory_space<vmem>>
        %dma_wait3A_723 = tpu.memref_squeeze %dma_wait3A_722 : memref<1x64xi32, #tpu.memory_space<vmem>> -> memref<64xi32, #tpu.memory_space<vmem>>
        %dma_wait3A_724 = tpu.memref_slice %arg4[%add3A_718] : memref<327680xi32, #tpu.memory_space<hbm>> -> memref<64xi32, #tpu.memory_space<hbm>>
        %dma_wait3A_725 = tpu.memref_slice %arg11[%dma_wait3A_720] : memref<8x!tpu.dma_semaphore, #tpu.memory_space<semaphore_mem>> -> memref<1x!tpu.dma_semaphore, #tpu.memory_space<semaphore_mem>>
        %dma_wait3A_726 = tpu.memref_squeeze %dma_wait3A_725 : memref<1x!tpu.dma_semaphore, #tpu.memory_space<semaphore_mem>> -> memref<!tpu.dma_semaphore, #tpu.memory_space<semaphore_mem>>
        %dma_wait3A_727 = arith.constant 0 : i32
        %dma_wait3A_728 = tpu.memref_slice %arg7[%dma_wait3A_719, %dma_wait3A_727] : memref<8x64xi32, #tpu.memory_space<vmem>> -> memref<1x64xi32, #tpu.memory_space<vmem>>
        %dma_wait3A_729 = tpu.memref_squeeze %dma_wait3A_728 : memref<1x64xi32, #tpu.memory_space<vmem>> -> memref<64xi32, #tpu.memory_space<vmem>>
        %dma_wait3A_730 = tpu.memref_slice %arg4[%add3A_718] : memref<327680xi32, #tpu.memory_space<hbm>> -> memref<64xi32, #tpu.memory_space<hbm>>
        tpu.wait_dma2 semaphore(%dma_wait3A_726 : memref<!tpu.dma_semaphore, #tpu.memory_space<semaphore_mem>>) src(%dma_wait3A_730 : memref<64xi32, #tpu.memory_space<hbm>>) dst(%dma_wait3A_729 : memref<64xi32, #tpu.memory_space<vmem>>)
        %dma_start3A_731 = arith.constant 2 : i32
        %dma_start3A_732 = arith.constant 2 : i32
        %dma_start3A_733 = arith.constant 2 : i32
        %dma_start3A_734 = arith.constant 0 : i32
        %dma_start3A_735 = arith.constant 0 : i32
        %dma_start3A_736 = tpu.memref_slice %arg8[%dma_start3A_732, %dma_start3A_734, %dma_start3A_735] : memref<4x64x128xf32, #tpu.memory_space<vmem>> -> memref<1x64x128xf32, #tpu.memory_space<vmem>>
        %dma_start3A_737 = tpu.memref_squeeze %dma_start3A_736 : memref<1x64x128xf32, #tpu.memory_space<vmem>> -> memref<64x128xf32, #tpu.memory_space<vmem>>
        %dma_start3A_738 = arith.constant 0 : i32
        %dma_start3A_739 = tpu.memref_slice %arg6[%dma_start3A_731, %dma_start3A_738] : memref<8x64xi32, #tpu.memory_space<vmem>> -> memref<1x64xi32, #tpu.memory_space<vmem>>
        %dma_start3A_740 = tpu.memref_squeeze %dma_start3A_739 : memref<1x64xi32, #tpu.memory_space<vmem>> -> memref<64xi32, #tpu.memory_space<vmem>>
        %dma_start3A_741 = arith.constant 0 : i32
        %dma_start3A_742 = arith.constant 0 : i32
        %dma_start3A_743 = tpu.memref_slice %arg2[%dma_start3A_741, %dma_start3A_742] : memref<10240x128xf32, #tpu.memory_space<hbm>> -> memref<10240x128xf32, #tpu.memory_space<hbm>>
        %dma_start3A_744 = tpu.memref_slice %arg9[%dma_start3A_733] : memref<4x!tpu.dma_semaphore, #tpu.memory_space<semaphore_mem>> -> memref<1x!tpu.dma_semaphore, #tpu.memory_space<semaphore_mem>>
        %dma_start3A_745 = tpu.memref_squeeze %dma_start3A_744 : memref<1x!tpu.dma_semaphore, #tpu.memory_space<semaphore_mem>> -> memref<!tpu.dma_semaphore, #tpu.memory_space<semaphore_mem>>
        tpu.enqueue_indirect_dma source(%dma_start3A_743 : memref<10240x128xf32, #tpu.memory_space<hbm>>) target(%dma_start3A_737 : memref<64x128xf32, #tpu.memory_space<vmem>>) offsets(%dma_start3A_740 : memref<64xi32, #tpu.memory_space<vmem>>) semaphore(%dma_start3A_745 : memref<!tpu.dma_semaphore, #tpu.memory_space<semaphore_mem>>)
      } else {
      }
      %add3A_275 = arith.constant 5 : i32
      %add3A_276 = arith.addi %add3A_233, %add3A_275 : i32
      %lt3A_277 = arith.constant 160 : i32
      %lt3A_278 = arith.cmpi slt, %add3A_276, %lt3A_277 : i32
      %convert_element_type3A_279 = arith.extui %lt3A_278 : i1 to i32
      %cond3A_280 = arith.constant 0 : i32
      %cond3A_281 = arith.cmpi ne, %convert_element_type3A_279, %cond3A_280 : i32
      scf.if %cond3A_281 {
        %add3A_699 = arith.constant 5 : i32
        %add3A_700 = arith.addi %add3A_233, %add3A_699 : i32
        %mul3A_701 = arith.constant 64 : i32
        %mul3A_702 = arith.muli %add3A_700, %mul3A_701 : i32
        %add3A_703 = arith.addi %mul3A_6, %mul3A_702 : i32
        %dma_start3A_704 = arith.constant 5 : i32
        %dma_start3A_705 = arith.constant 5 : i32
        %dma_start3A_706 = arith.constant 0 : i32
        %dma_start3A_707 = tpu.memref_slice %arg6[%dma_start3A_704, %dma_start3A_706] : memref<8x64xi32, #tpu.memory_space<vmem>> -> memref<1x64xi32, #tpu.memory_space<vmem>>
        %dma_start3A_708 = tpu.memref_squeeze %dma_start3A_707 : memref<1x64xi32, #tpu.memory_space<vmem>> -> memref<64xi32, #tpu.memory_space<vmem>>
        %dma_start3A_709 = tpu.memref_slice %arg3[%add3A_703] : memref<327680xi32, #tpu.memory_space<hbm>> -> memref<64xi32, #tpu.memory_space<hbm>>
        %dma_start3A_710 = tpu.memref_slice %arg11[%dma_start3A_705] : memref<8x!tpu.dma_semaphore, #tpu.memory_space<semaphore_mem>> -> memref<1x!tpu.dma_semaphore, #tpu.memory_space<semaphore_mem>>
        %dma_start3A_711 = tpu.memref_squeeze %dma_start3A_710 : memref<1x!tpu.dma_semaphore, #tpu.memory_space<semaphore_mem>> -> memref<!tpu.dma_semaphore, #tpu.memory_space<semaphore_mem>>
        %dma_start3A_712 = arith.constant 0 : i32
        %dma_start3A_713 = tpu.memref_slice %arg6[%dma_start3A_704, %dma_start3A_712] : memref<8x64xi32, #tpu.memory_space<vmem>> -> memref<1x64xi32, #tpu.memory_space<vmem>>
        %dma_start3A_714 = tpu.memref_squeeze %dma_start3A_713 : memref<1x64xi32, #tpu.memory_space<vmem>> -> memref<64xi32, #tpu.memory_space<vmem>>
        %dma_start3A_715 = tpu.memref_slice %arg3[%add3A_703] : memref<327680xi32, #tpu.memory_space<hbm>> -> memref<64xi32, #tpu.memory_space<hbm>>
        tpu.enqueue_dma source(%dma_start3A_715 : memref<64xi32, #tpu.memory_space<hbm>>) target(%dma_start3A_714 : memref<64xi32, #tpu.memory_space<vmem>>) target_semaphore(%dma_start3A_711 : memref<!tpu.dma_semaphore, #tpu.memory_space<semaphore_mem>>)
        %mul3A_716 = arith.constant 64 : i32
        %mul3A_717 = arith.muli %add3A_700, %mul3A_716 : i32
        %add3A_718 = arith.addi %mul3A_6, %mul3A_717 : i32
        %dma_start3A_719 = arith.constant 5 : i32
        %dma_start3A_720 = arith.constant 5 : i32
        %dma_start3A_721 = arith.constant 0 : i32
        %dma_start3A_722 = tpu.memref_slice %arg7[%dma_start3A_719, %dma_start3A_721] : memref<8x64xi32, #tpu.memory_space<vmem>> -> memref<1x64xi32, #tpu.memory_space<vmem>>
        %dma_start3A_723 = tpu.memref_squeeze %dma_start3A_722 : memref<1x64xi32, #tpu.memory_space<vmem>> -> memref<64xi32, #tpu.memory_space<vmem>>
        %dma_start3A_724 = tpu.memref_slice %arg4[%add3A_718] : memref<327680xi32, #tpu.memory_space<hbm>> -> memref<64xi32, #tpu.memory_space<hbm>>
        %dma_start3A_725 = tpu.memref_slice %arg11[%dma_start3A_720] : memref<8x!tpu.dma_semaphore, #tpu.memory_space<semaphore_mem>> -> memref<1x!tpu.dma_semaphore, #tpu.memory_space<semaphore_mem>>
        %dma_start3A_726 = tpu.memref_squeeze %dma_start3A_725 : memref<1x!tpu.dma_semaphore, #tpu.memory_space<semaphore_mem>> -> memref<!tpu.dma_semaphore, #tpu.memory_space<semaphore_mem>>
        %dma_start3A_727 = arith.constant 0 : i32
        %dma_start3A_728 = tpu.memref_slice %arg7[%dma_start3A_719, %dma_start3A_727] : memref<8x64xi32, #tpu.memory_space<vmem>> -> memref<1x64xi32, #tpu.memory_space<vmem>>
        %dma_start3A_729 = tpu.memref_squeeze %dma_start3A_728 : memref<1x64xi32, #tpu.memory_space<vmem>> -> memref<64xi32, #tpu.memory_space<vmem>>
        %dma_start3A_730 = tpu.memref_slice %arg4[%add3A_718] : memref<327680xi32, #tpu.memory_space<hbm>> -> memref<64xi32, #tpu.memory_space<hbm>>
        tpu.enqueue_dma source(%dma_start3A_730 : memref<64xi32, #tpu.memory_space<hbm>>) target(%dma_start3A_729 : memref<64xi32, #tpu.memory_space<vmem>>) target_semaphore(%dma_start3A_726 : memref<!tpu.dma_semaphore, #tpu.memory_space<semaphore_mem>>)
      } else {
      }
      %add3A_282 = arith.constant 1 : i32
      %add3A_283 = arith.addi %add3A_231, %add3A_282 : i32
      %dma_wait3A_284 = arith.constant 1 : i32
      %dma_wait3A_285 = arith.constant 1 : i32
      %dma_wait3A_286 = arith.constant 1 : i32
      %dma_wait3A_287 = arith.constant 0 : i32
      %dma_wait3A_288 = arith.constant 0 : i32
      %dma_wait3A_289 = tpu.memref_slice %arg8[%dma_wait3A_285, %dma_wait3A_287, %dma_wait3A_288] : memref<4x64x128xf32, #tpu.memory_space<vmem>> -> memref<1x64x128xf32, #tpu.memory_space<vmem>>
      %dma_wait3A_290 = tpu.memref_squeeze %dma_wait3A_289 : memref<1x64x128xf32, #tpu.memory_space<vmem>> -> memref<64x128xf32, #tpu.memory_space<vmem>>
      %dma_wait3A_291 = arith.constant 0 : i32
      %dma_wait3A_292 = tpu.memref_slice %arg6[%dma_wait3A_284, %dma_wait3A_291] : memref<8x64xi32, #tpu.memory_space<vmem>> -> memref<1x64xi32, #tpu.memory_space<vmem>>
      %dma_wait3A_293 = tpu.memref_squeeze %dma_wait3A_292 : memref<1x64xi32, #tpu.memory_space<vmem>> -> memref<64xi32, #tpu.memory_space<vmem>>
      %dma_wait3A_294 = arith.constant 0 : i32
      %dma_wait3A_295 = arith.constant 0 : i32
      %dma_wait3A_296 = tpu.memref_slice %arg2[%dma_wait3A_294, %dma_wait3A_295] : memref<10240x128xf32, #tpu.memory_space<hbm>> -> memref<10240x128xf32, #tpu.memory_space<hbm>>
      %dma_wait3A_297 = tpu.memref_slice %arg9[%dma_wait3A_286] : memref<4x!tpu.dma_semaphore, #tpu.memory_space<semaphore_mem>> -> memref<1x!tpu.dma_semaphore, #tpu.memory_space<semaphore_mem>>
      %dma_wait3A_298 = tpu.memref_squeeze %dma_wait3A_297 : memref<1x!tpu.dma_semaphore, #tpu.memory_space<semaphore_mem>> -> memref<!tpu.dma_semaphore, #tpu.memory_space<semaphore_mem>>
      tpu.wait_indirect_dma semaphore(%dma_wait3A_298 : memref<!tpu.dma_semaphore, #tpu.memory_space<semaphore_mem>>) src(%dma_wait3A_296 : memref<10240x128xf32, #tpu.memory_space<hbm>>) dst(%dma_wait3A_290 : memref<64x128xf32, #tpu.memory_space<vmem>>)
      %dma_start3A_299 = arith.constant 1 : i32
      %dma_start3A_300 = arith.constant 1 : i32
      %dma_start3A_301 = arith.constant 1 : i32
      %dma_start3A_302 = arith.constant 0 : i32
      %dma_start3A_303 = arith.constant 0 : i32
      %dma_start3A_304 = tpu.memref_slice %arg8[%dma_start3A_299, %dma_start3A_302, %dma_start3A_303] : memref<4x64x128xf32, #tpu.memory_space<vmem>> -> memref<1x64x128xf32, #tpu.memory_space<vmem>>
      %dma_start3A_305 = tpu.memref_squeeze %dma_start3A_304 : memref<1x64x128xf32, #tpu.memory_space<vmem>> -> memref<64x128xf32, #tpu.memory_space<vmem>>
      %dma_start3A_306 = arith.constant 0 : i32
      %dma_start3A_307 = tpu.memref_slice %arg7[%dma_start3A_300, %dma_start3A_306] : memref<8x64xi32, #tpu.memory_space<vmem>> -> memref<1x64xi32, #tpu.memory_space<vmem>>
      %dma_start3A_308 = tpu.memref_squeeze %dma_start3A_307 : memref<1x64xi32, #tpu.memory_space<vmem>> -> memref<64xi32, #tpu.memory_space<vmem>>
      %dma_start3A_309 = arith.constant 0 : i32
      %dma_start3A_310 = arith.constant 0 : i32
      %dma_start3A_311 = tpu.memref_slice %arg12[%dma_start3A_309, %dma_start3A_310] : memref<10000x128xf32, #tpu.memory_space<vmem_shared>> -> memref<10000x128xf32, #tpu.memory_space<vmem_shared>>
      %dma_start3A_312 = tpu.memref_slice %arg10[%dma_start3A_301] : memref<4x!tpu.dma_semaphore, #tpu.memory_space<semaphore_mem>> -> memref<1x!tpu.dma_semaphore, #tpu.memory_space<semaphore_mem>>
      %dma_start3A_313 = tpu.memref_squeeze %dma_start3A_312 : memref<1x!tpu.dma_semaphore, #tpu.memory_space<semaphore_mem>> -> memref<!tpu.dma_semaphore, #tpu.memory_space<semaphore_mem>>
      tpu.enqueue_indirect_dma source(%dma_start3A_305 : memref<64x128xf32, #tpu.memory_space<vmem>>) target(%dma_start3A_311 : memref<10000x128xf32, #tpu.memory_space<vmem_shared>>) offsets(%dma_start3A_308 : memref<64xi32, #tpu.memory_space<vmem>>) semaphore(%dma_start3A_313 : memref<!tpu.dma_semaphore, #tpu.memory_space<semaphore_mem>>) {add = true}
      %ge3A_314 = arith.constant 2 : i32
      %ge3A_315 = arith.cmpi sge, %add3A_283, %ge3A_314 : i32
      %convert_element_type3A_316 = arith.extui %ge3A_315 : i1 to i32
      %cond3A_317 = arith.constant 0 : i32
      %cond3A_318 = arith.cmpi ne, %convert_element_type3A_316, %cond3A_317 : i32
      scf.if %cond3A_318 {
        %dma_wait3A_699 = arith.constant 3 : i32
        %dma_wait3A_700 = arith.constant 7 : i32
        %dma_wait3A_701 = arith.constant 3 : i32
        %dma_wait3A_702 = arith.constant 0 : i32
        %dma_wait3A_703 = arith.constant 0 : i32
        %dma_wait3A_704 = tpu.memref_slice %arg8[%dma_wait3A_699, %dma_wait3A_702, %dma_wait3A_703] : memref<4x64x128xf32, #tpu.memory_space<vmem>> -> memref<1x64x128xf32, #tpu.memory_space<vmem>>
        %dma_wait3A_705 = tpu.memref_squeeze %dma_wait3A_704 : memref<1x64x128xf32, #tpu.memory_space<vmem>> -> memref<64x128xf32, #tpu.memory_space<vmem>>
        %dma_wait3A_706 = arith.constant 0 : i32
        %dma_wait3A_707 = tpu.memref_slice %arg7[%dma_wait3A_700, %dma_wait3A_706] : memref<8x64xi32, #tpu.memory_space<vmem>> -> memref<1x64xi32, #tpu.memory_space<vmem>>
        %dma_wait3A_708 = tpu.memref_squeeze %dma_wait3A_707 : memref<1x64xi32, #tpu.memory_space<vmem>> -> memref<64xi32, #tpu.memory_space<vmem>>
        %dma_wait3A_709 = arith.constant 0 : i32
        %dma_wait3A_710 = arith.constant 0 : i32
        %dma_wait3A_711 = tpu.memref_slice %arg12[%dma_wait3A_709, %dma_wait3A_710] : memref<10000x128xf32, #tpu.memory_space<vmem_shared>> -> memref<10000x128xf32, #tpu.memory_space<vmem_shared>>
        %dma_wait3A_712 = tpu.memref_slice %arg10[%dma_wait3A_701] : memref<4x!tpu.dma_semaphore, #tpu.memory_space<semaphore_mem>> -> memref<1x!tpu.dma_semaphore, #tpu.memory_space<semaphore_mem>>
        %dma_wait3A_713 = tpu.memref_squeeze %dma_wait3A_712 : memref<1x!tpu.dma_semaphore, #tpu.memory_space<semaphore_mem>> -> memref<!tpu.dma_semaphore, #tpu.memory_space<semaphore_mem>>
        tpu.wait_indirect_dma semaphore(%dma_wait3A_713 : memref<!tpu.dma_semaphore, #tpu.memory_space<semaphore_mem>>) src(%dma_wait3A_705 : memref<64x128xf32, #tpu.memory_space<vmem>>) dst(%dma_wait3A_711 : memref<10000x128xf32, #tpu.memory_space<vmem_shared>>)
      } else {
      }
      %add3A_319 = arith.constant 2 : i32
      %add3A_320 = arith.addi %add3A_283, %add3A_319 : i32
      %lt3A_321 = arith.constant 160 : i32
      %lt3A_322 = arith.cmpi slt, %add3A_320, %lt3A_321 : i32
      %convert_element_type3A_323 = arith.extui %lt3A_322 : i1 to i32
      %cond3A_324 = arith.constant 0 : i32
      %cond3A_325 = arith.cmpi ne, %convert_element_type3A_323, %cond3A_324 : i32
      scf.if %cond3A_325 {
        %add3A_699 = arith.constant 2 : i32
        %add3A_700 = arith.addi %add3A_283, %add3A_699 : i32
        %mul3A_701 = arith.constant 64 : i32
        %mul3A_702 = arith.muli %add3A_700, %mul3A_701 : i32
        %add3A_703 = arith.addi %mul3A_6, %mul3A_702 : i32
        %dma_wait3A_704 = arith.constant 3 : i32
        %dma_wait3A_705 = arith.constant 3 : i32
        %dma_wait3A_706 = arith.constant 0 : i32
        %dma_wait3A_707 = tpu.memref_slice %arg6[%dma_wait3A_704, %dma_wait3A_706] : memref<8x64xi32, #tpu.memory_space<vmem>> -> memref<1x64xi32, #tpu.memory_space<vmem>>
        %dma_wait3A_708 = tpu.memref_squeeze %dma_wait3A_707 : memref<1x64xi32, #tpu.memory_space<vmem>> -> memref<64xi32, #tpu.memory_space<vmem>>
        %dma_wait3A_709 = tpu.memref_slice %arg3[%add3A_703] : memref<327680xi32, #tpu.memory_space<hbm>> -> memref<64xi32, #tpu.memory_space<hbm>>
        %dma_wait3A_710 = tpu.memref_slice %arg11[%dma_wait3A_705] : memref<8x!tpu.dma_semaphore, #tpu.memory_space<semaphore_mem>> -> memref<1x!tpu.dma_semaphore, #tpu.memory_space<semaphore_mem>>
        %dma_wait3A_711 = tpu.memref_squeeze %dma_wait3A_710 : memref<1x!tpu.dma_semaphore, #tpu.memory_space<semaphore_mem>> -> memref<!tpu.dma_semaphore, #tpu.memory_space<semaphore_mem>>
        %dma_wait3A_712 = arith.constant 0 : i32
        %dma_wait3A_713 = tpu.memref_slice %arg6[%dma_wait3A_704, %dma_wait3A_712] : memref<8x64xi32, #tpu.memory_space<vmem>> -> memref<1x64xi32, #tpu.memory_space<vmem>>
        %dma_wait3A_714 = tpu.memref_squeeze %dma_wait3A_713 : memref<1x64xi32, #tpu.memory_space<vmem>> -> memref<64xi32, #tpu.memory_space<vmem>>
        %dma_wait3A_715 = tpu.memref_slice %arg3[%add3A_703] : memref<327680xi32, #tpu.memory_space<hbm>> -> memref<64xi32, #tpu.memory_space<hbm>>
        tpu.wait_dma2 semaphore(%dma_wait3A_711 : memref<!tpu.dma_semaphore, #tpu.memory_space<semaphore_mem>>) src(%dma_wait3A_715 : memref<64xi32, #tpu.memory_space<hbm>>) dst(%dma_wait3A_714 : memref<64xi32, #tpu.memory_space<vmem>>)
        %mul3A_716 = arith.constant 64 : i32
        %mul3A_717 = arith.muli %add3A_700, %mul3A_716 : i32
        %add3A_718 = arith.addi %mul3A_6, %mul3A_717 : i32
        %dma_wait3A_719 = arith.constant 3 : i32
        %dma_wait3A_720 = arith.constant 3 : i32
        %dma_wait3A_721 = arith.constant 0 : i32
        %dma_wait3A_722 = tpu.memref_slice %arg7[%dma_wait3A_719, %dma_wait3A_721] : memref<8x64xi32, #tpu.memory_space<vmem>> -> memref<1x64xi32, #tpu.memory_space<vmem>>
        %dma_wait3A_723 = tpu.memref_squeeze %dma_wait3A_722 : memref<1x64xi32, #tpu.memory_space<vmem>> -> memref<64xi32, #tpu.memory_space<vmem>>
        %dma_wait3A_724 = tpu.memref_slice %arg4[%add3A_718] : memref<327680xi32, #tpu.memory_space<hbm>> -> memref<64xi32, #tpu.memory_space<hbm>>
        %dma_wait3A_725 = tpu.memref_slice %arg11[%dma_wait3A_720] : memref<8x!tpu.dma_semaphore, #tpu.memory_space<semaphore_mem>> -> memref<1x!tpu.dma_semaphore, #tpu.memory_space<semaphore_mem>>
        %dma_wait3A_726 = tpu.memref_squeeze %dma_wait3A_725 : memref<1x!tpu.dma_semaphore, #tpu.memory_space<semaphore_mem>> -> memref<!tpu.dma_semaphore, #tpu.memory_space<semaphore_mem>>
        %dma_wait3A_727 = arith.constant 0 : i32
        %dma_wait3A_728 = tpu.memref_slice %arg7[%dma_wait3A_719, %dma_wait3A_727] : memref<8x64xi32, #tpu.memory_space<vmem>> -> memref<1x64xi32, #tpu.memory_space<vmem>>
        %dma_wait3A_729 = tpu.memref_squeeze %dma_wait3A_728 : memref<1x64xi32, #tpu.memory_space<vmem>> -> memref<64xi32, #tpu.memory_space<vmem>>
        %dma_wait3A_730 = tpu.memref_slice %arg4[%add3A_718] : memref<327680xi32, #tpu.memory_space<hbm>> -> memref<64xi32, #tpu.memory_space<hbm>>
        tpu.wait_dma2 semaphore(%dma_wait3A_726 : memref<!tpu.dma_semaphore, #tpu.memory_space<semaphore_mem>>) src(%dma_wait3A_730 : memref<64xi32, #tpu.memory_space<hbm>>) dst(%dma_wait3A_729 : memref<64xi32, #tpu.memory_space<vmem>>)
        %dma_start3A_731 = arith.constant 3 : i32
        %dma_start3A_732 = arith.constant 3 : i32
        %dma_start3A_733 = arith.constant 3 : i32
        %dma_start3A_734 = arith.constant 0 : i32
        %dma_start3A_735 = arith.constant 0 : i32
        %dma_start3A_736 = tpu.memref_slice %arg8[%dma_start3A_732, %dma_start3A_734, %dma_start3A_735] : memref<4x64x128xf32, #tpu.memory_space<vmem>> -> memref<1x64x128xf32, #tpu.memory_space<vmem>>
        %dma_start3A_737 = tpu.memref_squeeze %dma_start3A_736 : memref<1x64x128xf32, #tpu.memory_space<vmem>> -> memref<64x128xf32, #tpu.memory_space<vmem>>
        %dma_start3A_738 = arith.constant 0 : i32
        %dma_start3A_739 = tpu.memref_slice %arg6[%dma_start3A_731, %dma_start3A_738] : memref<8x64xi32, #tpu.memory_space<vmem>> -> memref<1x64xi32, #tpu.memory_space<vmem>>
        %dma_start3A_740 = tpu.memref_squeeze %dma_start3A_739 : memref<1x64xi32, #tpu.memory_space<vmem>> -> memref<64xi32, #tpu.memory_space<vmem>>
        %dma_start3A_741 = arith.constant 0 : i32
        %dma_start3A_742 = arith.constant 0 : i32
        %dma_start3A_743 = tpu.memref_slice %arg2[%dma_start3A_741, %dma_start3A_742] : memref<10240x128xf32, #tpu.memory_space<hbm>> -> memref<10240x128xf32, #tpu.memory_space<hbm>>
        %dma_start3A_744 = tpu.memref_slice %arg9[%dma_start3A_733] : memref<4x!tpu.dma_semaphore, #tpu.memory_space<semaphore_mem>> -> memref<1x!tpu.dma_semaphore, #tpu.memory_space<semaphore_mem>>
        %dma_start3A_745 = tpu.memref_squeeze %dma_start3A_744 : memref<1x!tpu.dma_semaphore, #tpu.memory_space<semaphore_mem>> -> memref<!tpu.dma_semaphore, #tpu.memory_space<semaphore_mem>>
        tpu.enqueue_indirect_dma source(%dma_start3A_743 : memref<10240x128xf32, #tpu.memory_space<hbm>>) target(%dma_start3A_737 : memref<64x128xf32, #tpu.memory_space<vmem>>) offsets(%dma_start3A_740 : memref<64xi32, #tpu.memory_space<vmem>>) semaphore(%dma_start3A_745 : memref<!tpu.dma_semaphore, #tpu.memory_space<semaphore_mem>>)
      } else {
      }
      %add3A_326 = arith.constant 5 : i32
      %add3A_327 = arith.addi %add3A_283, %add3A_326 : i32
      %lt3A_328 = arith.constant 160 : i32
      %lt3A_329 = arith.cmpi slt, %add3A_327, %lt3A_328 : i32
      %convert_element_type3A_330 = arith.extui %lt3A_329 : i1 to i32
      %cond3A_331 = arith.constant 0 : i32
      %cond3A_332 = arith.cmpi ne, %convert_element_type3A_330, %cond3A_331 : i32
      scf.if %cond3A_332 {
        %add3A_699 = arith.constant 5 : i32
        %add3A_700 = arith.addi %add3A_283, %add3A_699 : i32
        %mul3A_701 = arith.constant 64 : i32
        %mul3A_702 = arith.muli %add3A_700, %mul3A_701 : i32
        %add3A_703 = arith.addi %mul3A_6, %mul3A_702 : i32
        %dma_start3A_704 = arith.constant 6 : i32
        %dma_start3A_705 = arith.constant 6 : i32
        %dma_start3A_706 = arith.constant 0 : i32
        %dma_start3A_707 = tpu.memref_slice %arg6[%dma_start3A_704, %dma_start3A_706] : memref<8x64xi32, #tpu.memory_space<vmem>> -> memref<1x64xi32, #tpu.memory_space<vmem>>
        %dma_start3A_708 = tpu.memref_squeeze %dma_start3A_707 : memref<1x64xi32, #tpu.memory_space<vmem>> -> memref<64xi32, #tpu.memory_space<vmem>>
        %dma_start3A_709 = tpu.memref_slice %arg3[%add3A_703] : memref<327680xi32, #tpu.memory_space<hbm>> -> memref<64xi32, #tpu.memory_space<hbm>>
        %dma_start3A_710 = tpu.memref_slice %arg11[%dma_start3A_705] : memref<8x!tpu.dma_semaphore, #tpu.memory_space<semaphore_mem>> -> memref<1x!tpu.dma_semaphore, #tpu.memory_space<semaphore_mem>>
        %dma_start3A_711 = tpu.memref_squeeze %dma_start3A_710 : memref<1x!tpu.dma_semaphore, #tpu.memory_space<semaphore_mem>> -> memref<!tpu.dma_semaphore, #tpu.memory_space<semaphore_mem>>
        %dma_start3A_712 = arith.constant 0 : i32
        %dma_start3A_713 = tpu.memref_slice %arg6[%dma_start3A_704, %dma_start3A_712] : memref<8x64xi32, #tpu.memory_space<vmem>> -> memref<1x64xi32, #tpu.memory_space<vmem>>
        %dma_start3A_714 = tpu.memref_squeeze %dma_start3A_713 : memref<1x64xi32, #tpu.memory_space<vmem>> -> memref<64xi32, #tpu.memory_space<vmem>>
        %dma_start3A_715 = tpu.memref_slice %arg3[%add3A_703] : memref<327680xi32, #tpu.memory_space<hbm>> -> memref<64xi32, #tpu.memory_space<hbm>>
        tpu.enqueue_dma source(%dma_start3A_715 : memref<64xi32, #tpu.memory_space<hbm>>) target(%dma_start3A_714 : memref<64xi32, #tpu.memory_space<vmem>>) target_semaphore(%dma_start3A_711 : memref<!tpu.dma_semaphore, #tpu.memory_space<semaphore_mem>>)
        %mul3A_716 = arith.constant 64 : i32
        %mul3A_717 = arith.muli %add3A_700, %mul3A_716 : i32
        %add3A_718 = arith.addi %mul3A_6, %mul3A_717 : i32
        %dma_start3A_719 = arith.constant 6 : i32
        %dma_start3A_720 = arith.constant 6 : i32
        %dma_start3A_721 = arith.constant 0 : i32
        %dma_start3A_722 = tpu.memref_slice %arg7[%dma_start3A_719, %dma_start3A_721] : memref<8x64xi32, #tpu.memory_space<vmem>> -> memref<1x64xi32, #tpu.memory_space<vmem>>
        %dma_start3A_723 = tpu.memref_squeeze %dma_start3A_722 : memref<1x64xi32, #tpu.memory_space<vmem>> -> memref<64xi32, #tpu.memory_space<vmem>>
        %dma_start3A_724 = tpu.memref_slice %arg4[%add3A_718] : memref<327680xi32, #tpu.memory_space<hbm>> -> memref<64xi32, #tpu.memory_space<hbm>>
        %dma_start3A_725 = tpu.memref_slice %arg11[%dma_start3A_720] : memref<8x!tpu.dma_semaphore, #tpu.memory_space<semaphore_mem>> -> memref<1x!tpu.dma_semaphore, #tpu.memory_space<semaphore_mem>>
        %dma_start3A_726 = tpu.memref_squeeze %dma_start3A_725 : memref<1x!tpu.dma_semaphore, #tpu.memory_space<semaphore_mem>> -> memref<!tpu.dma_semaphore, #tpu.memory_space<semaphore_mem>>
        %dma_start3A_727 = arith.constant 0 : i32
        %dma_start3A_728 = tpu.memref_slice %arg7[%dma_start3A_719, %dma_start3A_727] : memref<8x64xi32, #tpu.memory_space<vmem>> -> memref<1x64xi32, #tpu.memory_space<vmem>>
        %dma_start3A_729 = tpu.memref_squeeze %dma_start3A_728 : memref<1x64xi32, #tpu.memory_space<vmem>> -> memref<64xi32, #tpu.memory_space<vmem>>
        %dma_start3A_730 = tpu.memref_slice %arg4[%add3A_718] : memref<327680xi32, #tpu.memory_space<hbm>> -> memref<64xi32, #tpu.memory_space<hbm>>
        tpu.enqueue_dma source(%dma_start3A_730 : memref<64xi32, #tpu.memory_space<hbm>>) target(%dma_start3A_729 : memref<64xi32, #tpu.memory_space<vmem>>) target_semaphore(%dma_start3A_726 : memref<!tpu.dma_semaphore, #tpu.memory_space<semaphore_mem>>)
      } else {
      }
      %add3A_333 = arith.constant 2 : i32
      %add3A_334 = arith.addi %add3A_231, %add3A_333 : i32
      %dma_wait3A_335 = arith.constant 2 : i32
      %dma_wait3A_336 = arith.constant 2 : i32
      %dma_wait3A_337 = arith.constant 2 : i32
      %dma_wait3A_338 = arith.constant 0 : i32
      %dma_wait3A_339 = arith.constant 0 : i32
      %dma_wait3A_340 = tpu.memref_slice %arg8[%dma_wait3A_336, %dma_wait3A_338, %dma_wait3A_339] : memref<4x64x128xf32, #tpu.memory_space<vmem>> -> memref<1x64x128xf32, #tpu.memory_space<vmem>>
      %dma_wait3A_341 = tpu.memref_squeeze %dma_wait3A_340 : memref<1x64x128xf32, #tpu.memory_space<vmem>> -> memref<64x128xf32, #tpu.memory_space<vmem>>
      %dma_wait3A_342 = arith.constant 0 : i32
      %dma_wait3A_343 = tpu.memref_slice %arg6[%dma_wait3A_335, %dma_wait3A_342] : memref<8x64xi32, #tpu.memory_space<vmem>> -> memref<1x64xi32, #tpu.memory_space<vmem>>
      %dma_wait3A_344 = tpu.memref_squeeze %dma_wait3A_343 : memref<1x64xi32, #tpu.memory_space<vmem>> -> memref<64xi32, #tpu.memory_space<vmem>>
      %dma_wait3A_345 = arith.constant 0 : i32
      %dma_wait3A_346 = arith.constant 0 : i32
      %dma_wait3A_347 = tpu.memref_slice %arg2[%dma_wait3A_345, %dma_wait3A_346] : memref<10240x128xf32, #tpu.memory_space<hbm>> -> memref<10240x128xf32, #tpu.memory_space<hbm>>
      %dma_wait3A_348 = tpu.memref_slice %arg9[%dma_wait3A_337] : memref<4x!tpu.dma_semaphore, #tpu.memory_space<semaphore_mem>> -> memref<1x!tpu.dma_semaphore, #tpu.memory_space<semaphore_mem>>
      %dma_wait3A_349 = tpu.memref_squeeze %dma_wait3A_348 : memref<1x!tpu.dma_semaphore, #tpu.memory_space<semaphore_mem>> -> memref<!tpu.dma_semaphore, #tpu.memory_space<semaphore_mem>>
      tpu.wait_indirect_dma semaphore(%dma_wait3A_349 : memref<!tpu.dma_semaphore, #tpu.memory_space<semaphore_mem>>) src(%dma_wait3A_347 : memref<10240x128xf32, #tpu.memory_space<hbm>>) dst(%dma_wait3A_341 : memref<64x128xf32, #tpu.memory_space<vmem>>)
      %dma_start3A_350 = arith.constant 2 : i32
      %dma_start3A_351 = arith.constant 2 : i32
      %dma_start3A_352 = arith.constant 2 : i32
      %dma_start3A_353 = arith.constant 0 : i32
      %dma_start3A_354 = arith.constant 0 : i32
      %dma_start3A_355 = tpu.memref_slice %arg8[%dma_start3A_350, %dma_start3A_353, %dma_start3A_354] : memref<4x64x128xf32, #tpu.memory_space<vmem>> -> memref<1x64x128xf32, #tpu.memory_space<vmem>>
      %dma_start3A_356 = tpu.memref_squeeze %dma_start3A_355 : memref<1x64x128xf32, #tpu.memory_space<vmem>> -> memref<64x128xf32, #tpu.memory_space<vmem>>
      %dma_start3A_357 = arith.constant 0 : i32
      %dma_start3A_358 = tpu.memref_slice %arg7[%dma_start3A_351, %dma_start3A_357] : memref<8x64xi32, #tpu.memory_space<vmem>> -> memref<1x64xi32, #tpu.memory_space<vmem>>
      %dma_start3A_359 = tpu.memref_squeeze %dma_start3A_358 : memref<1x64xi32, #tpu.memory_space<vmem>> -> memref<64xi32, #tpu.memory_space<vmem>>
      %dma_start3A_360 = arith.constant 0 : i32
      %dma_start3A_361 = arith.constant 0 : i32
      %dma_start3A_362 = tpu.memref_slice %arg12[%dma_start3A_360, %dma_start3A_361] : memref<10000x128xf32, #tpu.memory_space<vmem_shared>> -> memref<10000x128xf32, #tpu.memory_space<vmem_shared>>
      %dma_start3A_363 = tpu.memref_slice %arg10[%dma_start3A_352] : memref<4x!tpu.dma_semaphore, #tpu.memory_space<semaphore_mem>> -> memref<1x!tpu.dma_semaphore, #tpu.memory_space<semaphore_mem>>
      %dma_start3A_364 = tpu.memref_squeeze %dma_start3A_363 : memref<1x!tpu.dma_semaphore, #tpu.memory_space<semaphore_mem>> -> memref<!tpu.dma_semaphore, #tpu.memory_space<semaphore_mem>>
      tpu.enqueue_indirect_dma source(%dma_start3A_356 : memref<64x128xf32, #tpu.memory_space<vmem>>) target(%dma_start3A_362 : memref<10000x128xf32, #tpu.memory_space<vmem_shared>>) offsets(%dma_start3A_359 : memref<64xi32, #tpu.memory_space<vmem>>) semaphore(%dma_start3A_364 : memref<!tpu.dma_semaphore, #tpu.memory_space<semaphore_mem>>) {add = true}
      %dma_wait3A_365 = arith.constant 0 : i32
      %dma_wait3A_366 = arith.constant 0 : i32
      %dma_wait3A_367 = arith.constant 0 : i32
      %dma_wait3A_368 = arith.constant 0 : i32
      %dma_wait3A_369 = arith.constant 0 : i32
      %dma_wait3A_370 = tpu.memref_slice %arg8[%dma_wait3A_365, %dma_wait3A_368, %dma_wait3A_369] : memref<4x64x128xf32, #tpu.memory_space<vmem>> -> memref<1x64x128xf32, #tpu.memory_space<vmem>>
      %dma_wait3A_371 = tpu.memref_squeeze %dma_wait3A_370 : memref<1x64x128xf32, #tpu.memory_space<vmem>> -> memref<64x128xf32, #tpu.memory_space<vmem>>
      %dma_wait3A_372 = arith.constant 0 : i32
      %dma_wait3A_373 = tpu.memref_slice %arg7[%dma_wait3A_366, %dma_wait3A_372] : memref<8x64xi32, #tpu.memory_space<vmem>> -> memref<1x64xi32, #tpu.memory_space<vmem>>
      %dma_wait3A_374 = tpu.memref_squeeze %dma_wait3A_373 : memref<1x64xi32, #tpu.memory_space<vmem>> -> memref<64xi32, #tpu.memory_space<vmem>>
      %dma_wait3A_375 = arith.constant 0 : i32
      %dma_wait3A_376 = arith.constant 0 : i32
      %dma_wait3A_377 = tpu.memref_slice %arg12[%dma_wait3A_375, %dma_wait3A_376] : memref<10000x128xf32, #tpu.memory_space<vmem_shared>> -> memref<10000x128xf32, #tpu.memory_space<vmem_shared>>
      %dma_wait3A_378 = tpu.memref_slice %arg10[%dma_wait3A_367] : memref<4x!tpu.dma_semaphore, #tpu.memory_space<semaphore_mem>> -> memref<1x!tpu.dma_semaphore, #tpu.memory_space<semaphore_mem>>
      %dma_wait3A_379 = tpu.memref_squeeze %dma_wait3A_378 : memref<1x!tpu.dma_semaphore, #tpu.memory_space<semaphore_mem>> -> memref<!tpu.dma_semaphore, #tpu.memory_space<semaphore_mem>>
      tpu.wait_indirect_dma semaphore(%dma_wait3A_379 : memref<!tpu.dma_semaphore, #tpu.memory_space<semaphore_mem>>) src(%dma_wait3A_371 : memref<64x128xf32, #tpu.memory_space<vmem>>) dst(%dma_wait3A_377 : memref<10000x128xf32, #tpu.memory_space<vmem_shared>>)
      %add3A_380 = arith.constant 2 : i32
      %add3A_381 = arith.addi %add3A_334, %add3A_380 : i32
      %lt3A_382 = arith.constant 160 : i32
      %lt3A_383 = arith.cmpi slt, %add3A_381, %lt3A_382 : i32
      %convert_element_type3A_384 = arith.extui %lt3A_383 : i1 to i32
      %cond3A_385 = arith.constant 0 : i32
      %cond3A_386 = arith.cmpi ne, %convert_element_type3A_384, %cond3A_385 : i32
      scf.if %cond3A_386 {
        %add3A_699 = arith.constant 2 : i32
        %add3A_700 = arith.addi %add3A_334, %add3A_699 : i32
        %mul3A_701 = arith.constant 64 : i32
        %mul3A_702 = arith.muli %add3A_700, %mul3A_701 : i32
        %add3A_703 = arith.addi %mul3A_6, %mul3A_702 : i32
        %dma_wait3A_704 = arith.constant 4 : i32
        %dma_wait3A_705 = arith.constant 4 : i32
        %dma_wait3A_706 = arith.constant 0 : i32
        %dma_wait3A_707 = tpu.memref_slice %arg6[%dma_wait3A_704, %dma_wait3A_706] : memref<8x64xi32, #tpu.memory_space<vmem>> -> memref<1x64xi32, #tpu.memory_space<vmem>>
        %dma_wait3A_708 = tpu.memref_squeeze %dma_wait3A_707 : memref<1x64xi32, #tpu.memory_space<vmem>> -> memref<64xi32, #tpu.memory_space<vmem>>
        %dma_wait3A_709 = tpu.memref_slice %arg3[%add3A_703] : memref<327680xi32, #tpu.memory_space<hbm>> -> memref<64xi32, #tpu.memory_space<hbm>>
        %dma_wait3A_710 = tpu.memref_slice %arg11[%dma_wait3A_705] : memref<8x!tpu.dma_semaphore, #tpu.memory_space<semaphore_mem>> -> memref<1x!tpu.dma_semaphore, #tpu.memory_space<semaphore_mem>>
        %dma_wait3A_711 = tpu.memref_squeeze %dma_wait3A_710 : memref<1x!tpu.dma_semaphore, #tpu.memory_space<semaphore_mem>> -> memref<!tpu.dma_semaphore, #tpu.memory_space<semaphore_mem>>
        %dma_wait3A_712 = arith.constant 0 : i32
        %dma_wait3A_713 = tpu.memref_slice %arg6[%dma_wait3A_704, %dma_wait3A_712] : memref<8x64xi32, #tpu.memory_space<vmem>> -> memref<1x64xi32, #tpu.memory_space<vmem>>
        %dma_wait3A_714 = tpu.memref_squeeze %dma_wait3A_713 : memref<1x64xi32, #tpu.memory_space<vmem>> -> memref<64xi32, #tpu.memory_space<vmem>>
        %dma_wait3A_715 = tpu.memref_slice %arg3[%add3A_703] : memref<327680xi32, #tpu.memory_space<hbm>> -> memref<64xi32, #tpu.memory_space<hbm>>
        tpu.wait_dma2 semaphore(%dma_wait3A_711 : memref<!tpu.dma_semaphore, #tpu.memory_space<semaphore_mem>>) src(%dma_wait3A_715 : memref<64xi32, #tpu.memory_space<hbm>>) dst(%dma_wait3A_714 : memref<64xi32, #tpu.memory_space<vmem>>)
        %mul3A_716 = arith.constant 64 : i32
        %mul3A_717 = arith.muli %add3A_700, %mul3A_716 : i32
        %add3A_718 = arith.addi %mul3A_6, %mul3A_717 : i32
        %dma_wait3A_719 = arith.constant 4 : i32
        %dma_wait3A_720 = arith.constant 4 : i32
        %dma_wait3A_721 = arith.constant 0 : i32
        %dma_wait3A_722 = tpu.memref_slice %arg7[%dma_wait3A_719, %dma_wait3A_721] : memref<8x64xi32, #tpu.memory_space<vmem>> -> memref<1x64xi32, #tpu.memory_space<vmem>>
        %dma_wait3A_723 = tpu.memref_squeeze %dma_wait3A_722 : memref<1x64xi32, #tpu.memory_space<vmem>> -> memref<64xi32, #tpu.memory_space<vmem>>
        %dma_wait3A_724 = tpu.memref_slice %arg4[%add3A_718] : memref<327680xi32, #tpu.memory_space<hbm>> -> memref<64xi32, #tpu.memory_space<hbm>>
        %dma_wait3A_725 = tpu.memref_slice %arg11[%dma_wait3A_720] : memref<8x!tpu.dma_semaphore, #tpu.memory_space<semaphore_mem>> -> memref<1x!tpu.dma_semaphore, #tpu.memory_space<semaphore_mem>>
        %dma_wait3A_726 = tpu.memref_squeeze %dma_wait3A_725 : memref<1x!tpu.dma_semaphore, #tpu.memory_space<semaphore_mem>> -> memref<!tpu.dma_semaphore, #tpu.memory_space<semaphore_mem>>
        %dma_wait3A_727 = arith.constant 0 : i32
        %dma_wait3A_728 = tpu.memref_slice %arg7[%dma_wait3A_719, %dma_wait3A_727] : memref<8x64xi32, #tpu.memory_space<vmem>> -> memref<1x64xi32, #tpu.memory_space<vmem>>
        %dma_wait3A_729 = tpu.memref_squeeze %dma_wait3A_728 : memref<1x64xi32, #tpu.memory_space<vmem>> -> memref<64xi32, #tpu.memory_space<vmem>>
        %dma_wait3A_730 = tpu.memref_slice %arg4[%add3A_718] : memref<327680xi32, #tpu.memory_space<hbm>> -> memref<64xi32, #tpu.memory_space<hbm>>
        tpu.wait_dma2 semaphore(%dma_wait3A_726 : memref<!tpu.dma_semaphore, #tpu.memory_space<semaphore_mem>>) src(%dma_wait3A_730 : memref<64xi32, #tpu.memory_space<hbm>>) dst(%dma_wait3A_729 : memref<64xi32, #tpu.memory_space<vmem>>)
        %dma_start3A_731 = arith.constant 4 : i32
        %dma_start3A_732 = arith.constant 0 : i32
        %dma_start3A_733 = arith.constant 0 : i32
        %dma_start3A_734 = arith.constant 0 : i32
        %dma_start3A_735 = arith.constant 0 : i32
        %dma_start3A_736 = tpu.memref_slice %arg8[%dma_start3A_732, %dma_start3A_734, %dma_start3A_735] : memref<4x64x128xf32, #tpu.memory_space<vmem>> -> memref<1x64x128xf32, #tpu.memory_space<vmem>>
        %dma_start3A_737 = tpu.memref_squeeze %dma_start3A_736 : memref<1x64x128xf32, #tpu.memory_space<vmem>> -> memref<64x128xf32, #tpu.memory_space<vmem>>
        %dma_start3A_738 = arith.constant 0 : i32
        %dma_start3A_739 = tpu.memref_slice %arg6[%dma_start3A_731, %dma_start3A_738] : memref<8x64xi32, #tpu.memory_space<vmem>> -> memref<1x64xi32, #tpu.memory_space<vmem>>
        %dma_start3A_740 = tpu.memref_squeeze %dma_start3A_739 : memref<1x64xi32, #tpu.memory_space<vmem>> -> memref<64xi32, #tpu.memory_space<vmem>>
        %dma_start3A_741 = arith.constant 0 : i32
        %dma_start3A_742 = arith.constant 0 : i32
        %dma_start3A_743 = tpu.memref_slice %arg2[%dma_start3A_741, %dma_start3A_742] : memref<10240x128xf32, #tpu.memory_space<hbm>> -> memref<10240x128xf32, #tpu.memory_space<hbm>>
        %dma_start3A_744 = tpu.memref_slice %arg9[%dma_start3A_733] : memref<4x!tpu.dma_semaphore, #tpu.memory_space<semaphore_mem>> -> memref<1x!tpu.dma_semaphore, #tpu.memory_space<semaphore_mem>>
        %dma_start3A_745 = tpu.memref_squeeze %dma_start3A_744 : memref<1x!tpu.dma_semaphore, #tpu.memory_space<semaphore_mem>> -> memref<!tpu.dma_semaphore, #tpu.memory_space<semaphore_mem>>
        tpu.enqueue_indirect_dma source(%dma_start3A_743 : memref<10240x128xf32, #tpu.memory_space<hbm>>) target(%dma_start3A_737 : memref<64x128xf32, #tpu.memory_space<vmem>>) offsets(%dma_start3A_740 : memref<64xi32, #tpu.memory_space<vmem>>) semaphore(%dma_start3A_745 : memref<!tpu.dma_semaphore, #tpu.memory_space<semaphore_mem>>)
      } else {
      }
      %add3A_387 = arith.constant 5 : i32
      %add3A_388 = arith.addi %add3A_334, %add3A_387 : i32
      %lt3A_389 = arith.constant 160 : i32
      %lt3A_390 = arith.cmpi slt, %add3A_388, %lt3A_389 : i32
      %convert_element_type3A_391 = arith.extui %lt3A_390 : i1 to i32
      %cond3A_392 = arith.constant 0 : i32
      %cond3A_393 = arith.cmpi ne, %convert_element_type3A_391, %cond3A_392 : i32
      scf.if %cond3A_393 {
        %add3A_699 = arith.constant 5 : i32
        %add3A_700 = arith.addi %add3A_334, %add3A_699 : i32
        %mul3A_701 = arith.constant 64 : i32
        %mul3A_702 = arith.muli %add3A_700, %mul3A_701 : i32
        %add3A_703 = arith.addi %mul3A_6, %mul3A_702 : i32
        %dma_start3A_704 = arith.constant 7 : i32
        %dma_start3A_705 = arith.constant 7 : i32
        %dma_start3A_706 = arith.constant 0 : i32
        %dma_start3A_707 = tpu.memref_slice %arg6[%dma_start3A_704, %dma_start3A_706] : memref<8x64xi32, #tpu.memory_space<vmem>> -> memref<1x64xi32, #tpu.memory_space<vmem>>
        %dma_start3A_708 = tpu.memref_squeeze %dma_start3A_707 : memref<1x64xi32, #tpu.memory_space<vmem>> -> memref<64xi32, #tpu.memory_space<vmem>>
        %dma_start3A_709 = tpu.memref_slice %arg3[%add3A_703] : memref<327680xi32, #tpu.memory_space<hbm>> -> memref<64xi32, #tpu.memory_space<hbm>>
        %dma_start3A_710 = tpu.memref_slice %arg11[%dma_start3A_705] : memref<8x!tpu.dma_semaphore, #tpu.memory_space<semaphore_mem>> -> memref<1x!tpu.dma_semaphore, #tpu.memory_space<semaphore_mem>>
        %dma_start3A_711 = tpu.memref_squeeze %dma_start3A_710 : memref<1x!tpu.dma_semaphore, #tpu.memory_space<semaphore_mem>> -> memref<!tpu.dma_semaphore, #tpu.memory_space<semaphore_mem>>
        %dma_start3A_712 = arith.constant 0 : i32
        %dma_start3A_713 = tpu.memref_slice %arg6[%dma_start3A_704, %dma_start3A_712] : memref<8x64xi32, #tpu.memory_space<vmem>> -> memref<1x64xi32, #tpu.memory_space<vmem>>
        %dma_start3A_714 = tpu.memref_squeeze %dma_start3A_713 : memref<1x64xi32, #tpu.memory_space<vmem>> -> memref<64xi32, #tpu.memory_space<vmem>>
        %dma_start3A_715 = tpu.memref_slice %arg3[%add3A_703] : memref<327680xi32, #tpu.memory_space<hbm>> -> memref<64xi32, #tpu.memory_space<hbm>>
        tpu.enqueue_dma source(%dma_start3A_715 : memref<64xi32, #tpu.memory_space<hbm>>) target(%dma_start3A_714 : memref<64xi32, #tpu.memory_space<vmem>>) target_semaphore(%dma_start3A_711 : memref<!tpu.dma_semaphore, #tpu.memory_space<semaphore_mem>>)
        %mul3A_716 = arith.constant 64 : i32
        %mul3A_717 = arith.muli %add3A_700, %mul3A_716 : i32
        %add3A_718 = arith.addi %mul3A_6, %mul3A_717 : i32
        %dma_start3A_719 = arith.constant 7 : i32
        %dma_start3A_720 = arith.constant 7 : i32
        %dma_start3A_721 = arith.constant 0 : i32
        %dma_start3A_722 = tpu.memref_slice %arg7[%dma_start3A_719, %dma_start3A_721] : memref<8x64xi32, #tpu.memory_space<vmem>> -> memref<1x64xi32, #tpu.memory_space<vmem>>
        %dma_start3A_723 = tpu.memref_squeeze %dma_start3A_722 : memref<1x64xi32, #tpu.memory_space<vmem>> -> memref<64xi32, #tpu.memory_space<vmem>>
        %dma_start3A_724 = tpu.memref_slice %arg4[%add3A_718] : memref<327680xi32, #tpu.memory_space<hbm>> -> memref<64xi32, #tpu.memory_space<hbm>>
        %dma_start3A_725 = tpu.memref_slice %arg11[%dma_start3A_720] : memref<8x!tpu.dma_semaphore, #tpu.memory_space<semaphore_mem>> -> memref<1x!tpu.dma_semaphore, #tpu.memory_space<semaphore_mem>>
        %dma_start3A_726 = tpu.memref_squeeze %dma_start3A_725 : memref<1x!tpu.dma_semaphore, #tpu.memory_space<semaphore_mem>> -> memref<!tpu.dma_semaphore, #tpu.memory_space<semaphore_mem>>
        %dma_start3A_727 = arith.constant 0 : i32
        %dma_start3A_728 = tpu.memref_slice %arg7[%dma_start3A_719, %dma_start3A_727] : memref<8x64xi32, #tpu.memory_space<vmem>> -> memref<1x64xi32, #tpu.memory_space<vmem>>
        %dma_start3A_729 = tpu.memref_squeeze %dma_start3A_728 : memref<1x64xi32, #tpu.memory_space<vmem>> -> memref<64xi32, #tpu.memory_space<vmem>>
        %dma_start3A_730 = tpu.memref_slice %arg4[%add3A_718] : memref<327680xi32, #tpu.memory_space<hbm>> -> memref<64xi32, #tpu.memory_space<hbm>>
        tpu.enqueue_dma source(%dma_start3A_730 : memref<64xi32, #tpu.memory_space<hbm>>) target(%dma_start3A_729 : memref<64xi32, #tpu.memory_space<vmem>>) target_semaphore(%dma_start3A_726 : memref<!tpu.dma_semaphore, #tpu.memory_space<semaphore_mem>>)
      } else {
      }
      %add3A_394 = arith.constant 3 : i32
      %add3A_395 = arith.addi %add3A_231, %add3A_394 : i32
      %dma_wait3A_396 = arith.constant 3 : i32
      %dma_wait3A_397 = arith.constant 3 : i32
      %dma_wait3A_398 = arith.constant 3 : i32
      %dma_wait3A_399 = arith.constant 0 : i32
      %dma_wait3A_400 = arith.constant 0 : i32
      %dma_wait3A_401 = tpu.memref_slice %arg8[%dma_wait3A_397, %dma_wait3A_399, %dma_wait3A_400] : memref<4x64x128xf32, #tpu.memory_space<vmem>> -> memref<1x64x128xf32, #tpu.memory_space<vmem>>
      %dma_wait3A_402 = tpu.memref_squeeze %dma_wait3A_401 : memref<1x64x128xf32, #tpu.memory_space<vmem>> -> memref<64x128xf32, #tpu.memory_space<vmem>>
      %dma_wait3A_403 = arith.constant 0 : i32
      %dma_wait3A_404 = tpu.memref_slice %arg6[%dma_wait3A_396, %dma_wait3A_403] : memref<8x64xi32, #tpu.memory_space<vmem>> -> memref<1x64xi32, #tpu.memory_space<vmem>>
      %dma_wait3A_405 = tpu.memref_squeeze %dma_wait3A_404 : memref<1x64xi32, #tpu.memory_space<vmem>> -> memref<64xi32, #tpu.memory_space<vmem>>
      %dma_wait3A_406 = arith.constant 0 : i32
      %dma_wait3A_407 = arith.constant 0 : i32
      %dma_wait3A_408 = tpu.memref_slice %arg2[%dma_wait3A_406, %dma_wait3A_407] : memref<10240x128xf32, #tpu.memory_space<hbm>> -> memref<10240x128xf32, #tpu.memory_space<hbm>>
      %dma_wait3A_409 = tpu.memref_slice %arg9[%dma_wait3A_398] : memref<4x!tpu.dma_semaphore, #tpu.memory_space<semaphore_mem>> -> memref<1x!tpu.dma_semaphore, #tpu.memory_space<semaphore_mem>>
      %dma_wait3A_410 = tpu.memref_squeeze %dma_wait3A_409 : memref<1x!tpu.dma_semaphore, #tpu.memory_space<semaphore_mem>> -> memref<!tpu.dma_semaphore, #tpu.memory_space<semaphore_mem>>
      tpu.wait_indirect_dma semaphore(%dma_wait3A_410 : memref<!tpu.dma_semaphore, #tpu.memory_space<semaphore_mem>>) src(%dma_wait3A_408 : memref<10240x128xf32, #tpu.memory_space<hbm>>) dst(%dma_wait3A_402 : memref<64x128xf32, #tpu.memory_space<vmem>>)
      %dma_start3A_411 = arith.constant 3 : i32
      %dma_start3A_412 = arith.constant 3 : i32
      %dma_start3A_413 = arith.constant 3 : i32
      %dma_start3A_414 = arith.constant 0 : i32
      %dma_start3A_415 = arith.constant 0 : i32
      %dma_start3A_416 = tpu.memref_slice %arg8[%dma_start3A_411, %dma_start3A_414, %dma_start3A_415] : memref<4x64x128xf32, #tpu.memory_space<vmem>> -> memref<1x64x128xf32, #tpu.memory_space<vmem>>
      %dma_start3A_417 = tpu.memref_squeeze %dma_start3A_416 : memref<1x64x128xf32, #tpu.memory_space<vmem>> -> memref<64x128xf32, #tpu.memory_space<vmem>>
      %dma_start3A_418 = arith.constant 0 : i32
      %dma_start3A_419 = tpu.memref_slice %arg7[%dma_start3A_412, %dma_start3A_418] : memref<8x64xi32, #tpu.memory_space<vmem>> -> memref<1x64xi32, #tpu.memory_space<vmem>>
      %dma_start3A_420 = tpu.memref_squeeze %dma_start3A_419 : memref<1x64xi32, #tpu.memory_space<vmem>> -> memref<64xi32, #tpu.memory_space<vmem>>
      %dma_start3A_421 = arith.constant 0 : i32
      %dma_start3A_422 = arith.constant 0 : i32
      %dma_start3A_423 = tpu.memref_slice %arg12[%dma_start3A_421, %dma_start3A_422] : memref<10000x128xf32, #tpu.memory_space<vmem_shared>> -> memref<10000x128xf32, #tpu.memory_space<vmem_shared>>
      %dma_start3A_424 = tpu.memref_slice %arg10[%dma_start3A_413] : memref<4x!tpu.dma_semaphore, #tpu.memory_space<semaphore_mem>> -> memref<1x!tpu.dma_semaphore, #tpu.memory_space<semaphore_mem>>
      %dma_start3A_425 = tpu.memref_squeeze %dma_start3A_424 : memref<1x!tpu.dma_semaphore, #tpu.memory_space<semaphore_mem>> -> memref<!tpu.dma_semaphore, #tpu.memory_space<semaphore_mem>>
      tpu.enqueue_indirect_dma source(%dma_start3A_417 : memref<64x128xf32, #tpu.memory_space<vmem>>) target(%dma_start3A_423 : memref<10000x128xf32, #tpu.memory_space<vmem_shared>>) offsets(%dma_start3A_420 : memref<64xi32, #tpu.memory_space<vmem>>) semaphore(%dma_start3A_425 : memref<!tpu.dma_semaphore, #tpu.memory_space<semaphore_mem>>) {add = true}
      %dma_wait3A_426 = arith.constant 1 : i32
      %dma_wait3A_427 = arith.constant 1 : i32
      %dma_wait3A_428 = arith.constant 1 : i32
      %dma_wait3A_429 = arith.constant 0 : i32
      %dma_wait3A_430 = arith.constant 0 : i32
      %dma_wait3A_431 = tpu.memref_slice %arg8[%dma_wait3A_426, %dma_wait3A_429, %dma_wait3A_430] : memref<4x64x128xf32, #tpu.memory_space<vmem>> -> memref<1x64x128xf32, #tpu.memory_space<vmem>>
      %dma_wait3A_432 = tpu.memref_squeeze %dma_wait3A_431 : memref<1x64x128xf32, #tpu.memory_space<vmem>> -> memref<64x128xf32, #tpu.memory_space<vmem>>
      %dma_wait3A_433 = arith.constant 0 : i32
      %dma_wait3A_434 = tpu.memref_slice %arg7[%dma_wait3A_427, %dma_wait3A_433] : memref<8x64xi32, #tpu.memory_space<vmem>> -> memref<1x64xi32, #tpu.memory_space<vmem>>
      %dma_wait3A_435 = tpu.memref_squeeze %dma_wait3A_434 : memref<1x64xi32, #tpu.memory_space<vmem>> -> memref<64xi32, #tpu.memory_space<vmem>>
      %dma_wait3A_436 = arith.constant 0 : i32
      %dma_wait3A_437 = arith.constant 0 : i32
      %dma_wait3A_438 = tpu.memref_slice %arg12[%dma_wait3A_436, %dma_wait3A_437] : memref<10000x128xf32, #tpu.memory_space<vmem_shared>> -> memref<10000x128xf32, #tpu.memory_space<vmem_shared>>
      %dma_wait3A_439 = tpu.memref_slice %arg10[%dma_wait3A_428] : memref<4x!tpu.dma_semaphore, #tpu.memory_space<semaphore_mem>> -> memref<1x!tpu.dma_semaphore, #tpu.memory_space<semaphore_mem>>
      %dma_wait3A_440 = tpu.memref_squeeze %dma_wait3A_439 : memref<1x!tpu.dma_semaphore, #tpu.memory_space<semaphore_mem>> -> memref<!tpu.dma_semaphore, #tpu.memory_space<semaphore_mem>>
      tpu.wait_indirect_dma semaphore(%dma_wait3A_440 : memref<!tpu.dma_semaphore, #tpu.memory_space<semaphore_mem>>) src(%dma_wait3A_432 : memref<64x128xf32, #tpu.memory_space<vmem>>) dst(%dma_wait3A_438 : memref<10000x128xf32, #tpu.memory_space<vmem_shared>>)
      %add3A_441 = arith.constant 2 : i32
      %add3A_442 = arith.addi %add3A_395, %add3A_441 : i32
      %lt3A_443 = arith.constant 160 : i32
      %lt3A_444 = arith.cmpi slt, %add3A_442, %lt3A_443 : i32
      %convert_element_type3A_445 = arith.extui %lt3A_444 : i1 to i32
      %cond3A_446 = arith.constant 0 : i32
      %cond3A_447 = arith.cmpi ne, %convert_element_type3A_445, %cond3A_446 : i32
      scf.if %cond3A_447 {
        %add3A_699 = arith.constant 2 : i32
        %add3A_700 = arith.addi %add3A_395, %add3A_699 : i32
        %mul3A_701 = arith.constant 64 : i32
        %mul3A_702 = arith.muli %add3A_700, %mul3A_701 : i32
        %add3A_703 = arith.addi %mul3A_6, %mul3A_702 : i32
        %dma_wait3A_704 = arith.constant 5 : i32
        %dma_wait3A_705 = arith.constant 5 : i32
        %dma_wait3A_706 = arith.constant 0 : i32
        %dma_wait3A_707 = tpu.memref_slice %arg6[%dma_wait3A_704, %dma_wait3A_706] : memref<8x64xi32, #tpu.memory_space<vmem>> -> memref<1x64xi32, #tpu.memory_space<vmem>>
        %dma_wait3A_708 = tpu.memref_squeeze %dma_wait3A_707 : memref<1x64xi32, #tpu.memory_space<vmem>> -> memref<64xi32, #tpu.memory_space<vmem>>
        %dma_wait3A_709 = tpu.memref_slice %arg3[%add3A_703] : memref<327680xi32, #tpu.memory_space<hbm>> -> memref<64xi32, #tpu.memory_space<hbm>>
        %dma_wait3A_710 = tpu.memref_slice %arg11[%dma_wait3A_705] : memref<8x!tpu.dma_semaphore, #tpu.memory_space<semaphore_mem>> -> memref<1x!tpu.dma_semaphore, #tpu.memory_space<semaphore_mem>>
        %dma_wait3A_711 = tpu.memref_squeeze %dma_wait3A_710 : memref<1x!tpu.dma_semaphore, #tpu.memory_space<semaphore_mem>> -> memref<!tpu.dma_semaphore, #tpu.memory_space<semaphore_mem>>
        %dma_wait3A_712 = arith.constant 0 : i32
        %dma_wait3A_713 = tpu.memref_slice %arg6[%dma_wait3A_704, %dma_wait3A_712] : memref<8x64xi32, #tpu.memory_space<vmem>> -> memref<1x64xi32, #tpu.memory_space<vmem>>
        %dma_wait3A_714 = tpu.memref_squeeze %dma_wait3A_713 : memref<1x64xi32, #tpu.memory_space<vmem>> -> memref<64xi32, #tpu.memory_space<vmem>>
        %dma_wait3A_715 = tpu.memref_slice %arg3[%add3A_703] : memref<327680xi32, #tpu.memory_space<hbm>> -> memref<64xi32, #tpu.memory_space<hbm>>
        tpu.wait_dma2 semaphore(%dma_wait3A_711 : memref<!tpu.dma_semaphore, #tpu.memory_space<semaphore_mem>>) src(%dma_wait3A_715 : memref<64xi32, #tpu.memory_space<hbm>>) dst(%dma_wait3A_714 : memref<64xi32, #tpu.memory_space<vmem>>)
        %mul3A_716 = arith.constant 64 : i32
        %mul3A_717 = arith.muli %add3A_700, %mul3A_716 : i32
        %add3A_718 = arith.addi %mul3A_6, %mul3A_717 : i32
        %dma_wait3A_719 = arith.constant 5 : i32
        %dma_wait3A_720 = arith.constant 5 : i32
        %dma_wait3A_721 = arith.constant 0 : i32
        %dma_wait3A_722 = tpu.memref_slice %arg7[%dma_wait3A_719, %dma_wait3A_721] : memref<8x64xi32, #tpu.memory_space<vmem>> -> memref<1x64xi32, #tpu.memory_space<vmem>>
        %dma_wait3A_723 = tpu.memref_squeeze %dma_wait3A_722 : memref<1x64xi32, #tpu.memory_space<vmem>> -> memref<64xi32, #tpu.memory_space<vmem>>
        %dma_wait3A_724 = tpu.memref_slice %arg4[%add3A_718] : memref<327680xi32, #tpu.memory_space<hbm>> -> memref<64xi32, #tpu.memory_space<hbm>>
        %dma_wait3A_725 = tpu.memref_slice %arg11[%dma_wait3A_720] : memref<8x!tpu.dma_semaphore, #tpu.memory_space<semaphore_mem>> -> memref<1x!tpu.dma_semaphore, #tpu.memory_space<semaphore_mem>>
        %dma_wait3A_726 = tpu.memref_squeeze %dma_wait3A_725 : memref<1x!tpu.dma_semaphore, #tpu.memory_space<semaphore_mem>> -> memref<!tpu.dma_semaphore, #tpu.memory_space<semaphore_mem>>
        %dma_wait3A_727 = arith.constant 0 : i32
        %dma_wait3A_728 = tpu.memref_slice %arg7[%dma_wait3A_719, %dma_wait3A_727] : memref<8x64xi32, #tpu.memory_space<vmem>> -> memref<1x64xi32, #tpu.memory_space<vmem>>
        %dma_wait3A_729 = tpu.memref_squeeze %dma_wait3A_728 : memref<1x64xi32, #tpu.memory_space<vmem>> -> memref<64xi32, #tpu.memory_space<vmem>>
        %dma_wait3A_730 = tpu.memref_slice %arg4[%add3A_718] : memref<327680xi32, #tpu.memory_space<hbm>> -> memref<64xi32, #tpu.memory_space<hbm>>
        tpu.wait_dma2 semaphore(%dma_wait3A_726 : memref<!tpu.dma_semaphore, #tpu.memory_space<semaphore_mem>>) src(%dma_wait3A_730 : memref<64xi32, #tpu.memory_space<hbm>>) dst(%dma_wait3A_729 : memref<64xi32, #tpu.memory_space<vmem>>)
        %dma_start3A_731 = arith.constant 5 : i32
        %dma_start3A_732 = arith.constant 1 : i32
        %dma_start3A_733 = arith.constant 1 : i32
        %dma_start3A_734 = arith.constant 0 : i32
        %dma_start3A_735 = arith.constant 0 : i32
        %dma_start3A_736 = tpu.memref_slice %arg8[%dma_start3A_732, %dma_start3A_734, %dma_start3A_735] : memref<4x64x128xf32, #tpu.memory_space<vmem>> -> memref<1x64x128xf32, #tpu.memory_space<vmem>>
        %dma_start3A_737 = tpu.memref_squeeze %dma_start3A_736 : memref<1x64x128xf32, #tpu.memory_space<vmem>> -> memref<64x128xf32, #tpu.memory_space<vmem>>
        %dma_start3A_738 = arith.constant 0 : i32
        %dma_start3A_739 = tpu.memref_slice %arg6[%dma_start3A_731, %dma_start3A_738] : memref<8x64xi32, #tpu.memory_space<vmem>> -> memref<1x64xi32, #tpu.memory_space<vmem>>
        %dma_start3A_740 = tpu.memref_squeeze %dma_start3A_739 : memref<1x64xi32, #tpu.memory_space<vmem>> -> memref<64xi32, #tpu.memory_space<vmem>>
        %dma_start3A_741 = arith.constant 0 : i32
        %dma_start3A_742 = arith.constant 0 : i32
        %dma_start3A_743 = tpu.memref_slice %arg2[%dma_start3A_741, %dma_start3A_742] : memref<10240x128xf32, #tpu.memory_space<hbm>> -> memref<10240x128xf32, #tpu.memory_space<hbm>>
        %dma_start3A_744 = tpu.memref_slice %arg9[%dma_start3A_733] : memref<4x!tpu.dma_semaphore, #tpu.memory_space<semaphore_mem>> -> memref<1x!tpu.dma_semaphore, #tpu.memory_space<semaphore_mem>>
        %dma_start3A_745 = tpu.memref_squeeze %dma_start3A_744 : memref<1x!tpu.dma_semaphore, #tpu.memory_space<semaphore_mem>> -> memref<!tpu.dma_semaphore, #tpu.memory_space<semaphore_mem>>
        tpu.enqueue_indirect_dma source(%dma_start3A_743 : memref<10240x128xf32, #tpu.memory_space<hbm>>) target(%dma_start3A_737 : memref<64x128xf32, #tpu.memory_space<vmem>>) offsets(%dma_start3A_740 : memref<64xi32, #tpu.memory_space<vmem>>) semaphore(%dma_start3A_745 : memref<!tpu.dma_semaphore, #tpu.memory_space<semaphore_mem>>)
      } else {
      }
      %add3A_448 = arith.constant 5 : i32
      %add3A_449 = arith.addi %add3A_395, %add3A_448 : i32
      %lt3A_450 = arith.constant 160 : i32
      %lt3A_451 = arith.cmpi slt, %add3A_449, %lt3A_450 : i32
      %convert_element_type3A_452 = arith.extui %lt3A_451 : i1 to i32
      %cond3A_453 = arith.constant 0 : i32
      %cond3A_454 = arith.cmpi ne, %convert_element_type3A_452, %cond3A_453 : i32
      scf.if %cond3A_454 {
        %add3A_699 = arith.constant 5 : i32
        %add3A_700 = arith.addi %add3A_395, %add3A_699 : i32
        %mul3A_701 = arith.constant 64 : i32
        %mul3A_702 = arith.muli %add3A_700, %mul3A_701 : i32
        %add3A_703 = arith.addi %mul3A_6, %mul3A_702 : i32
        %dma_start3A_704 = arith.constant 0 : i32
        %dma_start3A_705 = arith.constant 0 : i32
        %dma_start3A_706 = arith.constant 0 : i32
        %dma_start3A_707 = tpu.memref_slice %arg6[%dma_start3A_704, %dma_start3A_706] : memref<8x64xi32, #tpu.memory_space<vmem>> -> memref<1x64xi32, #tpu.memory_space<vmem>>
        %dma_start3A_708 = tpu.memref_squeeze %dma_start3A_707 : memref<1x64xi32, #tpu.memory_space<vmem>> -> memref<64xi32, #tpu.memory_space<vmem>>
        %dma_start3A_709 = tpu.memref_slice %arg3[%add3A_703] : memref<327680xi32, #tpu.memory_space<hbm>> -> memref<64xi32, #tpu.memory_space<hbm>>
        %dma_start3A_710 = tpu.memref_slice %arg11[%dma_start3A_705] : memref<8x!tpu.dma_semaphore, #tpu.memory_space<semaphore_mem>> -> memref<1x!tpu.dma_semaphore, #tpu.memory_space<semaphore_mem>>
        %dma_start3A_711 = tpu.memref_squeeze %dma_start3A_710 : memref<1x!tpu.dma_semaphore, #tpu.memory_space<semaphore_mem>> -> memref<!tpu.dma_semaphore, #tpu.memory_space<semaphore_mem>>
        %dma_start3A_712 = arith.constant 0 : i32
        %dma_start3A_713 = tpu.memref_slice %arg6[%dma_start3A_704, %dma_start3A_712] : memref<8x64xi32, #tpu.memory_space<vmem>> -> memref<1x64xi32, #tpu.memory_space<vmem>>
        %dma_start3A_714 = tpu.memref_squeeze %dma_start3A_713 : memref<1x64xi32, #tpu.memory_space<vmem>> -> memref<64xi32, #tpu.memory_space<vmem>>
        %dma_start3A_715 = tpu.memref_slice %arg3[%add3A_703] : memref<327680xi32, #tpu.memory_space<hbm>> -> memref<64xi32, #tpu.memory_space<hbm>>
        tpu.enqueue_dma source(%dma_start3A_715 : memref<64xi32, #tpu.memory_space<hbm>>) target(%dma_start3A_714 : memref<64xi32, #tpu.memory_space<vmem>>) target_semaphore(%dma_start3A_711 : memref<!tpu.dma_semaphore, #tpu.memory_space<semaphore_mem>>)
        %mul3A_716 = arith.constant 64 : i32
        %mul3A_717 = arith.muli %add3A_700, %mul3A_716 : i32
        %add3A_718 = arith.addi %mul3A_6, %mul3A_717 : i32
        %dma_start3A_719 = arith.constant 0 : i32
        %dma_start3A_720 = arith.constant 0 : i32
        %dma_start3A_721 = arith.constant 0 : i32
        %dma_start3A_722 = tpu.memref_slice %arg7[%dma_start3A_719, %dma_start3A_721] : memref<8x64xi32, #tpu.memory_space<vmem>> -> memref<1x64xi32, #tpu.memory_space<vmem>>
        %dma_start3A_723 = tpu.memref_squeeze %dma_start3A_722 : memref<1x64xi32, #tpu.memory_space<vmem>> -> memref<64xi32, #tpu.memory_space<vmem>>
        %dma_start3A_724 = tpu.memref_slice %arg4[%add3A_718] : memref<327680xi32, #tpu.memory_space<hbm>> -> memref<64xi32, #tpu.memory_space<hbm>>
        %dma_start3A_725 = tpu.memref_slice %arg11[%dma_start3A_720] : memref<8x!tpu.dma_semaphore, #tpu.memory_space<semaphore_mem>> -> memref<1x!tpu.dma_semaphore, #tpu.memory_space<semaphore_mem>>
        %dma_start3A_726 = tpu.memref_squeeze %dma_start3A_725 : memref<1x!tpu.dma_semaphore, #tpu.memory_space<semaphore_mem>> -> memref<!tpu.dma_semaphore, #tpu.memory_space<semaphore_mem>>
        %dma_start3A_727 = arith.constant 0 : i32
        %dma_start3A_728 = tpu.memref_slice %arg7[%dma_start3A_719, %dma_start3A_727] : memref<8x64xi32, #tpu.memory_space<vmem>> -> memref<1x64xi32, #tpu.memory_space<vmem>>
        %dma_start3A_729 = tpu.memref_squeeze %dma_start3A_728 : memref<1x64xi32, #tpu.memory_space<vmem>> -> memref<64xi32, #tpu.memory_space<vmem>>
        %dma_start3A_730 = tpu.memref_slice %arg4[%add3A_718] : memref<327680xi32, #tpu.memory_space<hbm>> -> memref<64xi32, #tpu.memory_space<hbm>>
        tpu.enqueue_dma source(%dma_start3A_730 : memref<64xi32, #tpu.memory_space<hbm>>) target(%dma_start3A_729 : memref<64xi32, #tpu.memory_space<vmem>>) target_semaphore(%dma_start3A_726 : memref<!tpu.dma_semaphore, #tpu.memory_space<semaphore_mem>>)
      } else {
      }
      %add3A_455 = arith.constant 4 : i32
      %add3A_456 = arith.addi %add3A_231, %add3A_455 : i32
      %dma_wait3A_457 = arith.constant 4 : i32
      %dma_wait3A_458 = arith.constant 0 : i32
      %dma_wait3A_459 = arith.constant 0 : i32
      %dma_wait3A_460 = arith.constant 0 : i32
      %dma_wait3A_461 = arith.constant 0 : i32
      %dma_wait3A_462 = tpu.memref_slice %arg8[%dma_wait3A_458, %dma_wait3A_460, %dma_wait3A_461] : memref<4x64x128xf32, #tpu.memory_space<vmem>> -> memref<1x64x128xf32, #tpu.memory_space<vmem>>
      %dma_wait3A_463 = tpu.memref_squeeze %dma_wait3A_462 : memref<1x64x128xf32, #tpu.memory_space<vmem>> -> memref<64x128xf32, #tpu.memory_space<vmem>>
      %dma_wait3A_464 = arith.constant 0 : i32
      %dma_wait3A_465 = tpu.memref_slice %arg6[%dma_wait3A_457, %dma_wait3A_464] : memref<8x64xi32, #tpu.memory_space<vmem>> -> memref<1x64xi32, #tpu.memory_space<vmem>>
      %dma_wait3A_466 = tpu.memref_squeeze %dma_wait3A_465 : memref<1x64xi32, #tpu.memory_space<vmem>> -> memref<64xi32, #tpu.memory_space<vmem>>
      %dma_wait3A_467 = arith.constant 0 : i32
      %dma_wait3A_468 = arith.constant 0 : i32
      %dma_wait3A_469 = tpu.memref_slice %arg2[%dma_wait3A_467, %dma_wait3A_468] : memref<10240x128xf32, #tpu.memory_space<hbm>> -> memref<10240x128xf32, #tpu.memory_space<hbm>>
      %dma_wait3A_470 = tpu.memref_slice %arg9[%dma_wait3A_459] : memref<4x!tpu.dma_semaphore, #tpu.memory_space<semaphore_mem>> -> memref<1x!tpu.dma_semaphore, #tpu.memory_space<semaphore_mem>>
      %dma_wait3A_471 = tpu.memref_squeeze %dma_wait3A_470 : memref<1x!tpu.dma_semaphore, #tpu.memory_space<semaphore_mem>> -> memref<!tpu.dma_semaphore, #tpu.memory_space<semaphore_mem>>
      tpu.wait_indirect_dma semaphore(%dma_wait3A_471 : memref<!tpu.dma_semaphore, #tpu.memory_space<semaphore_mem>>) src(%dma_wait3A_469 : memref<10240x128xf32, #tpu.memory_space<hbm>>) dst(%dma_wait3A_463 : memref<64x128xf32, #tpu.memory_space<vmem>>)
      %dma_start3A_472 = arith.constant 0 : i32
      %dma_start3A_473 = arith.constant 4 : i32
      %dma_start3A_474 = arith.constant 0 : i32
      %dma_start3A_475 = arith.constant 0 : i32
      %dma_start3A_476 = arith.constant 0 : i32
      %dma_start3A_477 = tpu.memref_slice %arg8[%dma_start3A_472, %dma_start3A_475, %dma_start3A_476] : memref<4x64x128xf32, #tpu.memory_space<vmem>> -> memref<1x64x128xf32, #tpu.memory_space<vmem>>
      %dma_start3A_478 = tpu.memref_squeeze %dma_start3A_477 : memref<1x64x128xf32, #tpu.memory_space<vmem>> -> memref<64x128xf32, #tpu.memory_space<vmem>>
      %dma_start3A_479 = arith.constant 0 : i32
      %dma_start3A_480 = tpu.memref_slice %arg7[%dma_start3A_473, %dma_start3A_479] : memref<8x64xi32, #tpu.memory_space<vmem>> -> memref<1x64xi32, #tpu.memory_space<vmem>>
      %dma_start3A_481 = tpu.memref_squeeze %dma_start3A_480 : memref<1x64xi32, #tpu.memory_space<vmem>> -> memref<64xi32, #tpu.memory_space<vmem>>
      %dma_start3A_482 = arith.constant 0 : i32
      %dma_start3A_483 = arith.constant 0 : i32
      %dma_start3A_484 = tpu.memref_slice %arg12[%dma_start3A_482, %dma_start3A_483] : memref<10000x128xf32, #tpu.memory_space<vmem_shared>> -> memref<10000x128xf32, #tpu.memory_space<vmem_shared>>
      %dma_start3A_485 = tpu.memref_slice %arg10[%dma_start3A_474] : memref<4x!tpu.dma_semaphore, #tpu.memory_space<semaphore_mem>> -> memref<1x!tpu.dma_semaphore, #tpu.memory_space<semaphore_mem>>
      %dma_start3A_486 = tpu.memref_squeeze %dma_start3A_485 : memref<1x!tpu.dma_semaphore, #tpu.memory_space<semaphore_mem>> -> memref<!tpu.dma_semaphore, #tpu.memory_space<semaphore_mem>>
      tpu.enqueue_indirect_dma source(%dma_start3A_478 : memref<64x128xf32, #tpu.memory_space<vmem>>) target(%dma_start3A_484 : memref<10000x128xf32, #tpu.memory_space<vmem_shared>>) offsets(%dma_start3A_481 : memref<64xi32, #tpu.memory_space<vmem>>) semaphore(%dma_start3A_486 : memref<!tpu.dma_semaphore, #tpu.memory_space<semaphore_mem>>) {add = true}
      %dma_wait3A_487 = arith.constant 2 : i32
      %dma_wait3A_488 = arith.constant 2 : i32
      %dma_wait3A_489 = arith.constant 2 : i32
      %dma_wait3A_490 = arith.constant 0 : i32
      %dma_wait3A_491 = arith.constant 0 : i32
      %dma_wait3A_492 = tpu.memref_slice %arg8[%dma_wait3A_487, %dma_wait3A_490, %dma_wait3A_491] : memref<4x64x128xf32, #tpu.memory_space<vmem>> -> memref<1x64x128xf32, #tpu.memory_space<vmem>>
      %dma_wait3A_493 = tpu.memref_squeeze %dma_wait3A_492 : memref<1x64x128xf32, #tpu.memory_space<vmem>> -> memref<64x128xf32, #tpu.memory_space<vmem>>
      %dma_wait3A_494 = arith.constant 0 : i32
      %dma_wait3A_495 = tpu.memref_slice %arg7[%dma_wait3A_488, %dma_wait3A_494] : memref<8x64xi32, #tpu.memory_space<vmem>> -> memref<1x64xi32, #tpu.memory_space<vmem>>
      %dma_wait3A_496 = tpu.memref_squeeze %dma_wait3A_495 : memref<1x64xi32, #tpu.memory_space<vmem>> -> memref<64xi32, #tpu.memory_space<vmem>>
      %dma_wait3A_497 = arith.constant 0 : i32
      %dma_wait3A_498 = arith.constant 0 : i32
      %dma_wait3A_499 = tpu.memref_slice %arg12[%dma_wait3A_497, %dma_wait3A_498] : memref<10000x128xf32, #tpu.memory_space<vmem_shared>> -> memref<10000x128xf32, #tpu.memory_space<vmem_shared>>
      %dma_wait3A_500 = tpu.memref_slice %arg10[%dma_wait3A_489] : memref<4x!tpu.dma_semaphore, #tpu.memory_space<semaphore_mem>> -> memref<1x!tpu.dma_semaphore, #tpu.memory_space<semaphore_mem>>
      %dma_wait3A_501 = tpu.memref_squeeze %dma_wait3A_500 : memref<1x!tpu.dma_semaphore, #tpu.memory_space<semaphore_mem>> -> memref<!tpu.dma_semaphore, #tpu.memory_space<semaphore_mem>>
      tpu.wait_indirect_dma semaphore(%dma_wait3A_501 : memref<!tpu.dma_semaphore, #tpu.memory_space<semaphore_mem>>) src(%dma_wait3A_493 : memref<64x128xf32, #tpu.memory_space<vmem>>) dst(%dma_wait3A_499 : memref<10000x128xf32, #tpu.memory_space<vmem_shared>>)
      %add3A_502 = arith.constant 2 : i32
      %add3A_503 = arith.addi %add3A_456, %add3A_502 : i32
      %lt3A_504 = arith.constant 160 : i32
      %lt3A_505 = arith.cmpi slt, %add3A_503, %lt3A_504 : i32
      %convert_element_type3A_506 = arith.extui %lt3A_505 : i1 to i32
      %cond3A_507 = arith.constant 0 : i32
      %cond3A_508 = arith.cmpi ne, %convert_element_type3A_506, %cond3A_507 : i32
      scf.if %cond3A_508 {
        %add3A_699 = arith.constant 2 : i32
        %add3A_700 = arith.addi %add3A_456, %add3A_699 : i32
        %mul3A_701 = arith.constant 64 : i32
        %mul3A_702 = arith.muli %add3A_700, %mul3A_701 : i32
        %add3A_703 = arith.addi %mul3A_6, %mul3A_702 : i32
        %dma_wait3A_704 = arith.constant 6 : i32
        %dma_wait3A_705 = arith.constant 6 : i32
        %dma_wait3A_706 = arith.constant 0 : i32
        %dma_wait3A_707 = tpu.memref_slice %arg6[%dma_wait3A_704, %dma_wait3A_706] : memref<8x64xi32, #tpu.memory_space<vmem>> -> memref<1x64xi32, #tpu.memory_space<vmem>>
        %dma_wait3A_708 = tpu.memref_squeeze %dma_wait3A_707 : memref<1x64xi32, #tpu.memory_space<vmem>> -> memref<64xi32, #tpu.memory_space<vmem>>
        %dma_wait3A_709 = tpu.memref_slice %arg3[%add3A_703] : memref<327680xi32, #tpu.memory_space<hbm>> -> memref<64xi32, #tpu.memory_space<hbm>>
        %dma_wait3A_710 = tpu.memref_slice %arg11[%dma_wait3A_705] : memref<8x!tpu.dma_semaphore, #tpu.memory_space<semaphore_mem>> -> memref<1x!tpu.dma_semaphore, #tpu.memory_space<semaphore_mem>>
        %dma_wait3A_711 = tpu.memref_squeeze %dma_wait3A_710 : memref<1x!tpu.dma_semaphore, #tpu.memory_space<semaphore_mem>> -> memref<!tpu.dma_semaphore, #tpu.memory_space<semaphore_mem>>
        %dma_wait3A_712 = arith.constant 0 : i32
        %dma_wait3A_713 = tpu.memref_slice %arg6[%dma_wait3A_704, %dma_wait3A_712] : memref<8x64xi32, #tpu.memory_space<vmem>> -> memref<1x64xi32, #tpu.memory_space<vmem>>
        %dma_wait3A_714 = tpu.memref_squeeze %dma_wait3A_713 : memref<1x64xi32, #tpu.memory_space<vmem>> -> memref<64xi32, #tpu.memory_space<vmem>>
        %dma_wait3A_715 = tpu.memref_slice %arg3[%add3A_703] : memref<327680xi32, #tpu.memory_space<hbm>> -> memref<64xi32, #tpu.memory_space<hbm>>
        tpu.wait_dma2 semaphore(%dma_wait3A_711 : memref<!tpu.dma_semaphore, #tpu.memory_space<semaphore_mem>>) src(%dma_wait3A_715 : memref<64xi32, #tpu.memory_space<hbm>>) dst(%dma_wait3A_714 : memref<64xi32, #tpu.memory_space<vmem>>)
        %mul3A_716 = arith.constant 64 : i32
        %mul3A_717 = arith.muli %add3A_700, %mul3A_716 : i32
        %add3A_718 = arith.addi %mul3A_6, %mul3A_717 : i32
        %dma_wait3A_719 = arith.constant 6 : i32
        %dma_wait3A_720 = arith.constant 6 : i32
        %dma_wait3A_721 = arith.constant 0 : i32
        %dma_wait3A_722 = tpu.memref_slice %arg7[%dma_wait3A_719, %dma_wait3A_721] : memref<8x64xi32, #tpu.memory_space<vmem>> -> memref<1x64xi32, #tpu.memory_space<vmem>>
        %dma_wait3A_723 = tpu.memref_squeeze %dma_wait3A_722 : memref<1x64xi32, #tpu.memory_space<vmem>> -> memref<64xi32, #tpu.memory_space<vmem>>
        %dma_wait3A_724 = tpu.memref_slice %arg4[%add3A_718] : memref<327680xi32, #tpu.memory_space<hbm>> -> memref<64xi32, #tpu.memory_space<hbm>>
        %dma_wait3A_725 = tpu.memref_slice %arg11[%dma_wait3A_720] : memref<8x!tpu.dma_semaphore, #tpu.memory_space<semaphore_mem>> -> memref<1x!tpu.dma_semaphore, #tpu.memory_space<semaphore_mem>>
        %dma_wait3A_726 = tpu.memref_squeeze %dma_wait3A_725 : memref<1x!tpu.dma_semaphore, #tpu.memory_space<semaphore_mem>> -> memref<!tpu.dma_semaphore, #tpu.memory_space<semaphore_mem>>
        %dma_wait3A_727 = arith.constant 0 : i32
        %dma_wait3A_728 = tpu.memref_slice %arg7[%dma_wait3A_719, %dma_wait3A_727] : memref<8x64xi32, #tpu.memory_space<vmem>> -> memref<1x64xi32, #tpu.memory_space<vmem>>
        %dma_wait3A_729 = tpu.memref_squeeze %dma_wait3A_728 : memref<1x64xi32, #tpu.memory_space<vmem>> -> memref<64xi32, #tpu.memory_space<vmem>>
        %dma_wait3A_730 = tpu.memref_slice %arg4[%add3A_718] : memref<327680xi32, #tpu.memory_space<hbm>> -> memref<64xi32, #tpu.memory_space<hbm>>
        tpu.wait_dma2 semaphore(%dma_wait3A_726 : memref<!tpu.dma_semaphore, #tpu.memory_space<semaphore_mem>>) src(%dma_wait3A_730 : memref<64xi32, #tpu.memory_space<hbm>>) dst(%dma_wait3A_729 : memref<64xi32, #tpu.memory_space<vmem>>)
        %dma_start3A_731 = arith.constant 6 : i32
        %dma_start3A_732 = arith.constant 2 : i32
        %dma_start3A_733 = arith.constant 2 : i32
        %dma_start3A_734 = arith.constant 0 : i32
        %dma_start3A_735 = arith.constant 0 : i32
        %dma_start3A_736 = tpu.memref_slice %arg8[%dma_start3A_732, %dma_start3A_734, %dma_start3A_735] : memref<4x64x128xf32, #tpu.memory_space<vmem>> -> memref<1x64x128xf32, #tpu.memory_space<vmem>>
        %dma_start3A_737 = tpu.memref_squeeze %dma_start3A_736 : memref<1x64x128xf32, #tpu.memory_space<vmem>> -> memref<64x128xf32, #tpu.memory_space<vmem>>
        %dma_start3A_738 = arith.constant 0 : i32
        %dma_start3A_739 = tpu.memref_slice %arg6[%dma_start3A_731, %dma_start3A_738] : memref<8x64xi32, #tpu.memory_space<vmem>> -> memref<1x64xi32, #tpu.memory_space<vmem>>
        %dma_start3A_740 = tpu.memref_squeeze %dma_start3A_739 : memref<1x64xi32, #tpu.memory_space<vmem>> -> memref<64xi32, #tpu.memory_space<vmem>>
        %dma_start3A_741 = arith.constant 0 : i32
        %dma_start3A_742 = arith.constant 0 : i32
        %dma_start3A_743 = tpu.memref_slice %arg2[%dma_start3A_741, %dma_start3A_742] : memref<10240x128xf32, #tpu.memory_space<hbm>> -> memref<10240x128xf32, #tpu.memory_space<hbm>>
        %dma_start3A_744 = tpu.memref_slice %arg9[%dma_start3A_733] : memref<4x!tpu.dma_semaphore, #tpu.memory_space<semaphore_mem>> -> memref<1x!tpu.dma_semaphore, #tpu.memory_space<semaphore_mem>>
        %dma_start3A_745 = tpu.memref_squeeze %dma_start3A_744 : memref<1x!tpu.dma_semaphore, #tpu.memory_space<semaphore_mem>> -> memref<!tpu.dma_semaphore, #tpu.memory_space<semaphore_mem>>
        tpu.enqueue_indirect_dma source(%dma_start3A_743 : memref<10240x128xf32, #tpu.memory_space<hbm>>) target(%dma_start3A_737 : memref<64x128xf32, #tpu.memory_space<vmem>>) offsets(%dma_start3A_740 : memref<64xi32, #tpu.memory_space<vmem>>) semaphore(%dma_start3A_745 : memref<!tpu.dma_semaphore, #tpu.memory_space<semaphore_mem>>)
      } else {
      }
      %add3A_509 = arith.constant 5 : i32
      %add3A_510 = arith.addi %add3A_456, %add3A_509 : i32
      %lt3A_511 = arith.constant 160 : i32
      %lt3A_512 = arith.cmpi slt, %add3A_510, %lt3A_511 : i32
      %convert_element_type3A_513 = arith.extui %lt3A_512 : i1 to i32
      %cond3A_514 = arith.constant 0 : i32
      %cond3A_515 = arith.cmpi ne, %convert_element_type3A_513, %cond3A_514 : i32
      scf.if %cond3A_515 {
        %add3A_699 = arith.constant 5 : i32
        %add3A_700 = arith.addi %add3A_456, %add3A_699 : i32
        %mul3A_701 = arith.constant 64 : i32
        %mul3A_702 = arith.muli %add3A_700, %mul3A_701 : i32
        %add3A_703 = arith.addi %mul3A_6, %mul3A_702 : i32
        %dma_start3A_704 = arith.constant 1 : i32
        %dma_start3A_705 = arith.constant 1 : i32
        %dma_start3A_706 = arith.constant 0 : i32
        %dma_start3A_707 = tpu.memref_slice %arg6[%dma_start3A_704, %dma_start3A_706] : memref<8x64xi32, #tpu.memory_space<vmem>> -> memref<1x64xi32, #tpu.memory_space<vmem>>
        %dma_start3A_708 = tpu.memref_squeeze %dma_start3A_707 : memref<1x64xi32, #tpu.memory_space<vmem>> -> memref<64xi32, #tpu.memory_space<vmem>>
        %dma_start3A_709 = tpu.memref_slice %arg3[%add3A_703] : memref<327680xi32, #tpu.memory_space<hbm>> -> memref<64xi32, #tpu.memory_space<hbm>>
        %dma_start3A_710 = tpu.memref_slice %arg11[%dma_start3A_705] : memref<8x!tpu.dma_semaphore, #tpu.memory_space<semaphore_mem>> -> memref<1x!tpu.dma_semaphore, #tpu.memory_space<semaphore_mem>>
        %dma_start3A_711 = tpu.memref_squeeze %dma_start3A_710 : memref<1x!tpu.dma_semaphore, #tpu.memory_space<semaphore_mem>> -> memref<!tpu.dma_semaphore, #tpu.memory_space<semaphore_mem>>
        %dma_start3A_712 = arith.constant 0 : i32
        %dma_start3A_713 = tpu.memref_slice %arg6[%dma_start3A_704, %dma_start3A_712] : memref<8x64xi32, #tpu.memory_space<vmem>> -> memref<1x64xi32, #tpu.memory_space<vmem>>
        %dma_start3A_714 = tpu.memref_squeeze %dma_start3A_713 : memref<1x64xi32, #tpu.memory_space<vmem>> -> memref<64xi32, #tpu.memory_space<vmem>>
        %dma_start3A_715 = tpu.memref_slice %arg3[%add3A_703] : memref<327680xi32, #tpu.memory_space<hbm>> -> memref<64xi32, #tpu.memory_space<hbm>>
        tpu.enqueue_dma source(%dma_start3A_715 : memref<64xi32, #tpu.memory_space<hbm>>) target(%dma_start3A_714 : memref<64xi32, #tpu.memory_space<vmem>>) target_semaphore(%dma_start3A_711 : memref<!tpu.dma_semaphore, #tpu.memory_space<semaphore_mem>>)
        %mul3A_716 = arith.constant 64 : i32
        %mul3A_717 = arith.muli %add3A_700, %mul3A_716 : i32
        %add3A_718 = arith.addi %mul3A_6, %mul3A_717 : i32
        %dma_start3A_719 = arith.constant 1 : i32
        %dma_start3A_720 = arith.constant 1 : i32
        %dma_start3A_721 = arith.constant 0 : i32
        %dma_start3A_722 = tpu.memref_slice %arg7[%dma_start3A_719, %dma_start3A_721] : memref<8x64xi32, #tpu.memory_space<vmem>> -> memref<1x64xi32, #tpu.memory_space<vmem>>
        %dma_start3A_723 = tpu.memref_squeeze %dma_start3A_722 : memref<1x64xi32, #tpu.memory_space<vmem>> -> memref<64xi32, #tpu.memory_space<vmem>>
        %dma_start3A_724 = tpu.memref_slice %arg4[%add3A_718] : memref<327680xi32, #tpu.memory_space<hbm>> -> memref<64xi32, #tpu.memory_space<hbm>>
        %dma_start3A_725 = tpu.memref_slice %arg11[%dma_start3A_720] : memref<8x!tpu.dma_semaphore, #tpu.memory_space<semaphore_mem>> -> memref<1x!tpu.dma_semaphore, #tpu.memory_space<semaphore_mem>>
        %dma_start3A_726 = tpu.memref_squeeze %dma_start3A_725 : memref<1x!tpu.dma_semaphore, #tpu.memory_space<semaphore_mem>> -> memref<!tpu.dma_semaphore, #tpu.memory_space<semaphore_mem>>
        %dma_start3A_727 = arith.constant 0 : i32
        %dma_start3A_728 = tpu.memref_slice %arg7[%dma_start3A_719, %dma_start3A_727] : memref<8x64xi32, #tpu.memory_space<vmem>> -> memref<1x64xi32, #tpu.memory_space<vmem>>
        %dma_start3A_729 = tpu.memref_squeeze %dma_start3A_728 : memref<1x64xi32, #tpu.memory_space<vmem>> -> memref<64xi32, #tpu.memory_space<vmem>>
        %dma_start3A_730 = tpu.memref_slice %arg4[%add3A_718] : memref<327680xi32, #tpu.memory_space<hbm>> -> memref<64xi32, #tpu.memory_space<hbm>>
        tpu.enqueue_dma source(%dma_start3A_730 : memref<64xi32, #tpu.memory_space<hbm>>) target(%dma_start3A_729 : memref<64xi32, #tpu.memory_space<vmem>>) target_semaphore(%dma_start3A_726 : memref<!tpu.dma_semaphore, #tpu.memory_space<semaphore_mem>>)
      } else {
      }
      %add3A_516 = arith.constant 5 : i32
      %add3A_517 = arith.addi %add3A_231, %add3A_516 : i32
      %dma_wait3A_518 = arith.constant 5 : i32
      %dma_wait3A_519 = arith.constant 1 : i32
      %dma_wait3A_520 = arith.constant 1 : i32
      %dma_wait3A_521 = arith.constant 0 : i32
      %dma_wait3A_522 = arith.constant 0 : i32
      %dma_wait3A_523 = tpu.memref_slice %arg8[%dma_wait3A_519, %dma_wait3A_521, %dma_wait3A_522] : memref<4x64x128xf32, #tpu.memory_space<vmem>> -> memref<1x64x128xf32, #tpu.memory_space<vmem>>
      %dma_wait3A_524 = tpu.memref_squeeze %dma_wait3A_523 : memref<1x64x128xf32, #tpu.memory_space<vmem>> -> memref<64x128xf32, #tpu.memory_space<vmem>>
      %dma_wait3A_525 = arith.constant 0 : i32
      %dma_wait3A_526 = tpu.memref_slice %arg6[%dma_wait3A_518, %dma_wait3A_525] : memref<8x64xi32, #tpu.memory_space<vmem>> -> memref<1x64xi32, #tpu.memory_space<vmem>>
      %dma_wait3A_527 = tpu.memref_squeeze %dma_wait3A_526 : memref<1x64xi32, #tpu.memory_space<vmem>> -> memref<64xi32, #tpu.memory_space<vmem>>
      %dma_wait3A_528 = arith.constant 0 : i32
      %dma_wait3A_529 = arith.constant 0 : i32
      %dma_wait3A_530 = tpu.memref_slice %arg2[%dma_wait3A_528, %dma_wait3A_529] : memref<10240x128xf32, #tpu.memory_space<hbm>> -> memref<10240x128xf32, #tpu.memory_space<hbm>>
      %dma_wait3A_531 = tpu.memref_slice %arg9[%dma_wait3A_520] : memref<4x!tpu.dma_semaphore, #tpu.memory_space<semaphore_mem>> -> memref<1x!tpu.dma_semaphore, #tpu.memory_space<semaphore_mem>>
      %dma_wait3A_532 = tpu.memref_squeeze %dma_wait3A_531 : memref<1x!tpu.dma_semaphore, #tpu.memory_space<semaphore_mem>> -> memref<!tpu.dma_semaphore, #tpu.memory_space<semaphore_mem>>
      tpu.wait_indirect_dma semaphore(%dma_wait3A_532 : memref<!tpu.dma_semaphore, #tpu.memory_space<semaphore_mem>>) src(%dma_wait3A_530 : memref<10240x128xf32, #tpu.memory_space<hbm>>) dst(%dma_wait3A_524 : memref<64x128xf32, #tpu.memory_space<vmem>>)
      %dma_start3A_533 = arith.constant 1 : i32
      %dma_start3A_534 = arith.constant 5 : i32
      %dma_start3A_535 = arith.constant 1 : i32
      %dma_start3A_536 = arith.constant 0 : i32
      %dma_start3A_537 = arith.constant 0 : i32
      %dma_start3A_538 = tpu.memref_slice %arg8[%dma_start3A_533, %dma_start3A_536, %dma_start3A_537] : memref<4x64x128xf32, #tpu.memory_space<vmem>> -> memref<1x64x128xf32, #tpu.memory_space<vmem>>
      %dma_start3A_539 = tpu.memref_squeeze %dma_start3A_538 : memref<1x64x128xf32, #tpu.memory_space<vmem>> -> memref<64x128xf32, #tpu.memory_space<vmem>>
      %dma_start3A_540 = arith.constant 0 : i32
      %dma_start3A_541 = tpu.memref_slice %arg7[%dma_start3A_534, %dma_start3A_540] : memref<8x64xi32, #tpu.memory_space<vmem>> -> memref<1x64xi32, #tpu.memory_space<vmem>>
      %dma_start3A_542 = tpu.memref_squeeze %dma_start3A_541 : memref<1x64xi32, #tpu.memory_space<vmem>> -> memref<64xi32, #tpu.memory_space<vmem>>
      %dma_start3A_543 = arith.constant 0 : i32
      %dma_start3A_544 = arith.constant 0 : i32
      %dma_start3A_545 = tpu.memref_slice %arg12[%dma_start3A_543, %dma_start3A_544] : memref<10000x128xf32, #tpu.memory_space<vmem_shared>> -> memref<10000x128xf32, #tpu.memory_space<vmem_shared>>
      %dma_start3A_546 = tpu.memref_slice %arg10[%dma_start3A_535] : memref<4x!tpu.dma_semaphore, #tpu.memory_space<semaphore_mem>> -> memref<1x!tpu.dma_semaphore, #tpu.memory_space<semaphore_mem>>
      %dma_start3A_547 = tpu.memref_squeeze %dma_start3A_546 : memref<1x!tpu.dma_semaphore, #tpu.memory_space<semaphore_mem>> -> memref<!tpu.dma_semaphore, #tpu.memory_space<semaphore_mem>>
      tpu.enqueue_indirect_dma source(%dma_start3A_539 : memref<64x128xf32, #tpu.memory_space<vmem>>) target(%dma_start3A_545 : memref<10000x128xf32, #tpu.memory_space<vmem_shared>>) offsets(%dma_start3A_542 : memref<64xi32, #tpu.memory_space<vmem>>) semaphore(%dma_start3A_547 : memref<!tpu.dma_semaphore, #tpu.memory_space<semaphore_mem>>) {add = true}
      %dma_wait3A_548 = arith.constant 3 : i32
      %dma_wait3A_549 = arith.constant 3 : i32
      %dma_wait3A_550 = arith.constant 3 : i32
      %dma_wait3A_551 = arith.constant 0 : i32
      %dma_wait3A_552 = arith.constant 0 : i32
      %dma_wait3A_553 = tpu.memref_slice %arg8[%dma_wait3A_548, %dma_wait3A_551, %dma_wait3A_552] : memref<4x64x128xf32, #tpu.memory_space<vmem>> -> memref<1x64x128xf32, #tpu.memory_space<vmem>>
      %dma_wait3A_554 = tpu.memref_squeeze %dma_wait3A_553 : memref<1x64x128xf32, #tpu.memory_space<vmem>> -> memref<64x128xf32, #tpu.memory_space<vmem>>
      %dma_wait3A_555 = arith.constant 0 : i32
      %dma_wait3A_556 = tpu.memref_slice %arg7[%dma_wait3A_549, %dma_wait3A_555] : memref<8x64xi32, #tpu.memory_space<vmem>> -> memref<1x64xi32, #tpu.memory_space<vmem>>
      %dma_wait3A_557 = tpu.memref_squeeze %dma_wait3A_556 : memref<1x64xi32, #tpu.memory_space<vmem>> -> memref<64xi32, #tpu.memory_space<vmem>>
      %dma_wait3A_558 = arith.constant 0 : i32
      %dma_wait3A_559 = arith.constant 0 : i32
      %dma_wait3A_560 = tpu.memref_slice %arg12[%dma_wait3A_558, %dma_wait3A_559] : memref<10000x128xf32, #tpu.memory_space<vmem_shared>> -> memref<10000x128xf32, #tpu.memory_space<vmem_shared>>
      %dma_wait3A_561 = tpu.memref_slice %arg10[%dma_wait3A_550] : memref<4x!tpu.dma_semaphore, #tpu.memory_space<semaphore_mem>> -> memref<1x!tpu.dma_semaphore, #tpu.memory_space<semaphore_mem>>
      %dma_wait3A_562 = tpu.memref_squeeze %dma_wait3A_561 : memref<1x!tpu.dma_semaphore, #tpu.memory_space<semaphore_mem>> -> memref<!tpu.dma_semaphore, #tpu.memory_space<semaphore_mem>>
      tpu.wait_indirect_dma semaphore(%dma_wait3A_562 : memref<!tpu.dma_semaphore, #tpu.memory_space<semaphore_mem>>) src(%dma_wait3A_554 : memref<64x128xf32, #tpu.memory_space<vmem>>) dst(%dma_wait3A_560 : memref<10000x128xf32, #tpu.memory_space<vmem_shared>>)
      %add3A_563 = arith.constant 2 : i32
      %add3A_564 = arith.addi %add3A_517, %add3A_563 : i32
      %lt3A_565 = arith.constant 160 : i32
      %lt3A_566 = arith.cmpi slt, %add3A_564, %lt3A_565 : i32
      %convert_element_type3A_567 = arith.extui %lt3A_566 : i1 to i32
      %cond3A_568 = arith.constant 0 : i32
      %cond3A_569 = arith.cmpi ne, %convert_element_type3A_567, %cond3A_568 : i32
      scf.if %cond3A_569 {
        %add3A_699 = arith.constant 2 : i32
        %add3A_700 = arith.addi %add3A_517, %add3A_699 : i32
        %mul3A_701 = arith.constant 64 : i32
        %mul3A_702 = arith.muli %add3A_700, %mul3A_701 : i32
        %add3A_703 = arith.addi %mul3A_6, %mul3A_702 : i32
        %dma_wait3A_704 = arith.constant 7 : i32
        %dma_wait3A_705 = arith.constant 7 : i32
        %dma_wait3A_706 = arith.constant 0 : i32
        %dma_wait3A_707 = tpu.memref_slice %arg6[%dma_wait3A_704, %dma_wait3A_706] : memref<8x64xi32, #tpu.memory_space<vmem>> -> memref<1x64xi32, #tpu.memory_space<vmem>>
        %dma_wait3A_708 = tpu.memref_squeeze %dma_wait3A_707 : memref<1x64xi32, #tpu.memory_space<vmem>> -> memref<64xi32, #tpu.memory_space<vmem>>
        %dma_wait3A_709 = tpu.memref_slice %arg3[%add3A_703] : memref<327680xi32, #tpu.memory_space<hbm>> -> memref<64xi32, #tpu.memory_space<hbm>>
        %dma_wait3A_710 = tpu.memref_slice %arg11[%dma_wait3A_705] : memref<8x!tpu.dma_semaphore, #tpu.memory_space<semaphore_mem>> -> memref<1x!tpu.dma_semaphore, #tpu.memory_space<semaphore_mem>>
        %dma_wait3A_711 = tpu.memref_squeeze %dma_wait3A_710 : memref<1x!tpu.dma_semaphore, #tpu.memory_space<semaphore_mem>> -> memref<!tpu.dma_semaphore, #tpu.memory_space<semaphore_mem>>
        %dma_wait3A_712 = arith.constant 0 : i32
        %dma_wait3A_713 = tpu.memref_slice %arg6[%dma_wait3A_704, %dma_wait3A_712] : memref<8x64xi32, #tpu.memory_space<vmem>> -> memref<1x64xi32, #tpu.memory_space<vmem>>
        %dma_wait3A_714 = tpu.memref_squeeze %dma_wait3A_713 : memref<1x64xi32, #tpu.memory_space<vmem>> -> memref<64xi32, #tpu.memory_space<vmem>>
        %dma_wait3A_715 = tpu.memref_slice %arg3[%add3A_703] : memref<327680xi32, #tpu.memory_space<hbm>> -> memref<64xi32, #tpu.memory_space<hbm>>
        tpu.wait_dma2 semaphore(%dma_wait3A_711 : memref<!tpu.dma_semaphore, #tpu.memory_space<semaphore_mem>>) src(%dma_wait3A_715 : memref<64xi32, #tpu.memory_space<hbm>>) dst(%dma_wait3A_714 : memref<64xi32, #tpu.memory_space<vmem>>)
        %mul3A_716 = arith.constant 64 : i32
        %mul3A_717 = arith.muli %add3A_700, %mul3A_716 : i32
        %add3A_718 = arith.addi %mul3A_6, %mul3A_717 : i32
        %dma_wait3A_719 = arith.constant 7 : i32
        %dma_wait3A_720 = arith.constant 7 : i32
        %dma_wait3A_721 = arith.constant 0 : i32
        %dma_wait3A_722 = tpu.memref_slice %arg7[%dma_wait3A_719, %dma_wait3A_721] : memref<8x64xi32, #tpu.memory_space<vmem>> -> memref<1x64xi32, #tpu.memory_space<vmem>>
        %dma_wait3A_723 = tpu.memref_squeeze %dma_wait3A_722 : memref<1x64xi32, #tpu.memory_space<vmem>> -> memref<64xi32, #tpu.memory_space<vmem>>
        %dma_wait3A_724 = tpu.memref_slice %arg4[%add3A_718] : memref<327680xi32, #tpu.memory_space<hbm>> -> memref<64xi32, #tpu.memory_space<hbm>>
        %dma_wait3A_725 = tpu.memref_slice %arg11[%dma_wait3A_720] : memref<8x!tpu.dma_semaphore, #tpu.memory_space<semaphore_mem>> -> memref<1x!tpu.dma_semaphore, #tpu.memory_space<semaphore_mem>>
        %dma_wait3A_726 = tpu.memref_squeeze %dma_wait3A_725 : memref<1x!tpu.dma_semaphore, #tpu.memory_space<semaphore_mem>> -> memref<!tpu.dma_semaphore, #tpu.memory_space<semaphore_mem>>
        %dma_wait3A_727 = arith.constant 0 : i32
        %dma_wait3A_728 = tpu.memref_slice %arg7[%dma_wait3A_719, %dma_wait3A_727] : memref<8x64xi32, #tpu.memory_space<vmem>> -> memref<1x64xi32, #tpu.memory_space<vmem>>
        %dma_wait3A_729 = tpu.memref_squeeze %dma_wait3A_728 : memref<1x64xi32, #tpu.memory_space<vmem>> -> memref<64xi32, #tpu.memory_space<vmem>>
        %dma_wait3A_730 = tpu.memref_slice %arg4[%add3A_718] : memref<327680xi32, #tpu.memory_space<hbm>> -> memref<64xi32, #tpu.memory_space<hbm>>
        tpu.wait_dma2 semaphore(%dma_wait3A_726 : memref<!tpu.dma_semaphore, #tpu.memory_space<semaphore_mem>>) src(%dma_wait3A_730 : memref<64xi32, #tpu.memory_space<hbm>>) dst(%dma_wait3A_729 : memref<64xi32, #tpu.memory_space<vmem>>)
        %dma_start3A_731 = arith.constant 7 : i32
        %dma_start3A_732 = arith.constant 3 : i32
        %dma_start3A_733 = arith.constant 3 : i32
        %dma_start3A_734 = arith.constant 0 : i32
        %dma_start3A_735 = arith.constant 0 : i32
        %dma_start3A_736 = tpu.memref_slice %arg8[%dma_start3A_732, %dma_start3A_734, %dma_start3A_735] : memref<4x64x128xf32, #tpu.memory_space<vmem>> -> memref<1x64x128xf32, #tpu.memory_space<vmem>>
        %dma_start3A_737 = tpu.memref_squeeze %dma_start3A_736 : memref<1x64x128xf32, #tpu.memory_space<vmem>> -> memref<64x128xf32, #tpu.memory_space<vmem>>
        %dma_start3A_738 = arith.constant 0 : i32
        %dma_start3A_739 = tpu.memref_slice %arg6[%dma_start3A_731, %dma_start3A_738] : memref<8x64xi32, #tpu.memory_space<vmem>> -> memref<1x64xi32, #tpu.memory_space<vmem>>
        %dma_start3A_740 = tpu.memref_squeeze %dma_start3A_739 : memref<1x64xi32, #tpu.memory_space<vmem>> -> memref<64xi32, #tpu.memory_space<vmem>>
        %dma_start3A_741 = arith.constant 0 : i32
        %dma_start3A_742 = arith.constant 0 : i32
        %dma_start3A_743 = tpu.memref_slice %arg2[%dma_start3A_741, %dma_start3A_742] : memref<10240x128xf32, #tpu.memory_space<hbm>> -> memref<10240x128xf32, #tpu.memory_space<hbm>>
        %dma_start3A_744 = tpu.memref_slice %arg9[%dma_start3A_733] : memref<4x!tpu.dma_semaphore, #tpu.memory_space<semaphore_mem>> -> memref<1x!tpu.dma_semaphore, #tpu.memory_space<semaphore_mem>>
        %dma_start3A_745 = tpu.memref_squeeze %dma_start3A_744 : memref<1x!tpu.dma_semaphore, #tpu.memory_space<semaphore_mem>> -> memref<!tpu.dma_semaphore, #tpu.memory_space<semaphore_mem>>
        tpu.enqueue_indirect_dma source(%dma_start3A_743 : memref<10240x128xf32, #tpu.memory_space<hbm>>) target(%dma_start3A_737 : memref<64x128xf32, #tpu.memory_space<vmem>>) offsets(%dma_start3A_740 : memref<64xi32, #tpu.memory_space<vmem>>) semaphore(%dma_start3A_745 : memref<!tpu.dma_semaphore, #tpu.memory_space<semaphore_mem>>)
      } else {
      }
      %add3A_570 = arith.constant 5 : i32
      %add3A_571 = arith.addi %add3A_517, %add3A_570 : i32
      %lt3A_572 = arith.constant 160 : i32
      %lt3A_573 = arith.cmpi slt, %add3A_571, %lt3A_572 : i32
      %convert_element_type3A_574 = arith.extui %lt3A_573 : i1 to i32
      %cond3A_575 = arith.constant 0 : i32
      %cond3A_576 = arith.cmpi ne, %convert_element_type3A_574, %cond3A_575 : i32
      scf.if %cond3A_576 {
        %add3A_699 = arith.constant 5 : i32
        %add3A_700 = arith.addi %add3A_517, %add3A_699 : i32
        %mul3A_701 = arith.constant 64 : i32
        %mul3A_702 = arith.muli %add3A_700, %mul3A_701 : i32
        %add3A_703 = arith.addi %mul3A_6, %mul3A_702 : i32
        %dma_start3A_704 = arith.constant 2 : i32
        %dma_start3A_705 = arith.constant 2 : i32
        %dma_start3A_706 = arith.constant 0 : i32
        %dma_start3A_707 = tpu.memref_slice %arg6[%dma_start3A_704, %dma_start3A_706] : memref<8x64xi32, #tpu.memory_space<vmem>> -> memref<1x64xi32, #tpu.memory_space<vmem>>
        %dma_start3A_708 = tpu.memref_squeeze %dma_start3A_707 : memref<1x64xi32, #tpu.memory_space<vmem>> -> memref<64xi32, #tpu.memory_space<vmem>>
        %dma_start3A_709 = tpu.memref_slice %arg3[%add3A_703] : memref<327680xi32, #tpu.memory_space<hbm>> -> memref<64xi32, #tpu.memory_space<hbm>>
        %dma_start3A_710 = tpu.memref_slice %arg11[%dma_start3A_705] : memref<8x!tpu.dma_semaphore, #tpu.memory_space<semaphore_mem>> -> memref<1x!tpu.dma_semaphore, #tpu.memory_space<semaphore_mem>>
        %dma_start3A_711 = tpu.memref_squeeze %dma_start3A_710 : memref<1x!tpu.dma_semaphore, #tpu.memory_space<semaphore_mem>> -> memref<!tpu.dma_semaphore, #tpu.memory_space<semaphore_mem>>
        %dma_start3A_712 = arith.constant 0 : i32
        %dma_start3A_713 = tpu.memref_slice %arg6[%dma_start3A_704, %dma_start3A_712] : memref<8x64xi32, #tpu.memory_space<vmem>> -> memref<1x64xi32, #tpu.memory_space<vmem>>
        %dma_start3A_714 = tpu.memref_squeeze %dma_start3A_713 : memref<1x64xi32, #tpu.memory_space<vmem>> -> memref<64xi32, #tpu.memory_space<vmem>>
        %dma_start3A_715 = tpu.memref_slice %arg3[%add3A_703] : memref<327680xi32, #tpu.memory_space<hbm>> -> memref<64xi32, #tpu.memory_space<hbm>>
        tpu.enqueue_dma source(%dma_start3A_715 : memref<64xi32, #tpu.memory_space<hbm>>) target(%dma_start3A_714 : memref<64xi32, #tpu.memory_space<vmem>>) target_semaphore(%dma_start3A_711 : memref<!tpu.dma_semaphore, #tpu.memory_space<semaphore_mem>>)
        %mul3A_716 = arith.constant 64 : i32
        %mul3A_717 = arith.muli %add3A_700, %mul3A_716 : i32
        %add3A_718 = arith.addi %mul3A_6, %mul3A_717 : i32
        %dma_start3A_719 = arith.constant 2 : i32
        %dma_start3A_720 = arith.constant 2 : i32
        %dma_start3A_721 = arith.constant 0 : i32
        %dma_start3A_722 = tpu.memref_slice %arg7[%dma_start3A_719, %dma_start3A_721] : memref<8x64xi32, #tpu.memory_space<vmem>> -> memref<1x64xi32, #tpu.memory_space<vmem>>
        %dma_start3A_723 = tpu.memref_squeeze %dma_start3A_722 : memref<1x64xi32, #tpu.memory_space<vmem>> -> memref<64xi32, #tpu.memory_space<vmem>>
        %dma_start3A_724 = tpu.memref_slice %arg4[%add3A_718] : memref<327680xi32, #tpu.memory_space<hbm>> -> memref<64xi32, #tpu.memory_space<hbm>>
        %dma_start3A_725 = tpu.memref_slice %arg11[%dma_start3A_720] : memref<8x!tpu.dma_semaphore, #tpu.memory_space<semaphore_mem>> -> memref<1x!tpu.dma_semaphore, #tpu.memory_space<semaphore_mem>>
        %dma_start3A_726 = tpu.memref_squeeze %dma_start3A_725 : memref<1x!tpu.dma_semaphore, #tpu.memory_space<semaphore_mem>> -> memref<!tpu.dma_semaphore, #tpu.memory_space<semaphore_mem>>
        %dma_start3A_727 = arith.constant 0 : i32
        %dma_start3A_728 = tpu.memref_slice %arg7[%dma_start3A_719, %dma_start3A_727] : memref<8x64xi32, #tpu.memory_space<vmem>> -> memref<1x64xi32, #tpu.memory_space<vmem>>
        %dma_start3A_729 = tpu.memref_squeeze %dma_start3A_728 : memref<1x64xi32, #tpu.memory_space<vmem>> -> memref<64xi32, #tpu.memory_space<vmem>>
        %dma_start3A_730 = tpu.memref_slice %arg4[%add3A_718] : memref<327680xi32, #tpu.memory_space<hbm>> -> memref<64xi32, #tpu.memory_space<hbm>>
        tpu.enqueue_dma source(%dma_start3A_730 : memref<64xi32, #tpu.memory_space<hbm>>) target(%dma_start3A_729 : memref<64xi32, #tpu.memory_space<vmem>>) target_semaphore(%dma_start3A_726 : memref<!tpu.dma_semaphore, #tpu.memory_space<semaphore_mem>>)
      } else {
      }
      %add3A_577 = arith.constant 6 : i32
      %add3A_578 = arith.addi %add3A_231, %add3A_577 : i32
      %dma_wait3A_579 = arith.constant 6 : i32
      %dma_wait3A_580 = arith.constant 2 : i32
      %dma_wait3A_581 = arith.constant 2 : i32
      %dma_wait3A_582 = arith.constant 0 : i32
      %dma_wait3A_583 = arith.constant 0 : i32
      %dma_wait3A_584 = tpu.memref_slice %arg8[%dma_wait3A_580, %dma_wait3A_582, %dma_wait3A_583] : memref<4x64x128xf32, #tpu.memory_space<vmem>> -> memref<1x64x128xf32, #tpu.memory_space<vmem>>
      %dma_wait3A_585 = tpu.memref_squeeze %dma_wait3A_584 : memref<1x64x128xf32, #tpu.memory_space<vmem>> -> memref<64x128xf32, #tpu.memory_space<vmem>>
      %dma_wait3A_586 = arith.constant 0 : i32
      %dma_wait3A_587 = tpu.memref_slice %arg6[%dma_wait3A_579, %dma_wait3A_586] : memref<8x64xi32, #tpu.memory_space<vmem>> -> memref<1x64xi32, #tpu.memory_space<vmem>>
      %dma_wait3A_588 = tpu.memref_squeeze %dma_wait3A_587 : memref<1x64xi32, #tpu.memory_space<vmem>> -> memref<64xi32, #tpu.memory_space<vmem>>
      %dma_wait3A_589 = arith.constant 0 : i32
      %dma_wait3A_590 = arith.constant 0 : i32
      %dma_wait3A_591 = tpu.memref_slice %arg2[%dma_wait3A_589, %dma_wait3A_590] : memref<10240x128xf32, #tpu.memory_space<hbm>> -> memref<10240x128xf32, #tpu.memory_space<hbm>>
      %dma_wait3A_592 = tpu.memref_slice %arg9[%dma_wait3A_581] : memref<4x!tpu.dma_semaphore, #tpu.memory_space<semaphore_mem>> -> memref<1x!tpu.dma_semaphore, #tpu.memory_space<semaphore_mem>>
      %dma_wait3A_593 = tpu.memref_squeeze %dma_wait3A_592 : memref<1x!tpu.dma_semaphore, #tpu.memory_space<semaphore_mem>> -> memref<!tpu.dma_semaphore, #tpu.memory_space<semaphore_mem>>
      tpu.wait_indirect_dma semaphore(%dma_wait3A_593 : memref<!tpu.dma_semaphore, #tpu.memory_space<semaphore_mem>>) src(%dma_wait3A_591 : memref<10240x128xf32, #tpu.memory_space<hbm>>) dst(%dma_wait3A_585 : memref<64x128xf32, #tpu.memory_space<vmem>>)
      %dma_start3A_594 = arith.constant 2 : i32
      %dma_start3A_595 = arith.constant 6 : i32
      %dma_start3A_596 = arith.constant 2 : i32
      %dma_start3A_597 = arith.constant 0 : i32
      %dma_start3A_598 = arith.constant 0 : i32
      %dma_start3A_599 = tpu.memref_slice %arg8[%dma_start3A_594, %dma_start3A_597, %dma_start3A_598] : memref<4x64x128xf32, #tpu.memory_space<vmem>> -> memref<1x64x128xf32, #tpu.memory_space<vmem>>
      %dma_start3A_600 = tpu.memref_squeeze %dma_start3A_599 : memref<1x64x128xf32, #tpu.memory_space<vmem>> -> memref<64x128xf32, #tpu.memory_space<vmem>>
      %dma_start3A_601 = arith.constant 0 : i32
      %dma_start3A_602 = tpu.memref_slice %arg7[%dma_start3A_595, %dma_start3A_601] : memref<8x64xi32, #tpu.memory_space<vmem>> -> memref<1x64xi32, #tpu.memory_space<vmem>>
      %dma_start3A_603 = tpu.memref_squeeze %dma_start3A_602 : memref<1x64xi32, #tpu.memory_space<vmem>> -> memref<64xi32, #tpu.memory_space<vmem>>
      %dma_start3A_604 = arith.constant 0 : i32
      %dma_start3A_605 = arith.constant 0 : i32
      %dma_start3A_606 = tpu.memref_slice %arg12[%dma_start3A_604, %dma_start3A_605] : memref<10000x128xf32, #tpu.memory_space<vmem_shared>> -> memref<10000x128xf32, #tpu.memory_space<vmem_shared>>
      %dma_start3A_607 = tpu.memref_slice %arg10[%dma_start3A_596] : memref<4x!tpu.dma_semaphore, #tpu.memory_space<semaphore_mem>> -> memref<1x!tpu.dma_semaphore, #tpu.memory_space<semaphore_mem>>
      %dma_start3A_608 = tpu.memref_squeeze %dma_start3A_607 : memref<1x!tpu.dma_semaphore, #tpu.memory_space<semaphore_mem>> -> memref<!tpu.dma_semaphore, #tpu.memory_space<semaphore_mem>>
      tpu.enqueue_indirect_dma source(%dma_start3A_600 : memref<64x128xf32, #tpu.memory_space<vmem>>) target(%dma_start3A_606 : memref<10000x128xf32, #tpu.memory_space<vmem_shared>>) offsets(%dma_start3A_603 : memref<64xi32, #tpu.memory_space<vmem>>) semaphore(%dma_start3A_608 : memref<!tpu.dma_semaphore, #tpu.memory_space<semaphore_mem>>) {add = true}
      %dma_wait3A_609 = arith.constant 0 : i32
      %dma_wait3A_610 = arith.constant 4 : i32
      %dma_wait3A_611 = arith.constant 0 : i32
      %dma_wait3A_612 = arith.constant 0 : i32
      %dma_wait3A_613 = arith.constant 0 : i32
      %dma_wait3A_614 = tpu.memref_slice %arg8[%dma_wait3A_609, %dma_wait3A_612, %dma_wait3A_613] : memref<4x64x128xf32, #tpu.memory_space<vmem>> -> memref<1x64x128xf32, #tpu.memory_space<vmem>>
      %dma_wait3A_615 = tpu.memref_squeeze %dma_wait3A_614 : memref<1x64x128xf32, #tpu.memory_space<vmem>> -> memref<64x128xf32, #tpu.memory_space<vmem>>
      %dma_wait3A_616 = arith.constant 0 : i32
      %dma_wait3A_617 = tpu.memref_slice %arg7[%dma_wait3A_610, %dma_wait3A_616] : memref<8x64xi32, #tpu.memory_space<vmem>> -> memref<1x64xi32, #tpu.memory_space<vmem>>
      %dma_wait3A_618 = tpu.memref_squeeze %dma_wait3A_617 : memref<1x64xi32, #tpu.memory_space<vmem>> -> memref<64xi32, #tpu.memory_space<vmem>>
      %dma_wait3A_619 = arith.constant 0 : i32
      %dma_wait3A_620 = arith.constant 0 : i32
      %dma_wait3A_621 = tpu.memref_slice %arg12[%dma_wait3A_619, %dma_wait3A_620] : memref<10000x128xf32, #tpu.memory_space<vmem_shared>> -> memref<10000x128xf32, #tpu.memory_space<vmem_shared>>
      %dma_wait3A_622 = tpu.memref_slice %arg10[%dma_wait3A_611] : memref<4x!tpu.dma_semaphore, #tpu.memory_space<semaphore_mem>> -> memref<1x!tpu.dma_semaphore, #tpu.memory_space<semaphore_mem>>
      %dma_wait3A_623 = tpu.memref_squeeze %dma_wait3A_622 : memref<1x!tpu.dma_semaphore, #tpu.memory_space<semaphore_mem>> -> memref<!tpu.dma_semaphore, #tpu.memory_space<semaphore_mem>>
      tpu.wait_indirect_dma semaphore(%dma_wait3A_623 : memref<!tpu.dma_semaphore, #tpu.memory_space<semaphore_mem>>) src(%dma_wait3A_615 : memref<64x128xf32, #tpu.memory_space<vmem>>) dst(%dma_wait3A_621 : memref<10000x128xf32, #tpu.memory_space<vmem_shared>>)
      %add3A_624 = arith.constant 2 : i32
      %add3A_625 = arith.addi %add3A_578, %add3A_624 : i32
      %lt3A_626 = arith.constant 160 : i32
      %lt3A_627 = arith.cmpi slt, %add3A_625, %lt3A_626 : i32
      %convert_element_type3A_628 = arith.extui %lt3A_627 : i1 to i32
      %cond3A_629 = arith.constant 0 : i32
      %cond3A_630 = arith.cmpi ne, %convert_element_type3A_628, %cond3A_629 : i32
      scf.if %cond3A_630 {
        %add3A_699 = arith.constant 2 : i32
        %add3A_700 = arith.addi %add3A_578, %add3A_699 : i32
        %mul3A_701 = arith.constant 64 : i32
        %mul3A_702 = arith.muli %add3A_700, %mul3A_701 : i32
        %add3A_703 = arith.addi %mul3A_6, %mul3A_702 : i32
        %dma_wait3A_704 = arith.constant 0 : i32
        %dma_wait3A_705 = arith.constant 0 : i32
        %dma_wait3A_706 = arith.constant 0 : i32
        %dma_wait3A_707 = tpu.memref_slice %arg6[%dma_wait3A_704, %dma_wait3A_706] : memref<8x64xi32, #tpu.memory_space<vmem>> -> memref<1x64xi32, #tpu.memory_space<vmem>>
        %dma_wait3A_708 = tpu.memref_squeeze %dma_wait3A_707 : memref<1x64xi32, #tpu.memory_space<vmem>> -> memref<64xi32, #tpu.memory_space<vmem>>
        %dma_wait3A_709 = tpu.memref_slice %arg3[%add3A_703] : memref<327680xi32, #tpu.memory_space<hbm>> -> memref<64xi32, #tpu.memory_space<hbm>>
        %dma_wait3A_710 = tpu.memref_slice %arg11[%dma_wait3A_705] : memref<8x!tpu.dma_semaphore, #tpu.memory_space<semaphore_mem>> -> memref<1x!tpu.dma_semaphore, #tpu.memory_space<semaphore_mem>>
        %dma_wait3A_711 = tpu.memref_squeeze %dma_wait3A_710 : memref<1x!tpu.dma_semaphore, #tpu.memory_space<semaphore_mem>> -> memref<!tpu.dma_semaphore, #tpu.memory_space<semaphore_mem>>
        %dma_wait3A_712 = arith.constant 0 : i32
        %dma_wait3A_713 = tpu.memref_slice %arg6[%dma_wait3A_704, %dma_wait3A_712] : memref<8x64xi32, #tpu.memory_space<vmem>> -> memref<1x64xi32, #tpu.memory_space<vmem>>
        %dma_wait3A_714 = tpu.memref_squeeze %dma_wait3A_713 : memref<1x64xi32, #tpu.memory_space<vmem>> -> memref<64xi32, #tpu.memory_space<vmem>>
        %dma_wait3A_715 = tpu.memref_slice %arg3[%add3A_703] : memref<327680xi32, #tpu.memory_space<hbm>> -> memref<64xi32, #tpu.memory_space<hbm>>
        tpu.wait_dma2 semaphore(%dma_wait3A_711 : memref<!tpu.dma_semaphore, #tpu.memory_space<semaphore_mem>>) src(%dma_wait3A_715 : memref<64xi32, #tpu.memory_space<hbm>>) dst(%dma_wait3A_714 : memref<64xi32, #tpu.memory_space<vmem>>)
        %mul3A_716 = arith.constant 64 : i32
        %mul3A_717 = arith.muli %add3A_700, %mul3A_716 : i32
        %add3A_718 = arith.addi %mul3A_6, %mul3A_717 : i32
        %dma_wait3A_719 = arith.constant 0 : i32
        %dma_wait3A_720 = arith.constant 0 : i32
        %dma_wait3A_721 = arith.constant 0 : i32
        %dma_wait3A_722 = tpu.memref_slice %arg7[%dma_wait3A_719, %dma_wait3A_721] : memref<8x64xi32, #tpu.memory_space<vmem>> -> memref<1x64xi32, #tpu.memory_space<vmem>>
        %dma_wait3A_723 = tpu.memref_squeeze %dma_wait3A_722 : memref<1x64xi32, #tpu.memory_space<vmem>> -> memref<64xi32, #tpu.memory_space<vmem>>
        %dma_wait3A_724 = tpu.memref_slice %arg4[%add3A_718] : memref<327680xi32, #tpu.memory_space<hbm>> -> memref<64xi32, #tpu.memory_space<hbm>>
        %dma_wait3A_725 = tpu.memref_slice %arg11[%dma_wait3A_720] : memref<8x!tpu.dma_semaphore, #tpu.memory_space<semaphore_mem>> -> memref<1x!tpu.dma_semaphore, #tpu.memory_space<semaphore_mem>>
        %dma_wait3A_726 = tpu.memref_squeeze %dma_wait3A_725 : memref<1x!tpu.dma_semaphore, #tpu.memory_space<semaphore_mem>> -> memref<!tpu.dma_semaphore, #tpu.memory_space<semaphore_mem>>
        %dma_wait3A_727 = arith.constant 0 : i32
        %dma_wait3A_728 = tpu.memref_slice %arg7[%dma_wait3A_719, %dma_wait3A_727] : memref<8x64xi32, #tpu.memory_space<vmem>> -> memref<1x64xi32, #tpu.memory_space<vmem>>
        %dma_wait3A_729 = tpu.memref_squeeze %dma_wait3A_728 : memref<1x64xi32, #tpu.memory_space<vmem>> -> memref<64xi32, #tpu.memory_space<vmem>>
        %dma_wait3A_730 = tpu.memref_slice %arg4[%add3A_718] : memref<327680xi32, #tpu.memory_space<hbm>> -> memref<64xi32, #tpu.memory_space<hbm>>
        tpu.wait_dma2 semaphore(%dma_wait3A_726 : memref<!tpu.dma_semaphore, #tpu.memory_space<semaphore_mem>>) src(%dma_wait3A_730 : memref<64xi32, #tpu.memory_space<hbm>>) dst(%dma_wait3A_729 : memref<64xi32, #tpu.memory_space<vmem>>)
        %dma_start3A_731 = arith.constant 0 : i32
        %dma_start3A_732 = arith.constant 0 : i32
        %dma_start3A_733 = arith.constant 0 : i32
        %dma_start3A_734 = arith.constant 0 : i32
        %dma_start3A_735 = arith.constant 0 : i32
        %dma_start3A_736 = tpu.memref_slice %arg8[%dma_start3A_732, %dma_start3A_734, %dma_start3A_735] : memref<4x64x128xf32, #tpu.memory_space<vmem>> -> memref<1x64x128xf32, #tpu.memory_space<vmem>>
        %dma_start3A_737 = tpu.memref_squeeze %dma_start3A_736 : memref<1x64x128xf32, #tpu.memory_space<vmem>> -> memref<64x128xf32, #tpu.memory_space<vmem>>
        %dma_start3A_738 = arith.constant 0 : i32
        %dma_start3A_739 = tpu.memref_slice %arg6[%dma_start3A_731, %dma_start3A_738] : memref<8x64xi32, #tpu.memory_space<vmem>> -> memref<1x64xi32, #tpu.memory_space<vmem>>
        %dma_start3A_740 = tpu.memref_squeeze %dma_start3A_739 : memref<1x64xi32, #tpu.memory_space<vmem>> -> memref<64xi32, #tpu.memory_space<vmem>>
        %dma_start3A_741 = arith.constant 0 : i32
        %dma_start3A_742 = arith.constant 0 : i32
        %dma_start3A_743 = tpu.memref_slice %arg2[%dma_start3A_741, %dma_start3A_742] : memref<10240x128xf32, #tpu.memory_space<hbm>> -> memref<10240x128xf32, #tpu.memory_space<hbm>>
        %dma_start3A_744 = tpu.memref_slice %arg9[%dma_start3A_733] : memref<4x!tpu.dma_semaphore, #tpu.memory_space<semaphore_mem>> -> memref<1x!tpu.dma_semaphore, #tpu.memory_space<semaphore_mem>>
        %dma_start3A_745 = tpu.memref_squeeze %dma_start3A_744 : memref<1x!tpu.dma_semaphore, #tpu.memory_space<semaphore_mem>> -> memref<!tpu.dma_semaphore, #tpu.memory_space<semaphore_mem>>
        tpu.enqueue_indirect_dma source(%dma_start3A_743 : memref<10240x128xf32, #tpu.memory_space<hbm>>) target(%dma_start3A_737 : memref<64x128xf32, #tpu.memory_space<vmem>>) offsets(%dma_start3A_740 : memref<64xi32, #tpu.memory_space<vmem>>) semaphore(%dma_start3A_745 : memref<!tpu.dma_semaphore, #tpu.memory_space<semaphore_mem>>)
      } else {
      }
      %add3A_631 = arith.constant 5 : i32
      %add3A_632 = arith.addi %add3A_578, %add3A_631 : i32
      %lt3A_633 = arith.constant 160 : i32
      %lt3A_634 = arith.cmpi slt, %add3A_632, %lt3A_633 : i32
      %convert_element_type3A_635 = arith.extui %lt3A_634 : i1 to i32
      %cond3A_636 = arith.constant 0 : i32
      %cond3A_637 = arith.cmpi ne, %convert_element_type3A_635, %cond3A_636 : i32
      scf.if %cond3A_637 {
        %add3A_699 = arith.constant 5 : i32
        %add3A_700 = arith.addi %add3A_578, %add3A_699 : i32
        %mul3A_701 = arith.constant 64 : i32
        %mul3A_702 = arith.muli %add3A_700, %mul3A_701 : i32
        %add3A_703 = arith.addi %mul3A_6, %mul3A_702 : i32
        %dma_start3A_704 = arith.constant 3 : i32
        %dma_start3A_705 = arith.constant 3 : i32
        %dma_start3A_706 = arith.constant 0 : i32
        %dma_start3A_707 = tpu.memref_slice %arg6[%dma_start3A_704, %dma_start3A_706] : memref<8x64xi32, #tpu.memory_space<vmem>> -> memref<1x64xi32, #tpu.memory_space<vmem>>
        %dma_start3A_708 = tpu.memref_squeeze %dma_start3A_707 : memref<1x64xi32, #tpu.memory_space<vmem>> -> memref<64xi32, #tpu.memory_space<vmem>>
        %dma_start3A_709 = tpu.memref_slice %arg3[%add3A_703] : memref<327680xi32, #tpu.memory_space<hbm>> -> memref<64xi32, #tpu.memory_space<hbm>>
        %dma_start3A_710 = tpu.memref_slice %arg11[%dma_start3A_705] : memref<8x!tpu.dma_semaphore, #tpu.memory_space<semaphore_mem>> -> memref<1x!tpu.dma_semaphore, #tpu.memory_space<semaphore_mem>>
        %dma_start3A_711 = tpu.memref_squeeze %dma_start3A_710 : memref<1x!tpu.dma_semaphore, #tpu.memory_space<semaphore_mem>> -> memref<!tpu.dma_semaphore, #tpu.memory_space<semaphore_mem>>
        %dma_start3A_712 = arith.constant 0 : i32
        %dma_start3A_713 = tpu.memref_slice %arg6[%dma_start3A_704, %dma_start3A_712] : memref<8x64xi32, #tpu.memory_space<vmem>> -> memref<1x64xi32, #tpu.memory_space<vmem>>
        %dma_start3A_714 = tpu.memref_squeeze %dma_start3A_713 : memref<1x64xi32, #tpu.memory_space<vmem>> -> memref<64xi32, #tpu.memory_space<vmem>>
        %dma_start3A_715 = tpu.memref_slice %arg3[%add3A_703] : memref<327680xi32, #tpu.memory_space<hbm>> -> memref<64xi32, #tpu.memory_space<hbm>>
        tpu.enqueue_dma source(%dma_start3A_715 : memref<64xi32, #tpu.memory_space<hbm>>) target(%dma_start3A_714 : memref<64xi32, #tpu.memory_space<vmem>>) target_semaphore(%dma_start3A_711 : memref<!tpu.dma_semaphore, #tpu.memory_space<semaphore_mem>>)
        %mul3A_716 = arith.constant 64 : i32
        %mul3A_717 = arith.muli %add3A_700, %mul3A_716 : i32
        %add3A_718 = arith.addi %mul3A_6, %mul3A_717 : i32
        %dma_start3A_719 = arith.constant 3 : i32
        %dma_start3A_720 = arith.constant 3 : i32
        %dma_start3A_721 = arith.constant 0 : i32
        %dma_start3A_722 = tpu.memref_slice %arg7[%dma_start3A_719, %dma_start3A_721] : memref<8x64xi32, #tpu.memory_space<vmem>> -> memref<1x64xi32, #tpu.memory_space<vmem>>
        %dma_start3A_723 = tpu.memref_squeeze %dma_start3A_722 : memref<1x64xi32, #tpu.memory_space<vmem>> -> memref<64xi32, #tpu.memory_space<vmem>>
        %dma_start3A_724 = tpu.memref_slice %arg4[%add3A_718] : memref<327680xi32, #tpu.memory_space<hbm>> -> memref<64xi32, #tpu.memory_space<hbm>>
        %dma_start3A_725 = tpu.memref_slice %arg11[%dma_start3A_720] : memref<8x!tpu.dma_semaphore, #tpu.memory_space<semaphore_mem>> -> memref<1x!tpu.dma_semaphore, #tpu.memory_space<semaphore_mem>>
        %dma_start3A_726 = tpu.memref_squeeze %dma_start3A_725 : memref<1x!tpu.dma_semaphore, #tpu.memory_space<semaphore_mem>> -> memref<!tpu.dma_semaphore, #tpu.memory_space<semaphore_mem>>
        %dma_start3A_727 = arith.constant 0 : i32
        %dma_start3A_728 = tpu.memref_slice %arg7[%dma_start3A_719, %dma_start3A_727] : memref<8x64xi32, #tpu.memory_space<vmem>> -> memref<1x64xi32, #tpu.memory_space<vmem>>
        %dma_start3A_729 = tpu.memref_squeeze %dma_start3A_728 : memref<1x64xi32, #tpu.memory_space<vmem>> -> memref<64xi32, #tpu.memory_space<vmem>>
        %dma_start3A_730 = tpu.memref_slice %arg4[%add3A_718] : memref<327680xi32, #tpu.memory_space<hbm>> -> memref<64xi32, #tpu.memory_space<hbm>>
        tpu.enqueue_dma source(%dma_start3A_730 : memref<64xi32, #tpu.memory_space<hbm>>) target(%dma_start3A_729 : memref<64xi32, #tpu.memory_space<vmem>>) target_semaphore(%dma_start3A_726 : memref<!tpu.dma_semaphore, #tpu.memory_space<semaphore_mem>>)
      } else {
      }
      %add3A_638 = arith.constant 7 : i32
      %add3A_639 = arith.addi %add3A_231, %add3A_638 : i32
      %dma_wait3A_640 = arith.constant 7 : i32
      %dma_wait3A_641 = arith.constant 3 : i32
      %dma_wait3A_642 = arith.constant 3 : i32
      %dma_wait3A_643 = arith.constant 0 : i32
      %dma_wait3A_644 = arith.constant 0 : i32
      %dma_wait3A_645 = tpu.memref_slice %arg8[%dma_wait3A_641, %dma_wait3A_643, %dma_wait3A_644] : memref<4x64x128xf32, #tpu.memory_space<vmem>> -> memref<1x64x128xf32, #tpu.memory_space<vmem>>
      %dma_wait3A_646 = tpu.memref_squeeze %dma_wait3A_645 : memref<1x64x128xf32, #tpu.memory_space<vmem>> -> memref<64x128xf32, #tpu.memory_space<vmem>>
      %dma_wait3A_647 = arith.constant 0 : i32
      %dma_wait3A_648 = tpu.memref_slice %arg6[%dma_wait3A_640, %dma_wait3A_647] : memref<8x64xi32, #tpu.memory_space<vmem>> -> memref<1x64xi32, #tpu.memory_space<vmem>>
      %dma_wait3A_649 = tpu.memref_squeeze %dma_wait3A_648 : memref<1x64xi32, #tpu.memory_space<vmem>> -> memref<64xi32, #tpu.memory_space<vmem>>
      %dma_wait3A_650 = arith.constant 0 : i32
      %dma_wait3A_651 = arith.constant 0 : i32
      %dma_wait3A_652 = tpu.memref_slice %arg2[%dma_wait3A_650, %dma_wait3A_651] : memref<10240x128xf32, #tpu.memory_space<hbm>> -> memref<10240x128xf32, #tpu.memory_space<hbm>>
      %dma_wait3A_653 = tpu.memref_slice %arg9[%dma_wait3A_642] : memref<4x!tpu.dma_semaphore, #tpu.memory_space<semaphore_mem>> -> memref<1x!tpu.dma_semaphore, #tpu.memory_space<semaphore_mem>>
      %dma_wait3A_654 = tpu.memref_squeeze %dma_wait3A_653 : memref<1x!tpu.dma_semaphore, #tpu.memory_space<semaphore_mem>> -> memref<!tpu.dma_semaphore, #tpu.memory_space<semaphore_mem>>
      tpu.wait_indirect_dma semaphore(%dma_wait3A_654 : memref<!tpu.dma_semaphore, #tpu.memory_space<semaphore_mem>>) src(%dma_wait3A_652 : memref<10240x128xf32, #tpu.memory_space<hbm>>) dst(%dma_wait3A_646 : memref<64x128xf32, #tpu.memory_space<vmem>>)
      %dma_start3A_655 = arith.constant 3 : i32
      %dma_start3A_656 = arith.constant 7 : i32
      %dma_start3A_657 = arith.constant 3 : i32
      %dma_start3A_658 = arith.constant 0 : i32
      %dma_start3A_659 = arith.constant 0 : i32
      %dma_start3A_660 = tpu.memref_slice %arg8[%dma_start3A_655, %dma_start3A_658, %dma_start3A_659] : memref<4x64x128xf32, #tpu.memory_space<vmem>> -> memref<1x64x128xf32, #tpu.memory_space<vmem>>
      %dma_start3A_661 = tpu.memref_squeeze %dma_start3A_660 : memref<1x64x128xf32, #tpu.memory_space<vmem>> -> memref<64x128xf32, #tpu.memory_space<vmem>>
      %dma_start3A_662 = arith.constant 0 : i32
      %dma_start3A_663 = tpu.memref_slice %arg7[%dma_start3A_656, %dma_start3A_662] : memref<8x64xi32, #tpu.memory_space<vmem>> -> memref<1x64xi32, #tpu.memory_space<vmem>>
      %dma_start3A_664 = tpu.memref_squeeze %dma_start3A_663 : memref<1x64xi32, #tpu.memory_space<vmem>> -> memref<64xi32, #tpu.memory_space<vmem>>
      %dma_start3A_665 = arith.constant 0 : i32
      %dma_start3A_666 = arith.constant 0 : i32
      %dma_start3A_667 = tpu.memref_slice %arg12[%dma_start3A_665, %dma_start3A_666] : memref<10000x128xf32, #tpu.memory_space<vmem_shared>> -> memref<10000x128xf32, #tpu.memory_space<vmem_shared>>
      %dma_start3A_668 = tpu.memref_slice %arg10[%dma_start3A_657] : memref<4x!tpu.dma_semaphore, #tpu.memory_space<semaphore_mem>> -> memref<1x!tpu.dma_semaphore, #tpu.memory_space<semaphore_mem>>
      %dma_start3A_669 = tpu.memref_squeeze %dma_start3A_668 : memref<1x!tpu.dma_semaphore, #tpu.memory_space<semaphore_mem>> -> memref<!tpu.dma_semaphore, #tpu.memory_space<semaphore_mem>>
      tpu.enqueue_indirect_dma source(%dma_start3A_661 : memref<64x128xf32, #tpu.memory_space<vmem>>) target(%dma_start3A_667 : memref<10000x128xf32, #tpu.memory_space<vmem_shared>>) offsets(%dma_start3A_664 : memref<64xi32, #tpu.memory_space<vmem>>) semaphore(%dma_start3A_669 : memref<!tpu.dma_semaphore, #tpu.memory_space<semaphore_mem>>) {add = true}
      %dma_wait3A_670 = arith.constant 1 : i32
      %dma_wait3A_671 = arith.constant 5 : i32
      %dma_wait3A_672 = arith.constant 1 : i32
      %dma_wait3A_673 = arith.constant 0 : i32
      %dma_wait3A_674 = arith.constant 0 : i32
      %dma_wait3A_675 = tpu.memref_slice %arg8[%dma_wait3A_670, %dma_wait3A_673, %dma_wait3A_674] : memref<4x64x128xf32, #tpu.memory_space<vmem>> -> memref<1x64x128xf32, #tpu.memory_space<vmem>>
      %dma_wait3A_676 = tpu.memref_squeeze %dma_wait3A_675 : memref<1x64x128xf32, #tpu.memory_space<vmem>> -> memref<64x128xf32, #tpu.memory_space<vmem>>
      %dma_wait3A_677 = arith.constant 0 : i32
      %dma_wait3A_678 = tpu.memref_slice %arg7[%dma_wait3A_671, %dma_wait3A_677] : memref<8x64xi32, #tpu.memory_space<vmem>> -> memref<1x64xi32, #tpu.memory_space<vmem>>
      %dma_wait3A_679 = tpu.memref_squeeze %dma_wait3A_678 : memref<1x64xi32, #tpu.memory_space<vmem>> -> memref<64xi32, #tpu.memory_space<vmem>>
      %dma_wait3A_680 = arith.constant 0 : i32
      %dma_wait3A_681 = arith.constant 0 : i32
      %dma_wait3A_682 = tpu.memref_slice %arg12[%dma_wait3A_680, %dma_wait3A_681] : memref<10000x128xf32, #tpu.memory_space<vmem_shared>> -> memref<10000x128xf32, #tpu.memory_space<vmem_shared>>
      %dma_wait3A_683 = tpu.memref_slice %arg10[%dma_wait3A_672] : memref<4x!tpu.dma_semaphore, #tpu.memory_space<semaphore_mem>> -> memref<1x!tpu.dma_semaphore, #tpu.memory_space<semaphore_mem>>
      %dma_wait3A_684 = tpu.memref_squeeze %dma_wait3A_683 : memref<1x!tpu.dma_semaphore, #tpu.memory_space<semaphore_mem>> -> memref<!tpu.dma_semaphore, #tpu.memory_space<semaphore_mem>>
      tpu.wait_indirect_dma semaphore(%dma_wait3A_684 : memref<!tpu.dma_semaphore, #tpu.memory_space<semaphore_mem>>) src(%dma_wait3A_676 : memref<64x128xf32, #tpu.memory_space<vmem>>) dst(%dma_wait3A_682 : memref<10000x128xf32, #tpu.memory_space<vmem_shared>>)
      %add3A_685 = arith.constant 2 : i32
      %add3A_686 = arith.addi %add3A_639, %add3A_685 : i32
      %lt3A_687 = arith.constant 160 : i32
      %lt3A_688 = arith.cmpi slt, %add3A_686, %lt3A_687 : i32
      %convert_element_type3A_689 = arith.extui %lt3A_688 : i1 to i32
      %cond3A_690 = arith.constant 0 : i32
      %cond3A_691 = arith.cmpi ne, %convert_element_type3A_689, %cond3A_690 : i32
      scf.if %cond3A_691 {
        %add3A_699 = arith.constant 2 : i32
        %add3A_700 = arith.addi %add3A_639, %add3A_699 : i32
        %mul3A_701 = arith.constant 64 : i32
        %mul3A_702 = arith.muli %add3A_700, %mul3A_701 : i32
        %add3A_703 = arith.addi %mul3A_6, %mul3A_702 : i32
        %dma_wait3A_704 = arith.constant 1 : i32
        %dma_wait3A_705 = arith.constant 1 : i32
        %dma_wait3A_706 = arith.constant 0 : i32
        %dma_wait3A_707 = tpu.memref_slice %arg6[%dma_wait3A_704, %dma_wait3A_706] : memref<8x64xi32, #tpu.memory_space<vmem>> -> memref<1x64xi32, #tpu.memory_space<vmem>>
        %dma_wait3A_708 = tpu.memref_squeeze %dma_wait3A_707 : memref<1x64xi32, #tpu.memory_space<vmem>> -> memref<64xi32, #tpu.memory_space<vmem>>
        %dma_wait3A_709 = tpu.memref_slice %arg3[%add3A_703] : memref<327680xi32, #tpu.memory_space<hbm>> -> memref<64xi32, #tpu.memory_space<hbm>>
        %dma_wait3A_710 = tpu.memref_slice %arg11[%dma_wait3A_705] : memref<8x!tpu.dma_semaphore, #tpu.memory_space<semaphore_mem>> -> memref<1x!tpu.dma_semaphore, #tpu.memory_space<semaphore_mem>>
        %dma_wait3A_711 = tpu.memref_squeeze %dma_wait3A_710 : memref<1x!tpu.dma_semaphore, #tpu.memory_space<semaphore_mem>> -> memref<!tpu.dma_semaphore, #tpu.memory_space<semaphore_mem>>
        %dma_wait3A_712 = arith.constant 0 : i32
        %dma_wait3A_713 = tpu.memref_slice %arg6[%dma_wait3A_704, %dma_wait3A_712] : memref<8x64xi32, #tpu.memory_space<vmem>> -> memref<1x64xi32, #tpu.memory_space<vmem>>
        %dma_wait3A_714 = tpu.memref_squeeze %dma_wait3A_713 : memref<1x64xi32, #tpu.memory_space<vmem>> -> memref<64xi32, #tpu.memory_space<vmem>>
        %dma_wait3A_715 = tpu.memref_slice %arg3[%add3A_703] : memref<327680xi32, #tpu.memory_space<hbm>> -> memref<64xi32, #tpu.memory_space<hbm>>
        tpu.wait_dma2 semaphore(%dma_wait3A_711 : memref<!tpu.dma_semaphore, #tpu.memory_space<semaphore_mem>>) src(%dma_wait3A_715 : memref<64xi32, #tpu.memory_space<hbm>>) dst(%dma_wait3A_714 : memref<64xi32, #tpu.memory_space<vmem>>)
        %mul3A_716 = arith.constant 64 : i32
        %mul3A_717 = arith.muli %add3A_700, %mul3A_716 : i32
        %add3A_718 = arith.addi %mul3A_6, %mul3A_717 : i32
        %dma_wait3A_719 = arith.constant 1 : i32
        %dma_wait3A_720 = arith.constant 1 : i32
        %dma_wait3A_721 = arith.constant 0 : i32
        %dma_wait3A_722 = tpu.memref_slice %arg7[%dma_wait3A_719, %dma_wait3A_721] : memref<8x64xi32, #tpu.memory_space<vmem>> -> memref<1x64xi32, #tpu.memory_space<vmem>>
        %dma_wait3A_723 = tpu.memref_squeeze %dma_wait3A_722 : memref<1x64xi32, #tpu.memory_space<vmem>> -> memref<64xi32, #tpu.memory_space<vmem>>
        %dma_wait3A_724 = tpu.memref_slice %arg4[%add3A_718] : memref<327680xi32, #tpu.memory_space<hbm>> -> memref<64xi32, #tpu.memory_space<hbm>>
        %dma_wait3A_725 = tpu.memref_slice %arg11[%dma_wait3A_720] : memref<8x!tpu.dma_semaphore, #tpu.memory_space<semaphore_mem>> -> memref<1x!tpu.dma_semaphore, #tpu.memory_space<semaphore_mem>>
        %dma_wait3A_726 = tpu.memref_squeeze %dma_wait3A_725 : memref<1x!tpu.dma_semaphore, #tpu.memory_space<semaphore_mem>> -> memref<!tpu.dma_semaphore, #tpu.memory_space<semaphore_mem>>
        %dma_wait3A_727 = arith.constant 0 : i32
        %dma_wait3A_728 = tpu.memref_slice %arg7[%dma_wait3A_719, %dma_wait3A_727] : memref<8x64xi32, #tpu.memory_space<vmem>> -> memref<1x64xi32, #tpu.memory_space<vmem>>
        %dma_wait3A_729 = tpu.memref_squeeze %dma_wait3A_728 : memref<1x64xi32, #tpu.memory_space<vmem>> -> memref<64xi32, #tpu.memory_space<vmem>>
        %dma_wait3A_730 = tpu.memref_slice %arg4[%add3A_718] : memref<327680xi32, #tpu.memory_space<hbm>> -> memref<64xi32, #tpu.memory_space<hbm>>
        tpu.wait_dma2 semaphore(%dma_wait3A_726 : memref<!tpu.dma_semaphore, #tpu.memory_space<semaphore_mem>>) src(%dma_wait3A_730 : memref<64xi32, #tpu.memory_space<hbm>>) dst(%dma_wait3A_729 : memref<64xi32, #tpu.memory_space<vmem>>)
        %dma_start3A_731 = arith.constant 1 : i32
        %dma_start3A_732 = arith.constant 1 : i32
        %dma_start3A_733 = arith.constant 1 : i32
        %dma_start3A_734 = arith.constant 0 : i32
        %dma_start3A_735 = arith.constant 0 : i32
        %dma_start3A_736 = tpu.memref_slice %arg8[%dma_start3A_732, %dma_start3A_734, %dma_start3A_735] : memref<4x64x128xf32, #tpu.memory_space<vmem>> -> memref<1x64x128xf32, #tpu.memory_space<vmem>>
        %dma_start3A_737 = tpu.memref_squeeze %dma_start3A_736 : memref<1x64x128xf32, #tpu.memory_space<vmem>> -> memref<64x128xf32, #tpu.memory_space<vmem>>
        %dma_start3A_738 = arith.constant 0 : i32
        %dma_start3A_739 = tpu.memref_slice %arg6[%dma_start3A_731, %dma_start3A_738] : memref<8x64xi32, #tpu.memory_space<vmem>> -> memref<1x64xi32, #tpu.memory_space<vmem>>
        %dma_start3A_740 = tpu.memref_squeeze %dma_start3A_739 : memref<1x64xi32, #tpu.memory_space<vmem>> -> memref<64xi32, #tpu.memory_space<vmem>>
        %dma_start3A_741 = arith.constant 0 : i32
        %dma_start3A_742 = arith.constant 0 : i32
        %dma_start3A_743 = tpu.memref_slice %arg2[%dma_start3A_741, %dma_start3A_742] : memref<10240x128xf32, #tpu.memory_space<hbm>> -> memref<10240x128xf32, #tpu.memory_space<hbm>>
        %dma_start3A_744 = tpu.memref_slice %arg9[%dma_start3A_733] : memref<4x!tpu.dma_semaphore, #tpu.memory_space<semaphore_mem>> -> memref<1x!tpu.dma_semaphore, #tpu.memory_space<semaphore_mem>>
        %dma_start3A_745 = tpu.memref_squeeze %dma_start3A_744 : memref<1x!tpu.dma_semaphore, #tpu.memory_space<semaphore_mem>> -> memref<!tpu.dma_semaphore, #tpu.memory_space<semaphore_mem>>
        tpu.enqueue_indirect_dma source(%dma_start3A_743 : memref<10240x128xf32, #tpu.memory_space<hbm>>) target(%dma_start3A_737 : memref<64x128xf32, #tpu.memory_space<vmem>>) offsets(%dma_start3A_740 : memref<64xi32, #tpu.memory_space<vmem>>) semaphore(%dma_start3A_745 : memref<!tpu.dma_semaphore, #tpu.memory_space<semaphore_mem>>)
      } else {
      }
      %add3A_692 = arith.constant 5 : i32
      %add3A_693 = arith.addi %add3A_639, %add3A_692 : i32
      %lt3A_694 = arith.constant 160 : i32
      %lt3A_695 = arith.cmpi slt, %add3A_693, %lt3A_694 : i32
      %convert_element_type3A_696 = arith.extui %lt3A_695 : i1 to i32
      %cond3A_697 = arith.constant 0 : i32
      %cond3A_698 = arith.cmpi ne, %convert_element_type3A_696, %cond3A_697 : i32
      scf.if %cond3A_698 {
        %add3A_699 = arith.constant 5 : i32
        %add3A_700 = arith.addi %add3A_639, %add3A_699 : i32
        %mul3A_701 = arith.constant 64 : i32
        %mul3A_702 = arith.muli %add3A_700, %mul3A_701 : i32
        %add3A_703 = arith.addi %mul3A_6, %mul3A_702 : i32
        %dma_start3A_704 = arith.constant 4 : i32
        %dma_start3A_705 = arith.constant 4 : i32
        %dma_start3A_706 = arith.constant 0 : i32
        %dma_start3A_707 = tpu.memref_slice %arg6[%dma_start3A_704, %dma_start3A_706] : memref<8x64xi32, #tpu.memory_space<vmem>> -> memref<1x64xi32, #tpu.memory_space<vmem>>
        %dma_start3A_708 = tpu.memref_squeeze %dma_start3A_707 : memref<1x64xi32, #tpu.memory_space<vmem>> -> memref<64xi32, #tpu.memory_space<vmem>>
        %dma_start3A_709 = tpu.memref_slice %arg3[%add3A_703] : memref<327680xi32, #tpu.memory_space<hbm>> -> memref<64xi32, #tpu.memory_space<hbm>>
        %dma_start3A_710 = tpu.memref_slice %arg11[%dma_start3A_705] : memref<8x!tpu.dma_semaphore, #tpu.memory_space<semaphore_mem>> -> memref<1x!tpu.dma_semaphore, #tpu.memory_space<semaphore_mem>>
        %dma_start3A_711 = tpu.memref_squeeze %dma_start3A_710 : memref<1x!tpu.dma_semaphore, #tpu.memory_space<semaphore_mem>> -> memref<!tpu.dma_semaphore, #tpu.memory_space<semaphore_mem>>
        %dma_start3A_712 = arith.constant 0 : i32
        %dma_start3A_713 = tpu.memref_slice %arg6[%dma_start3A_704, %dma_start3A_712] : memref<8x64xi32, #tpu.memory_space<vmem>> -> memref<1x64xi32, #tpu.memory_space<vmem>>
        %dma_start3A_714 = tpu.memref_squeeze %dma_start3A_713 : memref<1x64xi32, #tpu.memory_space<vmem>> -> memref<64xi32, #tpu.memory_space<vmem>>
        %dma_start3A_715 = tpu.memref_slice %arg3[%add3A_703] : memref<327680xi32, #tpu.memory_space<hbm>> -> memref<64xi32, #tpu.memory_space<hbm>>
        tpu.enqueue_dma source(%dma_start3A_715 : memref<64xi32, #tpu.memory_space<hbm>>) target(%dma_start3A_714 : memref<64xi32, #tpu.memory_space<vmem>>) target_semaphore(%dma_start3A_711 : memref<!tpu.dma_semaphore, #tpu.memory_space<semaphore_mem>>)
        %mul3A_716 = arith.constant 64 : i32
        %mul3A_717 = arith.muli %add3A_700, %mul3A_716 : i32
        %add3A_718 = arith.addi %mul3A_6, %mul3A_717 : i32
        %dma_start3A_719 = arith.constant 4 : i32
        %dma_start3A_720 = arith.constant 4 : i32
        %dma_start3A_721 = arith.constant 0 : i32
        %dma_start3A_722 = tpu.memref_slice %arg7[%dma_start3A_719, %dma_start3A_721] : memref<8x64xi32, #tpu.memory_space<vmem>> -> memref<1x64xi32, #tpu.memory_space<vmem>>
        %dma_start3A_723 = tpu.memref_squeeze %dma_start3A_722 : memref<1x64xi32, #tpu.memory_space<vmem>> -> memref<64xi32, #tpu.memory_space<vmem>>
        %dma_start3A_724 = tpu.memref_slice %arg4[%add3A_718] : memref<327680xi32, #tpu.memory_space<hbm>> -> memref<64xi32, #tpu.memory_space<hbm>>
        %dma_start3A_725 = tpu.memref_slice %arg11[%dma_start3A_720] : memref<8x!tpu.dma_semaphore, #tpu.memory_space<semaphore_mem>> -> memref<1x!tpu.dma_semaphore, #tpu.memory_space<semaphore_mem>>
        %dma_start3A_726 = tpu.memref_squeeze %dma_start3A_725 : memref<1x!tpu.dma_semaphore, #tpu.memory_space<semaphore_mem>> -> memref<!tpu.dma_semaphore, #tpu.memory_space<semaphore_mem>>
        %dma_start3A_727 = arith.constant 0 : i32
        %dma_start3A_728 = tpu.memref_slice %arg7[%dma_start3A_719, %dma_start3A_727] : memref<8x64xi32, #tpu.memory_space<vmem>> -> memref<1x64xi32, #tpu.memory_space<vmem>>
        %dma_start3A_729 = tpu.memref_squeeze %dma_start3A_728 : memref<1x64xi32, #tpu.memory_space<vmem>> -> memref<64xi32, #tpu.memory_space<vmem>>
        %dma_start3A_730 = tpu.memref_slice %arg4[%add3A_718] : memref<327680xi32, #tpu.memory_space<hbm>> -> memref<64xi32, #tpu.memory_space<hbm>>
        tpu.enqueue_dma source(%dma_start3A_730 : memref<64xi32, #tpu.memory_space<hbm>>) target(%dma_start3A_729 : memref<64xi32, #tpu.memory_space<vmem>>) target_semaphore(%dma_start3A_726 : memref<!tpu.dma_semaphore, #tpu.memory_space<semaphore_mem>>)
      } else {
      }
    }
    %scan3A_185 = arith.constant 20 : i32
    %dma_wait3A_186 = arith.constant 2 : i32
    %dma_wait3A_187 = arith.constant 6 : i32
    %dma_wait3A_188 = arith.constant 2 : i32
    %dma_wait3A_189 = arith.constant 0 : i32
    %dma_wait3A_190 = arith.constant 0 : i32
    %dma_wait3A_191 = tpu.memref_slice %arg8[%dma_wait3A_186, %dma_wait3A_189, %dma_wait3A_190] : memref<4x64x128xf32, #tpu.memory_space<vmem>> -> memref<1x64x128xf32, #tpu.memory_space<vmem>>
    %dma_wait3A_192 = tpu.memref_squeeze %dma_wait3A_191 : memref<1x64x128xf32, #tpu.memory_space<vmem>> -> memref<64x128xf32, #tpu.memory_space<vmem>>
    %dma_wait3A_193 = arith.constant 0 : i32
    %dma_wait3A_194 = tpu.memref_slice %arg7[%dma_wait3A_187, %dma_wait3A_193] : memref<8x64xi32, #tpu.memory_space<vmem>> -> memref<1x64xi32, #tpu.memory_space<vmem>>
    %dma_wait3A_195 = tpu.memref_squeeze %dma_wait3A_194 : memref<1x64xi32, #tpu.memory_space<vmem>> -> memref<64xi32, #tpu.memory_space<vmem>>
    %dma_wait3A_196 = arith.constant 0 : i32
    %dma_wait3A_197 = arith.constant 0 : i32
    %dma_wait3A_198 = tpu.memref_slice %arg12[%dma_wait3A_196, %dma_wait3A_197] : memref<10000x128xf32, #tpu.memory_space<vmem_shared>> -> memref<10000x128xf32, #tpu.memory_space<vmem_shared>>
    %dma_wait3A_199 = tpu.memref_slice %arg10[%dma_wait3A_188] : memref<4x!tpu.dma_semaphore, #tpu.memory_space<semaphore_mem>> -> memref<1x!tpu.dma_semaphore, #tpu.memory_space<semaphore_mem>>
    %dma_wait3A_200 = tpu.memref_squeeze %dma_wait3A_199 : memref<1x!tpu.dma_semaphore, #tpu.memory_space<semaphore_mem>> -> memref<!tpu.dma_semaphore, #tpu.memory_space<semaphore_mem>>
    tpu.wait_indirect_dma semaphore(%dma_wait3A_200 : memref<!tpu.dma_semaphore, #tpu.memory_space<semaphore_mem>>) src(%dma_wait3A_192 : memref<64x128xf32, #tpu.memory_space<vmem>>) dst(%dma_wait3A_198 : memref<10000x128xf32, #tpu.memory_space<vmem_shared>>)
    %dma_wait3A_201 = arith.constant 3 : i32
    %dma_wait3A_202 = arith.constant 7 : i32
    %dma_wait3A_203 = arith.constant 3 : i32
    %dma_wait3A_204 = arith.constant 0 : i32
    %dma_wait3A_205 = arith.constant 0 : i32
    %dma_wait3A_206 = tpu.memref_slice %arg8[%dma_wait3A_201, %dma_wait3A_204, %dma_wait3A_205] : memref<4x64x128xf32, #tpu.memory_space<vmem>> -> memref<1x64x128xf32, #tpu.memory_space<vmem>>
    %dma_wait3A_207 = tpu.memref_squeeze %dma_wait3A_206 : memref<1x64x128xf32, #tpu.memory_space<vmem>> -> memref<64x128xf32, #tpu.memory_space<vmem>>
    %dma_wait3A_208 = arith.constant 0 : i32
    %dma_wait3A_209 = tpu.memref_slice %arg7[%dma_wait3A_202, %dma_wait3A_208] : memref<8x64xi32, #tpu.memory_space<vmem>> -> memref<1x64xi32, #tpu.memory_space<vmem>>
    %dma_wait3A_210 = tpu.memref_squeeze %dma_wait3A_209 : memref<1x64xi32, #tpu.memory_space<vmem>> -> memref<64xi32, #tpu.memory_space<vmem>>
    %dma_wait3A_211 = arith.constant 0 : i32
    %dma_wait3A_212 = arith.constant 0 : i32
    %dma_wait3A_213 = tpu.memref_slice %arg12[%dma_wait3A_211, %dma_wait3A_212] : memref<10000x128xf32, #tpu.memory_space<vmem_shared>> -> memref<10000x128xf32, #tpu.memory_space<vmem_shared>>
    %dma_wait3A_214 = tpu.memref_slice %arg10[%dma_wait3A_203] : memref<4x!tpu.dma_semaphore, #tpu.memory_space<semaphore_mem>> -> memref<1x!tpu.dma_semaphore, #tpu.memory_space<semaphore_mem>>
    %dma_wait3A_215 = tpu.memref_squeeze %dma_wait3A_214 : memref<1x!tpu.dma_semaphore, #tpu.memory_space<semaphore_mem>> -> memref<!tpu.dma_semaphore, #tpu.memory_space<semaphore_mem>>
    tpu.wait_indirect_dma semaphore(%dma_wait3A_215 : memref<!tpu.dma_semaphore, #tpu.memory_space<semaphore_mem>>) src(%dma_wait3A_207 : memref<64x128xf32, #tpu.memory_space<vmem>>) dst(%dma_wait3A_213 : memref<10000x128xf32, #tpu.memory_space<vmem_shared>>)
    %barrier3A_216 = arith.constant 0 : index
    tpu.barrier barrier_id(%barrier3A_216)
    %lt3A_217 = arith.constant 15 : i32
    %lt3A_218 = arith.cmpi slt, %arg1, %lt3A_217 : i32
    %convert_element_type3A_219 = arith.extui %lt3A_218 : i1 to i32
    %cond3A_220 = arith.constant 0 : i32
    %cond3A_221 = arith.cmpi ne, %convert_element_type3A_219, %cond3A_220 : i32
    scf.if %cond3A_221 {
      "tpu.region"() ({
        %run_scoped3A_227 = tpu.sem_alloc : memref<!tpu.dma_semaphore, #tpu.memory_space<semaphore_mem>>
        %dma_start3A_228 = arith.constant 0 : i32
        %dma_start3A_229 = tpu.memref_slice %arg5[%arg0, %mul3A_2, %dma_start3A_228] : memref<2x10000x128xf32, #tpu.memory_space<hbm>> -> memref<1x632x128xf32, #tpu.memory_space<hbm>>
        %dma_start3A_230 = tpu.memref_squeeze %dma_start3A_229 : memref<1x632x128xf32, #tpu.memory_space<hbm>> -> memref<632x128xf32, #tpu.memory_space<hbm>>
        %dma_start3A_231 = arith.constant 0 : i32
        %dma_start3A_232 = tpu.memref_slice %arg12[%mul3A_2, %dma_start3A_231] : memref<10000x128xf32, #tpu.memory_space<vmem_shared>> -> memref<632x128xf32, #tpu.memory_space<vmem_shared>>
        tpu.enqueue_dma source(%dma_start3A_232 : memref<632x128xf32, #tpu.memory_space<vmem_shared>>) target(%dma_start3A_230 : memref<632x128xf32, #tpu.memory_space<hbm>>) target_semaphore(%run_scoped3A_227 : memref<!tpu.dma_semaphore, #tpu.memory_space<semaphore_mem>>)
        %dma_wait3A_233 = arith.constant 0 : i32
        %dma_wait3A_234 = tpu.memref_slice %arg5[%arg0, %mul3A_2, %dma_wait3A_233] : memref<2x10000x128xf32, #tpu.memory_space<hbm>> -> memref<1x632x128xf32, #tpu.memory_space<hbm>>
        %dma_wait3A_235 = tpu.memref_squeeze %dma_wait3A_234 : memref<1x632x128xf32, #tpu.memory_space<hbm>> -> memref<632x128xf32, #tpu.memory_space<hbm>>
        %dma_wait3A_236 = arith.constant 0 : i32
        %dma_wait3A_237 = tpu.memref_slice %arg12[%mul3A_2, %dma_wait3A_236] : memref<10000x128xf32, #tpu.memory_space<vmem_shared>> -> memref<632x128xf32, #tpu.memory_space<vmem_shared>>
        tpu.wait_dma2 semaphore(%run_scoped3A_227 : memref<!tpu.dma_semaphore, #tpu.memory_space<semaphore_mem>>) src(%dma_wait3A_237 : memref<632x128xf32, #tpu.memory_space<vmem_shared>>) dst(%dma_wait3A_235 : memref<632x128xf32, #tpu.memory_space<hbm>>)
        tpu.yield
      }) : () -> ()
    } else {
    }
    %eq3A_222 = arith.constant 15 : i32
    %eq3A_223 = arith.cmpi eq, %arg1, %eq3A_222 : i32
    %convert_element_type3A_224 = arith.extui %eq3A_223 : i1 to i32
    %cond3A_225 = arith.constant 0 : i32
    %cond3A_226 = arith.cmpi ne, %convert_element_type3A_224, %cond3A_225 : i32
    scf.if %cond3A_226 {
      "tpu.region"() ({
        %run_scoped3A_227 = tpu.sem_alloc : memref<!tpu.dma_semaphore, #tpu.memory_space<semaphore_mem>>
        %dma_start3A_228 = arith.constant 9480 : i32
        %dma_start3A_229 = arith.constant 0 : i32
        %dma_start3A_230 = tpu.memref_slice %arg5[%arg0, %dma_start3A_228, %dma_start3A_229] : memref<2x10000x128xf32, #tpu.memory_space<hbm>> -> memref<1x520x128xf32, #tpu.memory_space<hbm>>
        %dma_start3A_231 = tpu.memref_squeeze %dma_start3A_230 : memref<1x520x128xf32, #tpu.memory_space<hbm>> -> memref<520x128xf32, #tpu.memory_space<hbm>>
        %dma_start3A_232 = arith.constant 9480 : i32
        %dma_start3A_233 = arith.constant 0 : i32
        %dma_start3A_234 = tpu.memref_slice %arg12[%dma_start3A_232, %dma_start3A_233] : memref<10000x128xf32, #tpu.memory_space<vmem_shared>> -> memref<520x128xf32, #tpu.memory_space<vmem_shared>>
        tpu.enqueue_dma source(%dma_start3A_234 : memref<520x128xf32, #tpu.memory_space<vmem_shared>>) target(%dma_start3A_231 : memref<520x128xf32, #tpu.memory_space<hbm>>) target_semaphore(%run_scoped3A_227 : memref<!tpu.dma_semaphore, #tpu.memory_space<semaphore_mem>>)
        %dma_wait3A_235 = arith.constant 9480 : i32
        %dma_wait3A_236 = arith.constant 0 : i32
        %dma_wait3A_237 = tpu.memref_slice %arg5[%arg0, %dma_wait3A_235, %dma_wait3A_236] : memref<2x10000x128xf32, #tpu.memory_space<hbm>> -> memref<1x520x128xf32, #tpu.memory_space<hbm>>
        %dma_wait3A_238 = tpu.memref_squeeze %dma_wait3A_237 : memref<1x520x128xf32, #tpu.memory_space<hbm>> -> memref<520x128xf32, #tpu.memory_space<hbm>>
        %dma_wait3A_239 = arith.constant 9480 : i32
        %dma_wait3A_240 = arith.constant 0 : i32
        %dma_wait3A_241 = tpu.memref_slice %arg12[%dma_wait3A_239, %dma_wait3A_240] : memref<10000x128xf32, #tpu.memory_space<vmem_shared>> -> memref<520x128xf32, #tpu.memory_space<vmem_shared>>
        tpu.wait_dma2 semaphore(%run_scoped3A_227 : memref<!tpu.dma_semaphore, #tpu.memory_space<semaphore_mem>>) src(%dma_wait3A_241 : memref<520x128xf32, #tpu.memory_space<vmem_shared>>) dst(%dma_wait3A_238 : memref<520x128xf32, #tpu.memory_space<hbm>>)
        tpu.yield
      }) : () -> ()
    } else {
    }
    return
  }
}

#map = affine_map<(d0, d1) -> (0)>
#map1 = affine_map<(d0, d1) -> (0, 0)>
module attributes {stable_mosaic.version = 14 : i64} {
  func.func @_deg_body(%arg0: i32, %arg1: i32, %arg2: memref<327680xi32, #tpu.memory_space<hbm>>, %arg3: memref<2x10240xf32, #tpu.memory_space<hbm>>, %arg4: memref<4x128xi32, #tpu.memory_space<vmem>>, %arg5: memref<128xf32, #tpu.memory_space<vmem>>, %arg6: memref<640xf32, #tpu.memory_space<vmem>>, %arg7: memref<!tpu.dma_semaphore, #tpu.memory_space<semaphore_mem>>, %arg8: memref<4x!tpu.dma_semaphore, #tpu.memory_space<semaphore_mem>>, %arg9: memref<10240xf32, #tpu.memory_space<vmem_shared>>) attributes {dimension_semantics = [#tpu.dimension_semantics<core_parallel>, #tpu.dimension_semantics<subcore_parallel>], iteration_bounds = array<i64: 2, 16>, scalar_prefetch = 0 : i64, scratch_operands = 6 : i64, tpu.core_type = #tpu.core_type<sc_vector_subcore>, window_params = [{transform_indices = #map}, {transform_indices = #map1}]} {
    %mul3A = arith.constant 16 : i32
    %mul3A_0 = arith.muli %arg0, %mul3A : i32
    %add3A = arith.addi %mul3A_0, %arg1 : i32
    %mul3A_1 = arith.constant 80 : i32
    %mul3A_2 = arith.muli %add3A, %mul3A_1 : i32
    %mul3A_3 = arith.constant 128 : i32
    %mul3A_4 = arith.muli %mul3A_2, %mul3A_3 : i32
    %scan3A = arith.constant 0 : i32
    %scan3A_5 = arith.constant 8 : i32
    %scan3A_6 = arith.addi %scan3A, %scan3A_5 : i32
    %scan3A_7 = arith.constant 1 : i32
    scf.for %scan3A_72 = %scan3A to %scan3A_6 step %scan3A_7  : i32 {
      %mul3A_73 = arith.constant 16 : i32
      %mul3A_74 = arith.muli %scan3A_72, %mul3A_73 : i32
      %add3A_75 = arith.constant 0 : i32
      %add3A_76 = arith.addi %add3A_75, %mul3A_74 : i32
      %broadcast_in_dim3A = arith.constant 1.000000e+00 : f32
      %broadcast_in_dim3A_77 = vector.broadcast %broadcast_in_dim3A : f32 to vector<16xf32>
      %swap3A = arith.index_cast %add3A_76 : i32 to index
      %swap3A_78 = tpu.vector_load %arg5[%swap3A] {strides = array<i32>} : memref<128xf32, #tpu.memory_space<vmem>>, vector<16xf32>,
      %swap3A_79 = vector.shape_cast %swap3A_78 : vector<16xf32> to vector<16xf32>
      %swap3A_80 = vector.shape_cast %broadcast_in_dim3A_77 : vector<16xf32> to vector<16xf32>
      tpu.vector_store %arg5[%swap3A], %swap3A_80 {strides = array<i32>} : memref<128xf32, #tpu.memory_space<vmem>>, vector<16xf32>,
    }
    %scan3A_8 = arith.constant 8 : i32
    %scan3A_9 = arith.constant 0 : i32
    %scan3A_10 = arith.constant 40 : i32
    %scan3A_11 = arith.addi %scan3A_9, %scan3A_10 : i32
    %scan3A_12 = arith.constant 1 : i32
    scf.for %scan3A_72 = %scan3A_9 to %scan3A_11 step %scan3A_12  : i32 {
      %mul3A_73 = arith.constant 16 : i32
      %mul3A_74 = arith.muli %scan3A_72, %mul3A_73 : i32
      %add3A_75 = arith.constant 0 : i32
      %add3A_76 = arith.addi %add3A_75, %mul3A_74 : i32
      %broadcast_in_dim3A = arith.constant 0.000000e+00 : f32
      %broadcast_in_dim3A_77 = vector.broadcast %broadcast_in_dim3A : f32 to vector<16xf32>
      %swap3A = arith.index_cast %add3A_76 : i32 to index
      %swap3A_78 = tpu.vector_load %arg6[%swap3A] {strides = array<i32>} : memref<640xf32, #tpu.memory_space<vmem>>, vector<16xf32>,
      %swap3A_79 = vector.shape_cast %swap3A_78 : vector<16xf32> to vector<16xf32>
      %swap3A_80 = vector.shape_cast %broadcast_in_dim3A_77 : vector<16xf32> to vector<16xf32>
      tpu.vector_store %arg6[%swap3A], %swap3A_80 {strides = array<i32>} : memref<640xf32, #tpu.memory_space<vmem>>, vector<16xf32>,
    }
    %scan3A_13 = arith.constant 40 : i32
    %mul3A_14 = arith.constant 640 : i32
    %mul3A_15 = arith.muli %arg1, %mul3A_14 : i32
    "tpu.region"() ({
      %run_scoped3A = tpu.sem_alloc : memref<!tpu.dma_semaphore, #tpu.memory_space<semaphore_mem>>
      %dma_start3A_72 = tpu.memref_slice %arg9[%mul3A_15] : memref<10240xf32, #tpu.memory_space<vmem_shared>> -> memref<640xf32, #tpu.memory_space<vmem_shared>>
      %dma_start3A_73 = tpu.memref_slice %arg9[%mul3A_15] : memref<10240xf32, #tpu.memory_space<vmem_shared>> -> memref<640xf32, #tpu.memory_space<vmem_shared>>
      tpu.enqueue_dma source(%arg6 : memref<640xf32, #tpu.memory_space<vmem>>) target(%dma_start3A_73 : memref<640xf32, #tpu.memory_space<vmem_shared>>) target_semaphore(%run_scoped3A : memref<!tpu.dma_semaphore, #tpu.memory_space<semaphore_mem>>)
      %dma_wait3A_74 = tpu.memref_slice %arg9[%mul3A_15] : memref<10240xf32, #tpu.memory_space<vmem_shared>> -> memref<640xf32, #tpu.memory_space<vmem_shared>>
      %dma_wait3A_75 = tpu.memref_slice %arg9[%mul3A_15] : memref<10240xf32, #tpu.memory_space<vmem_shared>> -> memref<640xf32, #tpu.memory_space<vmem_shared>>
      tpu.wait_dma2 semaphore(%run_scoped3A : memref<!tpu.dma_semaphore, #tpu.memory_space<semaphore_mem>>) src(%arg6 : memref<640xf32, #tpu.memory_space<vmem>>) dst(%dma_wait3A_75 : memref<640xf32, #tpu.memory_space<vmem_shared>>)
      tpu.yield
    }) : () -> ()
    %add3A_16 = arith.constant 0 : i32
    %add3A_17 = arith.addi %mul3A_4, %add3A_16 : i32
    %dma_start3A = arith.constant 0 : i32
    %dma_start3A_18 = arith.constant 0 : i32
    %dma_start3A_19 = arith.constant 0 : i32
    %dma_start3A_20 = tpu.memref_slice %arg4[%dma_start3A, %dma_start3A_19] : memref<4x128xi32, #tpu.memory_space<vmem>> -> memref<1x128xi32, #tpu.memory_space<vmem>>
    %dma_start3A_21 = tpu.memref_squeeze %dma_start3A_20 : memref<1x128xi32, #tpu.memory_space<vmem>> -> memref<128xi32, #tpu.memory_space<vmem>>
    %dma_start3A_22 = tpu.memref_slice %arg2[%add3A_17] : memref<327680xi32, #tpu.memory_space<hbm>> -> memref<128xi32, #tpu.memory_space<hbm>>
    %dma_start3A_23 = tpu.memref_slice %arg8[%dma_start3A_18] : memref<4x!tpu.dma_semaphore, #tpu.memory_space<semaphore_mem>> -> memref<1x!tpu.dma_semaphore, #tpu.memory_space<semaphore_mem>>
    %dma_start3A_24 = tpu.memref_squeeze %dma_start3A_23 : memref<1x!tpu.dma_semaphore, #tpu.memory_space<semaphore_mem>> -> memref<!tpu.dma_semaphore, #tpu.memory_space<semaphore_mem>>
    %dma_start3A_25 = arith.constant 0 : i32
    %dma_start3A_26 = tpu.memref_slice %arg4[%dma_start3A, %dma_start3A_25] : memref<4x128xi32, #tpu.memory_space<vmem>> -> memref<1x128xi32, #tpu.memory_space<vmem>>
    %dma_start3A_27 = tpu.memref_squeeze %dma_start3A_26 : memref<1x128xi32, #tpu.memory_space<vmem>> -> memref<128xi32, #tpu.memory_space<vmem>>
    %dma_start3A_28 = tpu.memref_slice %arg2[%add3A_17] : memref<327680xi32, #tpu.memory_space<hbm>> -> memref<128xi32, #tpu.memory_space<hbm>>
    tpu.enqueue_dma source(%dma_start3A_28 : memref<128xi32, #tpu.memory_space<hbm>>) target(%dma_start3A_27 : memref<128xi32, #tpu.memory_space<vmem>>) target_semaphore(%dma_start3A_24 : memref<!tpu.dma_semaphore, #tpu.memory_space<semaphore_mem>>)
    %add3A_29 = arith.constant 128 : i32
    %add3A_30 = arith.addi %mul3A_4, %add3A_29 : i32
    %dma_start3A_31 = arith.constant 1 : i32
    %dma_start3A_32 = arith.constant 1 : i32
    %dma_start3A_33 = arith.constant 0 : i32
    %dma_start3A_34 = tpu.memref_slice %arg4[%dma_start3A_31, %dma_start3A_33] : memref<4x128xi32, #tpu.memory_space<vmem>> -> memref<1x128xi32, #tpu.memory_space<vmem>>
    %dma_start3A_35 = tpu.memref_squeeze %dma_start3A_34 : memref<1x128xi32, #tpu.memory_space<vmem>> -> memref<128xi32, #tpu.memory_space<vmem>>
    %dma_start3A_36 = tpu.memref_slice %arg2[%add3A_30] : memref<327680xi32, #tpu.memory_space<hbm>> -> memref<128xi32, #tpu.memory_space<hbm>>
    %dma_start3A_37 = tpu.memref_slice %arg8[%dma_start3A_32] : memref<4x!tpu.dma_semaphore, #tpu.memory_space<semaphore_mem>> -> memref<1x!tpu.dma_semaphore, #tpu.memory_space<semaphore_mem>>
    %dma_start3A_38 = tpu.memref_squeeze %dma_start3A_37 : memref<1x!tpu.dma_semaphore, #tpu.memory_space<semaphore_mem>> -> memref<!tpu.dma_semaphore, #tpu.memory_space<semaphore_mem>>
    %dma_start3A_39 = arith.constant 0 : i32
    %dma_start3A_40 = tpu.memref_slice %arg4[%dma_start3A_31, %dma_start3A_39] : memref<4x128xi32, #tpu.memory_space<vmem>> -> memref<1x128xi32, #tpu.memory_space<vmem>>
    %dma_start3A_41 = tpu.memref_squeeze %dma_start3A_40 : memref<1x128xi32, #tpu.memory_space<vmem>> -> memref<128xi32, #tpu.memory_space<vmem>>
    %dma_start3A_42 = tpu.memref_slice %arg2[%add3A_30] : memref<327680xi32, #tpu.memory_space<hbm>> -> memref<128xi32, #tpu.memory_space<hbm>>
    tpu.enqueue_dma source(%dma_start3A_42 : memref<128xi32, #tpu.memory_space<hbm>>) target(%dma_start3A_41 : memref<128xi32, #tpu.memory_space<vmem>>) target_semaphore(%dma_start3A_38 : memref<!tpu.dma_semaphore, #tpu.memory_space<semaphore_mem>>)
    %add3A_43 = arith.constant 256 : i32
    %add3A_44 = arith.addi %mul3A_4, %add3A_43 : i32
    %dma_start3A_45 = arith.constant 2 : i32
    %dma_start3A_46 = arith.constant 2 : i32
    %dma_start3A_47 = arith.constant 0 : i32
    %dma_start3A_48 = tpu.memref_slice %arg4[%dma_start3A_45, %dma_start3A_47] : memref<4x128xi32, #tpu.memory_space<vmem>> -> memref<1x128xi32, #tpu.memory_space<vmem>>
    %dma_start3A_49 = tpu.memref_squeeze %dma_start3A_48 : memref<1x128xi32, #tpu.memory_space<vmem>> -> memref<128xi32, #tpu.memory_space<vmem>>
    %dma_start3A_50 = tpu.memref_slice %arg2[%add3A_44] : memref<327680xi32, #tpu.memory_space<hbm>> -> memref<128xi32, #tpu.memory_space<hbm>>
    %dma_start3A_51 = tpu.memref_slice %arg8[%dma_start3A_46] : memref<4x!tpu.dma_semaphore, #tpu.memory_space<semaphore_mem>> -> memref<1x!tpu.dma_semaphore, #tpu.memory_space<semaphore_mem>>
    %dma_start3A_52 = tpu.memref_squeeze %dma_start3A_51 : memref<1x!tpu.dma_semaphore, #tpu.memory_space<semaphore_mem>> -> memref<!tpu.dma_semaphore, #tpu.memory_space<semaphore_mem>>
    %dma_start3A_53 = arith.constant 0 : i32
    %dma_start3A_54 = tpu.memref_slice %arg4[%dma_start3A_45, %dma_start3A_53] : memref<4x128xi32, #tpu.memory_space<vmem>> -> memref<1x128xi32, #tpu.memory_space<vmem>>
    %dma_start3A_55 = tpu.memref_squeeze %dma_start3A_54 : memref<1x128xi32, #tpu.memory_space<vmem>> -> memref<128xi32, #tpu.memory_space<vmem>>
    %dma_start3A_56 = tpu.memref_slice %arg2[%add3A_44] : memref<327680xi32, #tpu.memory_space<hbm>> -> memref<128xi32, #tpu.memory_space<hbm>>
    tpu.enqueue_dma source(%dma_start3A_56 : memref<128xi32, #tpu.memory_space<hbm>>) target(%dma_start3A_55 : memref<128xi32, #tpu.memory_space<vmem>>) target_semaphore(%dma_start3A_52 : memref<!tpu.dma_semaphore, #tpu.memory_space<semaphore_mem>>)
    %barrier3A = arith.constant 0 : index
    tpu.barrier barrier_id(%barrier3A)
    %scan3A_57 = arith.constant 0 : i32
    %scan3A_58 = arith.constant 20 : i32
    %scan3A_59 = arith.addi %scan3A_57, %scan3A_58 : i32
    %scan3A_60 = arith.constant 1 : i32
    scf.for %scan3A_72 = %scan3A_57 to %scan3A_59 step %scan3A_60  : i32 {
      %mul3A_73 = arith.constant 4 : i32
      %mul3A_74 = arith.muli %scan3A_72, %mul3A_73 : i32
      %add3A_75 = arith.constant 0 : i32
      %add3A_76 = arith.addi %add3A_75, %mul3A_74 : i32
      %add3A_77 = arith.constant 0 : i32
      %add3A_78 = arith.addi %add3A_76, %add3A_77 : i32
      %mul3A_79 = arith.constant 128 : i32
      %mul3A_80 = arith.muli %add3A_78, %mul3A_79 : i32
      %add3A_81 = arith.addi %mul3A_4, %mul3A_80 : i32
      %dma_wait3A_82 = arith.constant 0 : i32
      %dma_wait3A_83 = arith.constant 0 : i32
      %dma_wait3A_84 = arith.constant 0 : i32
      %dma_wait3A_85 = tpu.memref_slice %arg4[%dma_wait3A_82, %dma_wait3A_84] : memref<4x128xi32, #tpu.memory_space<vmem>> -> memref<1x128xi32, #tpu.memory_space<vmem>>
      %dma_wait3A_86 = tpu.memref_squeeze %dma_wait3A_85 : memref<1x128xi32, #tpu.memory_space<vmem>> -> memref<128xi32, #tpu.memory_space<vmem>>
      %dma_wait3A_87 = tpu.memref_slice %arg2[%add3A_81] : memref<327680xi32, #tpu.memory_space<hbm>> -> memref<128xi32, #tpu.memory_space<hbm>>
      %dma_wait3A_88 = tpu.memref_slice %arg8[%dma_wait3A_83] : memref<4x!tpu.dma_semaphore, #tpu.memory_space<semaphore_mem>> -> memref<1x!tpu.dma_semaphore, #tpu.memory_space<semaphore_mem>>
      %dma_wait3A_89 = tpu.memref_squeeze %dma_wait3A_88 : memref<1x!tpu.dma_semaphore, #tpu.memory_space<semaphore_mem>> -> memref<!tpu.dma_semaphore, #tpu.memory_space<semaphore_mem>>
      %dma_wait3A_90 = arith.constant 0 : i32
      %dma_wait3A_91 = tpu.memref_slice %arg4[%dma_wait3A_82, %dma_wait3A_90] : memref<4x128xi32, #tpu.memory_space<vmem>> -> memref<1x128xi32, #tpu.memory_space<vmem>>
      %dma_wait3A_92 = tpu.memref_squeeze %dma_wait3A_91 : memref<1x128xi32, #tpu.memory_space<vmem>> -> memref<128xi32, #tpu.memory_space<vmem>>
      %dma_wait3A_93 = tpu.memref_slice %arg2[%add3A_81] : memref<327680xi32, #tpu.memory_space<hbm>> -> memref<128xi32, #tpu.memory_space<hbm>>
      tpu.wait_dma2 semaphore(%dma_wait3A_89 : memref<!tpu.dma_semaphore, #tpu.memory_space<semaphore_mem>>) src(%dma_wait3A_93 : memref<128xi32, #tpu.memory_space<hbm>>) dst(%dma_wait3A_92 : memref<128xi32, #tpu.memory_space<vmem>>)
      %dma_start3A_94 = arith.constant 0 : i32
      %dma_start3A_95 = arith.constant 0 : i32
      %dma_start3A_96 = tpu.memref_slice %arg4[%dma_start3A_94, %dma_start3A_95] : memref<4x128xi32, #tpu.memory_space<vmem>> -> memref<1x128xi32, #tpu.memory_space<vmem>>
      %dma_start3A_97 = tpu.memref_squeeze %dma_start3A_96 : memref<1x128xi32, #tpu.memory_space<vmem>> -> memref<128xi32, #tpu.memory_space<vmem>>
      %dma_start3A_98 = arith.constant 0 : i32
      %dma_start3A_99 = tpu.memref_slice %arg9[%dma_start3A_98] : memref<10240xf32, #tpu.memory_space<vmem_shared>> -> memref<10240xf32, #tpu.memory_space<vmem_shared>>
      tpu.enqueue_indirect_dma source(%arg5 : memref<128xf32, #tpu.memory_space<vmem>>) target(%dma_start3A_99 : memref<10240xf32, #tpu.memory_space<vmem_shared>>) offsets(%dma_start3A_97 : memref<128xi32, #tpu.memory_space<vmem>>) semaphore(%arg7 : memref<!tpu.dma_semaphore, #tpu.memory_space<semaphore_mem>>) {add = true}
      %gt3A = arith.constant 0 : i32
      %gt3A_100 = arith.cmpi sgt, %add3A_78, %gt3A : i32
      %convert_element_type3A = arith.extui %gt3A_100 : i1 to i32
      %cond3A = arith.constant 0 : i32
      %cond3A_101 = arith.cmpi ne, %convert_element_type3A, %cond3A : i32
      scf.if %cond3A_101 {
        %dma_wait3A_216 = arith.constant 3 : i32
        %dma_wait3A_217 = arith.constant 0 : i32
        %dma_wait3A_218 = tpu.memref_slice %arg4[%dma_wait3A_216, %dma_wait3A_217] : memref<4x128xi32, #tpu.memory_space<vmem>> -> memref<1x128xi32, #tpu.memory_space<vmem>>
        %dma_wait3A_219 = tpu.memref_squeeze %dma_wait3A_218 : memref<1x128xi32, #tpu.memory_space<vmem>> -> memref<128xi32, #tpu.memory_space<vmem>>
        %dma_wait3A_220 = arith.constant 0 : i32
        %dma_wait3A_221 = tpu.memref_slice %arg9[%dma_wait3A_220] : memref<10240xf32, #tpu.memory_space<vmem_shared>> -> memref<10240xf32, #tpu.memory_space<vmem_shared>>
        tpu.wait_indirect_dma semaphore(%arg7 : memref<!tpu.dma_semaphore, #tpu.memory_space<semaphore_mem>>) src(%arg5 : memref<128xf32, #tpu.memory_space<vmem>>) dst(%dma_wait3A_221 : memref<10240xf32, #tpu.memory_space<vmem_shared>>)
      } else {
      }
      %add3A_102 = arith.constant 3 : i32
      %add3A_103 = arith.addi %add3A_78, %add3A_102 : i32
      %lt3A = arith.constant 80 : i32
      %lt3A_104 = arith.cmpi slt, %add3A_103, %lt3A : i32
      %convert_element_type3A_105 = arith.extui %lt3A_104 : i1 to i32
      %cond3A_106 = arith.constant 0 : i32
      %cond3A_107 = arith.cmpi ne, %convert_element_type3A_105, %cond3A_106 : i32
      scf.if %cond3A_107 {
        %add3A_216 = arith.constant 3 : i32
        %add3A_217 = arith.addi %add3A_78, %add3A_216 : i32
        %mul3A_218 = arith.constant 128 : i32
        %mul3A_219 = arith.muli %add3A_217, %mul3A_218 : i32
        %add3A_220 = arith.addi %mul3A_4, %mul3A_219 : i32
        %dma_start3A_221 = arith.constant 3 : i32
        %dma_start3A_222 = arith.constant 3 : i32
        %dma_start3A_223 = arith.constant 0 : i32
        %dma_start3A_224 = tpu.memref_slice %arg4[%dma_start3A_221, %dma_start3A_223] : memref<4x128xi32, #tpu.memory_space<vmem>> -> memref<1x128xi32, #tpu.memory_space<vmem>>
        %dma_start3A_225 = tpu.memref_squeeze %dma_start3A_224 : memref<1x128xi32, #tpu.memory_space<vmem>> -> memref<128xi32, #tpu.memory_space<vmem>>
        %dma_start3A_226 = tpu.memref_slice %arg2[%add3A_220] : memref<327680xi32, #tpu.memory_space<hbm>> -> memref<128xi32, #tpu.memory_space<hbm>>
        %dma_start3A_227 = tpu.memref_slice %arg8[%dma_start3A_222] : memref<4x!tpu.dma_semaphore, #tpu.memory_space<semaphore_mem>> -> memref<1x!tpu.dma_semaphore, #tpu.memory_space<semaphore_mem>>
        %dma_start3A_228 = tpu.memref_squeeze %dma_start3A_227 : memref<1x!tpu.dma_semaphore, #tpu.memory_space<semaphore_mem>> -> memref<!tpu.dma_semaphore, #tpu.memory_space<semaphore_mem>>
        %dma_start3A_229 = arith.constant 0 : i32
        %dma_start3A_230 = tpu.memref_slice %arg4[%dma_start3A_221, %dma_start3A_229] : memref<4x128xi32, #tpu.memory_space<vmem>> -> memref<1x128xi32, #tpu.memory_space<vmem>>
        %dma_start3A_231 = tpu.memref_squeeze %dma_start3A_230 : memref<1x128xi32, #tpu.memory_space<vmem>> -> memref<128xi32, #tpu.memory_space<vmem>>
        %dma_start3A_232 = tpu.memref_slice %arg2[%add3A_220] : memref<327680xi32, #tpu.memory_space<hbm>> -> memref<128xi32, #tpu.memory_space<hbm>>
        tpu.enqueue_dma source(%dma_start3A_232 : memref<128xi32, #tpu.memory_space<hbm>>) target(%dma_start3A_231 : memref<128xi32, #tpu.memory_space<vmem>>) target_semaphore(%dma_start3A_228 : memref<!tpu.dma_semaphore, #tpu.memory_space<semaphore_mem>>)
      } else {
      }
      %add3A_108 = arith.constant 1 : i32
      %add3A_109 = arith.addi %add3A_76, %add3A_108 : i32
      %mul3A_110 = arith.constant 128 : i32
      %mul3A_111 = arith.muli %add3A_109, %mul3A_110 : i32
      %add3A_112 = arith.addi %mul3A_4, %mul3A_111 : i32
      %dma_wait3A_113 = arith.constant 1 : i32
      %dma_wait3A_114 = arith.constant 1 : i32
      %dma_wait3A_115 = arith.constant 0 : i32
      %dma_wait3A_116 = tpu.memref_slice %arg4[%dma_wait3A_113, %dma_wait3A_115] : memref<4x128xi32, #tpu.memory_space<vmem>> -> memref<1x128xi32, #tpu.memory_space<vmem>>
      %dma_wait3A_117 = tpu.memref_squeeze %dma_wait3A_116 : memref<1x128xi32, #tpu.memory_space<vmem>> -> memref<128xi32, #tpu.memory_space<vmem>>
      %dma_wait3A_118 = tpu.memref_slice %arg2[%add3A_112] : memref<327680xi32, #tpu.memory_space<hbm>> -> memref<128xi32, #tpu.memory_space<hbm>>
      %dma_wait3A_119 = tpu.memref_slice %arg8[%dma_wait3A_114] : memref<4x!tpu.dma_semaphore, #tpu.memory_space<semaphore_mem>> -> memref<1x!tpu.dma_semaphore, #tpu.memory_space<semaphore_mem>>
      %dma_wait3A_120 = tpu.memref_squeeze %dma_wait3A_119 : memref<1x!tpu.dma_semaphore, #tpu.memory_space<semaphore_mem>> -> memref<!tpu.dma_semaphore, #tpu.memory_space<semaphore_mem>>
      %dma_wait3A_121 = arith.constant 0 : i32
      %dma_wait3A_122 = tpu.memref_slice %arg4[%dma_wait3A_113, %dma_wait3A_121] : memref<4x128xi32, #tpu.memory_space<vmem>> -> memref<1x128xi32, #tpu.memory_space<vmem>>
      %dma_wait3A_123 = tpu.memref_squeeze %dma_wait3A_122 : memref<1x128xi32, #tpu.memory_space<vmem>> -> memref<128xi32, #tpu.memory_space<vmem>>
      %dma_wait3A_124 = tpu.memref_slice %arg2[%add3A_112] : memref<327680xi32, #tpu.memory_space<hbm>> -> memref<128xi32, #tpu.memory_space<hbm>>
      tpu.wait_dma2 semaphore(%dma_wait3A_120 : memref<!tpu.dma_semaphore, #tpu.memory_space<semaphore_mem>>) src(%dma_wait3A_124 : memref<128xi32, #tpu.memory_space<hbm>>) dst(%dma_wait3A_123 : memref<128xi32, #tpu.memory_space<vmem>>)
      %dma_start3A_125 = arith.constant 1 : i32
      %dma_start3A_126 = arith.constant 0 : i32
      %dma_start3A_127 = tpu.memref_slice %arg4[%dma_start3A_125, %dma_start3A_126] : memref<4x128xi32, #tpu.memory_space<vmem>> -> memref<1x128xi32, #tpu.memory_space<vmem>>
      %dma_start3A_128 = tpu.memref_squeeze %dma_start3A_127 : memref<1x128xi32, #tpu.memory_space<vmem>> -> memref<128xi32, #tpu.memory_space<vmem>>
      %dma_start3A_129 = arith.constant 0 : i32
      %dma_start3A_130 = tpu.memref_slice %arg9[%dma_start3A_129] : memref<10240xf32, #tpu.memory_space<vmem_shared>> -> memref<10240xf32, #tpu.memory_space<vmem_shared>>
      tpu.enqueue_indirect_dma source(%arg5 : memref<128xf32, #tpu.memory_space<vmem>>) target(%dma_start3A_130 : memref<10240xf32, #tpu.memory_space<vmem_shared>>) offsets(%dma_start3A_128 : memref<128xi32, #tpu.memory_space<vmem>>) semaphore(%arg7 : memref<!tpu.dma_semaphore, #tpu.memory_space<semaphore_mem>>) {add = true}
      %dma_wait3A_131 = arith.constant 0 : i32
      %dma_wait3A_132 = arith.constant 0 : i32
      %dma_wait3A_133 = tpu.memref_slice %arg4[%dma_wait3A_131, %dma_wait3A_132] : memref<4x128xi32, #tpu.memory_space<vmem>> -> memref<1x128xi32, #tpu.memory_space<vmem>>
      %dma_wait3A_134 = tpu.memref_squeeze %dma_wait3A_133 : memref<1x128xi32, #tpu.memory_space<vmem>> -> memref<128xi32, #tpu.memory_space<vmem>>
      %dma_wait3A_135 = arith.constant 0 : i32
      %dma_wait3A_136 = tpu.memref_slice %arg9[%dma_wait3A_135] : memref<10240xf32, #tpu.memory_space<vmem_shared>> -> memref<10240xf32, #tpu.memory_space<vmem_shared>>
      tpu.wait_indirect_dma semaphore(%arg7 : memref<!tpu.dma_semaphore, #tpu.memory_space<semaphore_mem>>) src(%arg5 : memref<128xf32, #tpu.memory_space<vmem>>) dst(%dma_wait3A_136 : memref<10240xf32, #tpu.memory_space<vmem_shared>>)
      %add3A_137 = arith.constant 3 : i32
      %add3A_138 = arith.addi %add3A_109, %add3A_137 : i32
      %lt3A_139 = arith.constant 80 : i32
      %lt3A_140 = arith.cmpi slt, %add3A_138, %lt3A_139 : i32
      %convert_element_type3A_141 = arith.extui %lt3A_140 : i1 to i32
      %cond3A_142 = arith.constant 0 : i32
      %cond3A_143 = arith.cmpi ne, %convert_element_type3A_141, %cond3A_142 : i32
      scf.if %cond3A_143 {
        %add3A_216 = arith.constant 3 : i32
        %add3A_217 = arith.addi %add3A_109, %add3A_216 : i32
        %mul3A_218 = arith.constant 128 : i32
        %mul3A_219 = arith.muli %add3A_217, %mul3A_218 : i32
        %add3A_220 = arith.addi %mul3A_4, %mul3A_219 : i32
        %dma_start3A_221 = arith.constant 0 : i32
        %dma_start3A_222 = arith.constant 0 : i32
        %dma_start3A_223 = arith.constant 0 : i32
        %dma_start3A_224 = tpu.memref_slice %arg4[%dma_start3A_221, %dma_start3A_223] : memref<4x128xi32, #tpu.memory_space<vmem>> -> memref<1x128xi32, #tpu.memory_space<vmem>>
        %dma_start3A_225 = tpu.memref_squeeze %dma_start3A_224 : memref<1x128xi32, #tpu.memory_space<vmem>> -> memref<128xi32, #tpu.memory_space<vmem>>
        %dma_start3A_226 = tpu.memref_slice %arg2[%add3A_220] : memref<327680xi32, #tpu.memory_space<hbm>> -> memref<128xi32, #tpu.memory_space<hbm>>
        %dma_start3A_227 = tpu.memref_slice %arg8[%dma_start3A_222] : memref<4x!tpu.dma_semaphore, #tpu.memory_space<semaphore_mem>> -> memref<1x!tpu.dma_semaphore, #tpu.memory_space<semaphore_mem>>
        %dma_start3A_228 = tpu.memref_squeeze %dma_start3A_227 : memref<1x!tpu.dma_semaphore, #tpu.memory_space<semaphore_mem>> -> memref<!tpu.dma_semaphore, #tpu.memory_space<semaphore_mem>>
        %dma_start3A_229 = arith.constant 0 : i32
        %dma_start3A_230 = tpu.memref_slice %arg4[%dma_start3A_221, %dma_start3A_229] : memref<4x128xi32, #tpu.memory_space<vmem>> -> memref<1x128xi32, #tpu.memory_space<vmem>>
        %dma_start3A_231 = tpu.memref_squeeze %dma_start3A_230 : memref<1x128xi32, #tpu.memory_space<vmem>> -> memref<128xi32, #tpu.memory_space<vmem>>
        %dma_start3A_232 = tpu.memref_slice %arg2[%add3A_220] : memref<327680xi32, #tpu.memory_space<hbm>> -> memref<128xi32, #tpu.memory_space<hbm>>
        tpu.enqueue_dma source(%dma_start3A_232 : memref<128xi32, #tpu.memory_space<hbm>>) target(%dma_start3A_231 : memref<128xi32, #tpu.memory_space<vmem>>) target_semaphore(%dma_start3A_228 : memref<!tpu.dma_semaphore, #tpu.memory_space<semaphore_mem>>)
      } else {
      }
      %add3A_144 = arith.constant 2 : i32
      %add3A_145 = arith.addi %add3A_76, %add3A_144 : i32
      %mul3A_146 = arith.constant 128 : i32
      %mul3A_147 = arith.muli %add3A_145, %mul3A_146 : i32
      %add3A_148 = arith.addi %mul3A_4, %mul3A_147 : i32
      %dma_wait3A_149 = arith.constant 2 : i32
      %dma_wait3A_150 = arith.constant 2 : i32
      %dma_wait3A_151 = arith.constant 0 : i32
      %dma_wait3A_152 = tpu.memref_slice %arg4[%dma_wait3A_149, %dma_wait3A_151] : memref<4x128xi32, #tpu.memory_space<vmem>> -> memref<1x128xi32, #tpu.memory_space<vmem>>
      %dma_wait3A_153 = tpu.memref_squeeze %dma_wait3A_152 : memref<1x128xi32, #tpu.memory_space<vmem>> -> memref<128xi32, #tpu.memory_space<vmem>>
      %dma_wait3A_154 = tpu.memref_slice %arg2[%add3A_148] : memref<327680xi32, #tpu.memory_space<hbm>> -> memref<128xi32, #tpu.memory_space<hbm>>
      %dma_wait3A_155 = tpu.memref_slice %arg8[%dma_wait3A_150] : memref<4x!tpu.dma_semaphore, #tpu.memory_space<semaphore_mem>> -> memref<1x!tpu.dma_semaphore, #tpu.memory_space<semaphore_mem>>
      %dma_wait3A_156 = tpu.memref_squeeze %dma_wait3A_155 : memref<1x!tpu.dma_semaphore, #tpu.memory_space<semaphore_mem>> -> memref<!tpu.dma_semaphore, #tpu.memory_space<semaphore_mem>>
      %dma_wait3A_157 = arith.constant 0 : i32
      %dma_wait3A_158 = tpu.memref_slice %arg4[%dma_wait3A_149, %dma_wait3A_157] : memref<4x128xi32, #tpu.memory_space<vmem>> -> memref<1x128xi32, #tpu.memory_space<vmem>>
      %dma_wait3A_159 = tpu.memref_squeeze %dma_wait3A_158 : memref<1x128xi32, #tpu.memory_space<vmem>> -> memref<128xi32, #tpu.memory_space<vmem>>
      %dma_wait3A_160 = tpu.memref_slice %arg2[%add3A_148] : memref<327680xi32, #tpu.memory_space<hbm>> -> memref<128xi32, #tpu.memory_space<hbm>>
      tpu.wait_dma2 semaphore(%dma_wait3A_156 : memref<!tpu.dma_semaphore, #tpu.memory_space<semaphore_mem>>) src(%dma_wait3A_160 : memref<128xi32, #tpu.memory_space<hbm>>) dst(%dma_wait3A_159 : memref<128xi32, #tpu.memory_space<vmem>>)
      %dma_start3A_161 = arith.constant 2 : i32
      %dma_start3A_162 = arith.constant 0 : i32
      %dma_start3A_163 = tpu.memref_slice %arg4[%dma_start3A_161, %dma_start3A_162] : memref<4x128xi32, #tpu.memory_space<vmem>> -> memref<1x128xi32, #tpu.memory_space<vmem>>
      %dma_start3A_164 = tpu.memref_squeeze %dma_start3A_163 : memref<1x128xi32, #tpu.memory_space<vmem>> -> memref<128xi32, #tpu.memory_space<vmem>>
      %dma_start3A_165 = arith.constant 0 : i32
      %dma_start3A_166 = tpu.memref_slice %arg9[%dma_start3A_165] : memref<10240xf32, #tpu.memory_space<vmem_shared>> -> memref<10240xf32, #tpu.memory_space<vmem_shared>>
      tpu.enqueue_indirect_dma source(%arg5 : memref<128xf32, #tpu.memory_space<vmem>>) target(%dma_start3A_166 : memref<10240xf32, #tpu.memory_space<vmem_shared>>) offsets(%dma_start3A_164 : memref<128xi32, #tpu.memory_space<vmem>>) semaphore(%arg7 : memref<!tpu.dma_semaphore, #tpu.memory_space<semaphore_mem>>) {add = true}
      %dma_wait3A_167 = arith.constant 1 : i32
      %dma_wait3A_168 = arith.constant 0 : i32
      %dma_wait3A_169 = tpu.memref_slice %arg4[%dma_wait3A_167, %dma_wait3A_168] : memref<4x128xi32, #tpu.memory_space<vmem>> -> memref<1x128xi32, #tpu.memory_space<vmem>>
      %dma_wait3A_170 = tpu.memref_squeeze %dma_wait3A_169 : memref<1x128xi32, #tpu.memory_space<vmem>> -> memref<128xi32, #tpu.memory_space<vmem>>
      %dma_wait3A_171 = arith.constant 0 : i32
      %dma_wait3A_172 = tpu.memref_slice %arg9[%dma_wait3A_171] : memref<10240xf32, #tpu.memory_space<vmem_shared>> -> memref<10240xf32, #tpu.memory_space<vmem_shared>>
      tpu.wait_indirect_dma semaphore(%arg7 : memref<!tpu.dma_semaphore, #tpu.memory_space<semaphore_mem>>) src(%arg5 : memref<128xf32, #tpu.memory_space<vmem>>) dst(%dma_wait3A_172 : memref<10240xf32, #tpu.memory_space<vmem_shared>>)
      %add3A_173 = arith.constant 3 : i32
      %add3A_174 = arith.addi %add3A_145, %add3A_173 : i32
      %lt3A_175 = arith.constant 80 : i32
      %lt3A_176 = arith.cmpi slt, %add3A_174, %lt3A_175 : i32
      %convert_element_type3A_177 = arith.extui %lt3A_176 : i1 to i32
      %cond3A_178 = arith.constant 0 : i32
      %cond3A_179 = arith.cmpi ne, %convert_element_type3A_177, %cond3A_178 : i32
      scf.if %cond3A_179 {
        %add3A_216 = arith.constant 3 : i32
        %add3A_217 = arith.addi %add3A_145, %add3A_216 : i32
        %mul3A_218 = arith.constant 128 : i32
        %mul3A_219 = arith.muli %add3A_217, %mul3A_218 : i32
        %add3A_220 = arith.addi %mul3A_4, %mul3A_219 : i32
        %dma_start3A_221 = arith.constant 1 : i32
        %dma_start3A_222 = arith.constant 1 : i32
        %dma_start3A_223 = arith.constant 0 : i32
        %dma_start3A_224 = tpu.memref_slice %arg4[%dma_start3A_221, %dma_start3A_223] : memref<4x128xi32, #tpu.memory_space<vmem>> -> memref<1x128xi32, #tpu.memory_space<vmem>>
        %dma_start3A_225 = tpu.memref_squeeze %dma_start3A_224 : memref<1x128xi32, #tpu.memory_space<vmem>> -> memref<128xi32, #tpu.memory_space<vmem>>
        %dma_start3A_226 = tpu.memref_slice %arg2[%add3A_220] : memref<327680xi32, #tpu.memory_space<hbm>> -> memref<128xi32, #tpu.memory_space<hbm>>
        %dma_start3A_227 = tpu.memref_slice %arg8[%dma_start3A_222] : memref<4x!tpu.dma_semaphore, #tpu.memory_space<semaphore_mem>> -> memref<1x!tpu.dma_semaphore, #tpu.memory_space<semaphore_mem>>
        %dma_start3A_228 = tpu.memref_squeeze %dma_start3A_227 : memref<1x!tpu.dma_semaphore, #tpu.memory_space<semaphore_mem>> -> memref<!tpu.dma_semaphore, #tpu.memory_space<semaphore_mem>>
        %dma_start3A_229 = arith.constant 0 : i32
        %dma_start3A_230 = tpu.memref_slice %arg4[%dma_start3A_221, %dma_start3A_229] : memref<4x128xi32, #tpu.memory_space<vmem>> -> memref<1x128xi32, #tpu.memory_space<vmem>>
        %dma_start3A_231 = tpu.memref_squeeze %dma_start3A_230 : memref<1x128xi32, #tpu.memory_space<vmem>> -> memref<128xi32, #tpu.memory_space<vmem>>
        %dma_start3A_232 = tpu.memref_slice %arg2[%add3A_220] : memref<327680xi32, #tpu.memory_space<hbm>> -> memref<128xi32, #tpu.memory_space<hbm>>
        tpu.enqueue_dma source(%dma_start3A_232 : memref<128xi32, #tpu.memory_space<hbm>>) target(%dma_start3A_231 : memref<128xi32, #tpu.memory_space<vmem>>) target_semaphore(%dma_start3A_228 : memref<!tpu.dma_semaphore, #tpu.memory_space<semaphore_mem>>)
      } else {
      }
      %add3A_180 = arith.constant 3 : i32
      %add3A_181 = arith.addi %add3A_76, %add3A_180 : i32
      %mul3A_182 = arith.constant 128 : i32
      %mul3A_183 = arith.muli %add3A_181, %mul3A_182 : i32
      %add3A_184 = arith.addi %mul3A_4, %mul3A_183 : i32
      %dma_wait3A_185 = arith.constant 3 : i32
      %dma_wait3A_186 = arith.constant 3 : i32
      %dma_wait3A_187 = arith.constant 0 : i32
      %dma_wait3A_188 = tpu.memref_slice %arg4[%dma_wait3A_185, %dma_wait3A_187] : memref<4x128xi32, #tpu.memory_space<vmem>> -> memref<1x128xi32, #tpu.memory_space<vmem>>
      %dma_wait3A_189 = tpu.memref_squeeze %dma_wait3A_188 : memref<1x128xi32, #tpu.memory_space<vmem>> -> memref<128xi32, #tpu.memory_space<vmem>>
      %dma_wait3A_190 = tpu.memref_slice %arg2[%add3A_184] : memref<327680xi32, #tpu.memory_space<hbm>> -> memref<128xi32, #tpu.memory_space<hbm>>
      %dma_wait3A_191 = tpu.memref_slice %arg8[%dma_wait3A_186] : memref<4x!tpu.dma_semaphore, #tpu.memory_space<semaphore_mem>> -> memref<1x!tpu.dma_semaphore, #tpu.memory_space<semaphore_mem>>
      %dma_wait3A_192 = tpu.memref_squeeze %dma_wait3A_191 : memref<1x!tpu.dma_semaphore, #tpu.memory_space<semaphore_mem>> -> memref<!tpu.dma_semaphore, #tpu.memory_space<semaphore_mem>>
      %dma_wait3A_193 = arith.constant 0 : i32
      %dma_wait3A_194 = tpu.memref_slice %arg4[%dma_wait3A_185, %dma_wait3A_193] : memref<4x128xi32, #tpu.memory_space<vmem>> -> memref<1x128xi32, #tpu.memory_space<vmem>>
      %dma_wait3A_195 = tpu.memref_squeeze %dma_wait3A_194 : memref<1x128xi32, #tpu.memory_space<vmem>> -> memref<128xi32, #tpu.memory_space<vmem>>
      %dma_wait3A_196 = tpu.memref_slice %arg2[%add3A_184] : memref<327680xi32, #tpu.memory_space<hbm>> -> memref<128xi32, #tpu.memory_space<hbm>>
      tpu.wait_dma2 semaphore(%dma_wait3A_192 : memref<!tpu.dma_semaphore, #tpu.memory_space<semaphore_mem>>) src(%dma_wait3A_196 : memref<128xi32, #tpu.memory_space<hbm>>) dst(%dma_wait3A_195 : memref<128xi32, #tpu.memory_space<vmem>>)
      %dma_start3A_197 = arith.constant 3 : i32
      %dma_start3A_198 = arith.constant 0 : i32
      %dma_start3A_199 = tpu.memref_slice %arg4[%dma_start3A_197, %dma_start3A_198] : memref<4x128xi32, #tpu.memory_space<vmem>> -> memref<1x128xi32, #tpu.memory_space<vmem>>
      %dma_start3A_200 = tpu.memref_squeeze %dma_start3A_199 : memref<1x128xi32, #tpu.memory_space<vmem>> -> memref<128xi32, #tpu.memory_space<vmem>>
      %dma_start3A_201 = arith.constant 0 : i32
      %dma_start3A_202 = tpu.memref_slice %arg9[%dma_start3A_201] : memref<10240xf32, #tpu.memory_space<vmem_shared>> -> memref<10240xf32, #tpu.memory_space<vmem_shared>>
      tpu.enqueue_indirect_dma source(%arg5 : memref<128xf32, #tpu.memory_space<vmem>>) target(%dma_start3A_202 : memref<10240xf32, #tpu.memory_space<vmem_shared>>) offsets(%dma_start3A_200 : memref<128xi32, #tpu.memory_space<vmem>>) semaphore(%arg7 : memref<!tpu.dma_semaphore, #tpu.memory_space<semaphore_mem>>) {add = true}
      %dma_wait3A_203 = arith.constant 2 : i32
      %dma_wait3A_204 = arith.constant 0 : i32
      %dma_wait3A_205 = tpu.memref_slice %arg4[%dma_wait3A_203, %dma_wait3A_204] : memref<4x128xi32, #tpu.memory_space<vmem>> -> memref<1x128xi32, #tpu.memory_space<vmem>>
      %dma_wait3A_206 = tpu.memref_squeeze %dma_wait3A_205 : memref<1x128xi32, #tpu.memory_space<vmem>> -> memref<128xi32, #tpu.memory_space<vmem>>
      %dma_wait3A_207 = arith.constant 0 : i32
      %dma_wait3A_208 = tpu.memref_slice %arg9[%dma_wait3A_207] : memref<10240xf32, #tpu.memory_space<vmem_shared>> -> memref<10240xf32, #tpu.memory_space<vmem_shared>>
      tpu.wait_indirect_dma semaphore(%arg7 : memref<!tpu.dma_semaphore, #tpu.memory_space<semaphore_mem>>) src(%arg5 : memref<128xf32, #tpu.memory_space<vmem>>) dst(%dma_wait3A_208 : memref<10240xf32, #tpu.memory_space<vmem_shared>>)
      %add3A_209 = arith.constant 3 : i32
      %add3A_210 = arith.addi %add3A_181, %add3A_209 : i32
      %lt3A_211 = arith.constant 80 : i32
      %lt3A_212 = arith.cmpi slt, %add3A_210, %lt3A_211 : i32
      %convert_element_type3A_213 = arith.extui %lt3A_212 : i1 to i32
      %cond3A_214 = arith.constant 0 : i32
      %cond3A_215 = arith.cmpi ne, %convert_element_type3A_213, %cond3A_214 : i32
      scf.if %cond3A_215 {
        %add3A_216 = arith.constant 3 : i32
        %add3A_217 = arith.addi %add3A_181, %add3A_216 : i32
        %mul3A_218 = arith.constant 128 : i32
        %mul3A_219 = arith.muli %add3A_217, %mul3A_218 : i32
        %add3A_220 = arith.addi %mul3A_4, %mul3A_219 : i32
        %dma_start3A_221 = arith.constant 2 : i32
        %dma_start3A_222 = arith.constant 2 : i32
        %dma_start3A_223 = arith.constant 0 : i32
        %dma_start3A_224 = tpu.memref_slice %arg4[%dma_start3A_221, %dma_start3A_223] : memref<4x128xi32, #tpu.memory_space<vmem>> -> memref<1x128xi32, #tpu.memory_space<vmem>>
        %dma_start3A_225 = tpu.memref_squeeze %dma_start3A_224 : memref<1x128xi32, #tpu.memory_space<vmem>> -> memref<128xi32, #tpu.memory_space<vmem>>
        %dma_start3A_226 = tpu.memref_slice %arg2[%add3A_220] : memref<327680xi32, #tpu.memory_space<hbm>> -> memref<128xi32, #tpu.memory_space<hbm>>
        %dma_start3A_227 = tpu.memref_slice %arg8[%dma_start3A_222] : memref<4x!tpu.dma_semaphore, #tpu.memory_space<semaphore_mem>> -> memref<1x!tpu.dma_semaphore, #tpu.memory_space<semaphore_mem>>
        %dma_start3A_228 = tpu.memref_squeeze %dma_start3A_227 : memref<1x!tpu.dma_semaphore, #tpu.memory_space<semaphore_mem>> -> memref<!tpu.dma_semaphore, #tpu.memory_space<semaphore_mem>>
        %dma_start3A_229 = arith.constant 0 : i32
        %dma_start3A_230 = tpu.memref_slice %arg4[%dma_start3A_221, %dma_start3A_229] : memref<4x128xi32, #tpu.memory_space<vmem>> -> memref<1x128xi32, #tpu.memory_space<vmem>>
        %dma_start3A_231 = tpu.memref_squeeze %dma_start3A_230 : memref<1x128xi32, #tpu.memory_space<vmem>> -> memref<128xi32, #tpu.memory_space<vmem>>
        %dma_start3A_232 = tpu.memref_slice %arg2[%add3A_220] : memref<327680xi32, #tpu.memory_space<hbm>> -> memref<128xi32, #tpu.memory_space<hbm>>
        tpu.enqueue_dma source(%dma_start3A_232 : memref<128xi32, #tpu.memory_space<hbm>>) target(%dma_start3A_231 : memref<128xi32, #tpu.memory_space<vmem>>) target_semaphore(%dma_start3A_228 : memref<!tpu.dma_semaphore, #tpu.memory_space<semaphore_mem>>)
      } else {
      }
    }
    %scan3A_61 = arith.constant 20 : i32
    %dma_wait3A = arith.constant 3 : i32
    %dma_wait3A_62 = arith.constant 0 : i32
    %dma_wait3A_63 = tpu.memref_slice %arg4[%dma_wait3A, %dma_wait3A_62] : memref<4x128xi32, #tpu.memory_space<vmem>> -> memref<1x128xi32, #tpu.memory_space<vmem>>
    %dma_wait3A_64 = tpu.memref_squeeze %dma_wait3A_63 : memref<1x128xi32, #tpu.memory_space<vmem>> -> memref<128xi32, #tpu.memory_space<vmem>>
    %dma_wait3A_65 = arith.constant 0 : i32
    %dma_wait3A_66 = tpu.memref_slice %arg9[%dma_wait3A_65] : memref<10240xf32, #tpu.memory_space<vmem_shared>> -> memref<10240xf32, #tpu.memory_space<vmem_shared>>
    tpu.wait_indirect_dma semaphore(%arg7 : memref<!tpu.dma_semaphore, #tpu.memory_space<semaphore_mem>>) src(%arg5 : memref<128xf32, #tpu.memory_space<vmem>>) dst(%dma_wait3A_66 : memref<10240xf32, #tpu.memory_space<vmem_shared>>)
    %barrier3A_67 = arith.constant 0 : index
    tpu.barrier barrier_id(%barrier3A_67)
    %mul3A_68 = arith.constant 640 : i32
    %mul3A_69 = arith.muli %arg1, %mul3A_68 : i32
    %mul3A_70 = arith.constant 640 : i32
    %mul3A_71 = arith.muli %arg1, %mul3A_70 : i32
    "tpu.region"() ({
      %run_scoped3A = tpu.sem_alloc : memref<!tpu.dma_semaphore, #tpu.memory_space<semaphore_mem>>
      %dma_start3A_72 = tpu.memref_slice %arg3[%arg0, %mul3A_71] : memref<2x10240xf32, #tpu.memory_space<hbm>> -> memref<1x640xf32, #tpu.memory_space<hbm>>
      %dma_start3A_73 = tpu.memref_squeeze %dma_start3A_72 : memref<1x640xf32, #tpu.memory_space<hbm>> -> memref<640xf32, #tpu.memory_space<hbm>>
      %dma_start3A_74 = tpu.memref_slice %arg9[%mul3A_69] : memref<10240xf32, #tpu.memory_space<vmem_shared>> -> memref<640xf32, #tpu.memory_space<vmem_shared>>
      tpu.enqueue_dma source(%dma_start3A_74 : memref<640xf32, #tpu.memory_space<vmem_shared>>) target(%dma_start3A_73 : memref<640xf32, #tpu.memory_space<hbm>>) target_semaphore(%run_scoped3A : memref<!tpu.dma_semaphore, #tpu.memory_space<semaphore_mem>>)
      %dma_wait3A_75 = tpu.memref_slice %arg3[%arg0, %mul3A_71] : memref<2x10240xf32, #tpu.memory_space<hbm>> -> memref<1x640xf32, #tpu.memory_space<hbm>>
      %dma_wait3A_76 = tpu.memref_squeeze %dma_wait3A_75 : memref<1x640xf32, #tpu.memory_space<hbm>> -> memref<640xf32, #tpu.memory_space<hbm>>
      %dma_wait3A_77 = tpu.memref_slice %arg9[%mul3A_69] : memref<10240xf32, #tpu.memory_space<vmem_shared>> -> memref<640xf32, #tpu.memory_space<vmem_shared>>
      tpu.wait_dma2 semaphore(%run_scoped3A : memref<!tpu.dma_semaphore, #tpu.memory_space<semaphore_mem>>) src(%dma_wait3A_77 : memref<640xf32, #tpu.memory_space<vmem_shared>>) dst(%dma_wait3A_76 : memref<640xf32, #tpu.memory_space<hbm>>)
      tpu.yield
    }) : () -> ()
    return
  }
}

module attributes {stable_mosaic.version = 14 : i64} {
  func.func @_eprep_body(%arg0: i32, %arg1: memref<2x65536xi32, #tpu.memory_space<vmem>>, %arg2: memref<65536xi32, #tpu.memory_space<vmem>>, %arg3: memref<65536xi32, #tpu.memory_space<vmem>>) attributes {dimension_semantics = [#tpu.dimension_semantics<arbitrary>], iteration_bounds = array<i64: 5>, scalar_prefetch = 0 : i64, scratch_operands = 0 : i64, tpu.core_type = #tpu.core_type<tc>, window_params = [{transform_indices = @transform_0, window_bounds = array<i64: 2, 65536>}, {transform_indices = @transform_1, window_bounds = array<i64: 65536>}, {transform_indices = @transform_2, window_bounds = array<i64: 65536>}]} {
    %iota3A = tpu.iota {dimensions = array<i32: 1>} : vector<1x65536xi32>
    %mul3A = arith.constant 65536 : i32
    %mul3A_0 = arith.muli %arg0, %mul3A : i32
    %add3A = vector.broadcast %mul3A_0 : i32 to vector<1x65536xi32>
    %add3A_1 = arith.addi %iota3A, %add3A : vector<1x65536xi32>
    %lt3A = arith.constant 320000 : i32
    %lt3A_2 = vector.broadcast %lt3A : i32 to vector<1x65536xi32>
    %lt3A_3 = arith.cmpi slt, %add3A_1, %lt3A_2 : vector<1x65536xi32>
    %sub3A = arith.constant 320000 : i32
    %sub3A_4 = vector.broadcast %sub3A : i32 to vector<1x65536xi32>
    %sub3A_5 = arith.subi %add3A_1, %sub3A_4 : vector<1x65536xi32>
    %get3A = arith.constant 0 : index
    %get3A_6 = arith.constant 0 : index
    %get3A_7 = vector.load %arg1[%get3A, %get3A_6] : memref<2x65536xi32, #tpu.memory_space<vmem>>, vector<1x65536xi32>
    %and3A = arith.constant 127 : i32
    %and3A_8 = vector.broadcast %and3A : i32 to vector<1x65536xi32>
    %and3A_9 = arith.andi %sub3A_5, %and3A_8 : vector<1x65536xi32>
    %add3A_10 = arith.constant 10000 : i32
    %add3A_11 = vector.broadcast %add3A_10 : i32 to vector<1x65536xi32>
    %add3A_12 = arith.addi %add3A_11, %and3A_9 : vector<1x65536xi32>
    %select_n3A = arith.select %lt3A_3, %get3A_7, %add3A_12 : vector<1x65536xi1>, vector<1x65536xi32>
    %squeeze3A = vector.shape_cast %select_n3A : vector<1x65536xi32> to vector<65536xi32>
    %swap3A = arith.constant 0 : index
    %swap3A_13 = vector.load %arg2[%swap3A] : memref<65536xi32, #tpu.memory_space<vmem>>, vector<65536xi32>
    tpu.vector_store %arg2[%swap3A], %squeeze3A {strides = array<i32>} : memref<65536xi32, #tpu.memory_space<vmem>>, vector<65536xi32>,
    %get3A_14 = arith.constant 1 : index
    %get3A_15 = arith.constant 0 : index
    %get3A_16 = vector.load %arg1[%get3A_14, %get3A_15] : memref<2x65536xi32, #tpu.memory_space<vmem>>, vector<1x65536xi32>
    %select_n3A_17 = arith.select %lt3A_3, %get3A_16, %sub3A_5 : vector<1x65536xi1>, vector<1x65536xi32>
    %squeeze3A_18 = vector.shape_cast %select_n3A_17 : vector<1x65536xi32> to vector<65536xi32>
    %swap3A_19 = arith.constant 0 : index
    %swap3A_20 = vector.load %arg3[%swap3A_19] : memref<65536xi32, #tpu.memory_space<vmem>>, vector<65536xi32>
    tpu.vector_store %arg3[%swap3A_19], %squeeze3A_18 {strides = array<i32>} : memref<65536xi32, #tpu.memory_space<vmem>>, vector<65536xi32>,
    return
  }
  func.func @transform_0(%arg0: i32) -> (i32, i32) {
    %c0_i32 = arith.constant 0 : i32
    %c0_i32_0 = arith.constant 0 : i32
    return %c0_i32, %arg0 : i32, i32
  }
  func.func @transform_1(%arg0: i32) -> i32 {
    %c0_i32 = arith.constant 0 : i32
    return %arg0 : i32
  }
  func.func @transform_2(%arg0: i32) -> i32 {
    %c0_i32 = arith.constant 0 : i32
    return %arg0 : i32
  }
}

module attributes {stable_mosaic.version = 14 : i64} {
  func.func @_proj_body(%arg0: i32, %arg1: memref<2000x128xf32, #tpu.memory_space<vmem>>, %arg2: memref<128x128xf32, #tpu.memory_space<vmem>>, %arg3: memref<1x128xf32, #tpu.memory_space<vmem>>, %arg4: memref<2000x128xf32, #tpu.memory_space<vmem>>) attributes {dimension_semantics = [#tpu.dimension_semantics<arbitrary>], iteration_bounds = array<i64: 5>, scalar_prefetch = 0 : i64, scratch_operands = 0 : i64, tpu.core_type = #tpu.core_type<tc>, window_params = [{transform_indices = @transform_0, window_bounds = array<i64: 2000, 128>}, {pipeline_mode = #tpu.pipeline_mode<synchronous>, transform_indices = @transform_1, window_bounds = array<i64: 128, 128>}, {pipeline_mode = #tpu.pipeline_mode<synchronous>, transform_indices = @transform_2, window_bounds = array<i64: 1, 128>}, {transform_indices = @transform_3, window_bounds = array<i64: 2000, 128>}]} {
    %get3A = arith.constant 0 : index
    %get3A_0 = arith.constant 0 : index
    %get3A_1 = vector.load %arg1[%get3A, %get3A_0] : memref<2000x128xf32, #tpu.memory_space<vmem>>, vector<2000x128xf32>
    %get3A_2 = arith.constant 0 : index
    %get3A_3 = arith.constant 0 : index
    %get3A_4 = vector.load %arg2[%get3A_2, %get3A_3] : memref<128x128xf32, #tpu.memory_space<vmem>>, vector<128x128xf32>
    %dot_general3A = arith.constant dense<0.000000e+00> : vector<2000x128xf32>
    %dot_general3A_5 = tpu.matmul %get3A_1, %get3A_4, %dot_general3A {dimension_numbers = #tpu.dot_dimension_numbers<[1], [1], [0], [0], [0, 0, 1, 0], [], []>, transpose_lhs_hint = false} : vector<2000x128xf32>, vector<128x128xf32>, vector<2000x128xf32> -> vector<2000x128xf32>
    %get3A_6 = arith.constant 0 : index
    %get3A_7 = arith.constant 0 : index
    %get3A_8 = vector.load %arg3[%get3A_6, %get3A_7] : memref<1x128xf32, #tpu.memory_space<vmem>>, vector<1x128xf32>
    %add3A = vector.broadcast %get3A_8 : vector<1x128xf32> to vector<2000x128xf32>
    %add3A_9 = arith.addf %dot_general3A_5, %add3A : vector<2000x128xf32>
    %mul3A = arith.mulf %add3A_9, %add3A_9 : vector<2000x128xf32>
    %reduce_sum3A = arith.constant dense<0.000000e+00> : vector<2000xf32>
    %reduce_sum3A_10 = vector.multi_reduction <add>, %mul3A, %reduce_sum3A [1] : vector<2000x128xf32> to vector<2000xf32>
    %broadcast_in_dim3A = vector.shape_cast %reduce_sum3A_10 : vector<2000xf32> to vector<2000x1xf32>
    %sqrt3A = math.sqrt %broadcast_in_dim3A : vector<2000x1xf32>
    %max3A = arith.constant 9.99999996E-13 : f32
    %max3A_11 = vector.broadcast %max3A : f32 to vector<2000x1xf32>
    %max3A_12 = arith.maximumf %sqrt3A, %max3A_11 : vector<2000x1xf32>
    %div3A = arith.constant 1.800000e+00 : f32
    %div3A_13 = vector.broadcast %div3A : f32 to vector<2000x1xf32>
    %div3A_14 = arith.divf %div3A_13, %max3A_12 : vector<2000x1xf32>
    %mul3A_15 = vector.broadcast %div3A_14 : vector<2000x1xf32> to vector<2000x128xf32>
    %mul3A_16 = arith.mulf %add3A_9, %mul3A_15 : vector<2000x128xf32>
    %swap3A = arith.constant 0 : index
    %swap3A_17 = arith.constant 0 : index
    %swap3A_18 = vector.load %arg4[%swap3A, %swap3A_17] : memref<2000x128xf32, #tpu.memory_space<vmem>>, vector<2000x128xf32>
    tpu.vector_store %arg4[%swap3A, %swap3A_17], %mul3A_16 {strides = array<i32>} : memref<2000x128xf32, #tpu.memory_space<vmem>>, vector<2000x128xf32>,
    return
  }
  func.func @transform_0(%arg0: i32) -> (i32, i32) {
    %c0_i32 = arith.constant 0 : i32
    %c0_i32_0 = arith.constant 0 : i32
    return %arg0, %c0_i32 : i32, i32
  }
  func.func @transform_1(%arg0: i32) -> (i32, i32) {
    %c0_i32 = arith.constant 0 : i32
    %c0_i32_0 = arith.constant 0 : i32
    %c0_i32_1 = arith.constant 0 : i32
    return %c0_i32, %c0_i32_0 : i32, i32
  }
  func.func @transform_2(%arg0: i32) -> (i32, i32) {
    %c0_i32 = arith.constant 0 : i32
    %c0_i32_0 = arith.constant 0 : i32
    %c0_i32_1 = arith.constant 0 : i32
    return %c0_i32, %c0_i32_0 : i32, i32
  }
  func.func @transform_3(%arg0: i32) -> (i32, i32) {
    %c0_i32 = arith.constant 0 : i32
    %c0_i32_0 = arith.constant 0 : i32
    return %arg0, %c0_i32 : i32, i32
  }
}

module attributes {stable_mosaic.version = 14 : i64} {
  func.func @_scale_body(%arg0: i32, %arg1: memref<2048x128xf32, #tpu.memory_space<vmem>>, %arg2: memref<2048x1xf32, #tpu.memory_space<vmem>>, %arg3: memref<2048x128xf32, #tpu.memory_space<vmem>>, %arg4: memref<2048x1xf32, #tpu.memory_space<vmem>>) attributes {dimension_semantics = [#tpu.dimension_semantics<arbitrary>], iteration_bounds = array<i64: 5>, scalar_prefetch = 0 : i64, scratch_operands = 0 : i64, tpu.core_type = #tpu.core_type<tc>, window_params = [{transform_indices = @transform_0, window_bounds = array<i64: 2048, 128>}, {transform_indices = @transform_1, window_bounds = array<i64: 2048, 1>}, {transform_indices = @transform_2, window_bounds = array<i64: 2048, 128>}, {transform_indices = @transform_3, window_bounds = array<i64: 2048, 1>}]} {
    %iota3A = tpu.iota {dimensions = array<i32: 0>} : vector<2048x1xi32>
    %mul3A = arith.constant 2048 : i32
    %mul3A_0 = arith.muli %arg0, %mul3A : i32
    %add3A = vector.broadcast %mul3A_0 : i32 to vector<2048x1xi32>
    %add3A_1 = arith.addi %iota3A, %add3A : vector<2048x1xi32>
    %lt3A = arith.constant 10000 : i32
    %lt3A_2 = vector.broadcast %lt3A : i32 to vector<2048x1xi32>
    %lt3A_3 = arith.cmpi slt, %add3A_1, %lt3A_2 : vector<2048x1xi32>
    %get3A = arith.constant 0 : index
    %get3A_4 = arith.constant 0 : index
    %get3A_5 = vector.load %arg2[%get3A, %get3A_4] : memref<2048x1xf32, #tpu.memory_space<vmem>>, vector<2048x1xf32>
    %add3A_6 = arith.constant 1.000000e+00 : f32
    %add3A_7 = vector.broadcast %add3A_6 : f32 to vector<2048x1xf32>
    %add3A_8 = arith.addf %get3A_5, %add3A_7 : vector<2048x1xf32>
    %lt3A_9 = arith.constant 7680 : i32
    %lt3A_10 = vector.broadcast %lt3A_9 : i32 to vector<2048x1xi32>
    %lt3A_11 = arith.cmpi slt, %add3A_1, %lt3A_10 : vector<2048x1xi32>
    %jit3A = arith.constant 1.000000e+00 : f32
    %jit3A_12 = arith.constant 0.000000e+00 : f32
    %broadcast_in_dim3A = vector.broadcast %jit3A : f32 to vector<2048x1xf32>
    %broadcast_in_dim3A_13 = vector.broadcast %jit3A_12 : f32 to vector<2048x1xf32>
    %select_n3A = arith.select %lt3A_11, %broadcast_in_dim3A, %broadcast_in_dim3A_13 : vector<2048x1xi1>, vector<2048x1xf32>
    %sub3A = arith.subf %add3A_8, %select_n3A : vector<2048x1xf32>
    %rsqrt3A = math.rsqrt %sub3A : vector<2048x1xf32>
    %jit3A_14 = arith.constant 0.000000e+00 : f32
    %broadcast_in_dim3A_15 = vector.broadcast %jit3A_14 : f32 to vector<2048x1xf32>
    %select_n3A_16 = arith.select %lt3A_3, %rsqrt3A, %broadcast_in_dim3A_15 : vector<2048x1xi1>, vector<2048x1xf32>
    %get3A_17 = arith.constant 0 : index
    %get3A_18 = arith.constant 0 : index
    %get3A_19 = vector.load %arg1[%get3A_17, %get3A_18] : memref<2048x128xf32, #tpu.memory_space<vmem>>, vector<2048x128xf32>
    %mul3A_20 = vector.broadcast %select_n3A_16 : vector<2048x1xf32> to vector<2048x128xf32>
    %mul3A_21 = arith.mulf %get3A_19, %mul3A_20 : vector<2048x128xf32>
    %jit3A_22 = arith.constant 0.000000e+00 : f32
    %broadcast_in_dim3A_23 = vector.shape_cast %lt3A_3 : vector<2048x1xi1> to vector<2048x1xi1>
    %broadcast_in_dim3A_24 = vector.broadcast %broadcast_in_dim3A_23 : vector<2048x1xi1> to vector<2048x128xi1>
    %broadcast_in_dim3A_25 = vector.broadcast %jit3A_22 : f32 to vector<2048x128xf32>
    %select_n3A_26 = arith.select %broadcast_in_dim3A_24, %mul3A_21, %broadcast_in_dim3A_25 : vector<2048x128xi1>, vector<2048x128xf32>
    %swap3A = arith.constant 0 : index
    %swap3A_27 = arith.constant 0 : index
    %swap3A_28 = vector.load %arg3[%swap3A, %swap3A_27] : memref<2048x128xf32, #tpu.memory_space<vmem>>, vector<2048x128xf32>
    tpu.vector_store %arg3[%swap3A, %swap3A_27], %select_n3A_26 {strides = array<i32>} : memref<2048x128xf32, #tpu.memory_space<vmem>>, vector<2048x128xf32>,
    %swap3A_29 = arith.constant 0 : index
    %swap3A_30 = arith.constant 0 : index
    %swap3A_31 = vector.load %arg4[%swap3A_29, %swap3A_30] : memref<2048x1xf32, #tpu.memory_space<vmem>>, vector<2048x1xf32>
    tpu.vector_store %arg4[%swap3A_29, %swap3A_30], %select_n3A_16 {strides = array<i32>} : memref<2048x1xf32, #tpu.memory_space<vmem>>, vector<2048x1xf32>,
    return
  }
  func.func @transform_0(%arg0: i32) -> (i32, i32) {
    %c0_i32 = arith.constant 0 : i32
    %c0_i32_0 = arith.constant 0 : i32
    return %arg0, %c0_i32 : i32, i32
  }
  func.func @transform_1(%arg0: i32) -> (i32, i32) {
    %c0_i32 = arith.constant 0 : i32
    %c0_i32_0 = arith.constant 0 : i32
    return %arg0, %c0_i32 : i32, i32
  }
  func.func @transform_2(%arg0: i32) -> (i32, i32) {
    %c0_i32 = arith.constant 0 : i32
    %c0_i32_0 = arith.constant 0 : i32
    return %arg0, %c0_i32 : i32, i32
  }
  func.func @transform_3(%arg0: i32) -> (i32, i32) {
    %c0_i32 = arith.constant 0 : i32
    %c0_i32_0 = arith.constant 0 : i32
    return %arg0, %c0_i32 : i32, i32
  }
}

module attributes {stable_mosaic.version = 14 : i64} {
  func.func @_comb_body(%arg0: i32, %arg1: memref<2x2048x128xf32, #tpu.memory_space<vmem>>, %arg2: memref<2048x128xf32, #tpu.memory_space<vmem>>, %arg3: memref<2048x1xf32, #tpu.memory_space<vmem>>, %arg4: memref<2048x128xf32, #tpu.memory_space<vmem>>) attributes {dimension_semantics = [#tpu.dimension_semantics<arbitrary>], iteration_bounds = array<i64: 5>, scalar_prefetch = 0 : i64, scratch_operands = 0 : i64, tpu.core_type = #tpu.core_type<tc>, window_params = [{transform_indices = @transform_0, window_bounds = array<i64: 2, 2048, 128>}, {transform_indices = @transform_1, window_bounds = array<i64: 2048, 128>}, {transform_indices = @transform_2, window_bounds = array<i64: 2048, 1>}, {transform_indices = @transform_3, window_bounds = array<i64: 2048, 128>}]} {
    %get3A = arith.constant 0 : index
    %get3A_0 = arith.constant 0 : index
    %get3A_1 = vector.load %arg3[%get3A, %get3A_0] : memref<2048x1xf32, #tpu.memory_space<vmem>>, vector<2048x1xf32>
    %get3A_2 = arith.constant 0 : index
    %get3A_3 = arith.constant 0 : index
    %get3A_4 = arith.constant 0 : index
    %get3A_5 = vector.load %arg1[%get3A_2, %get3A_3, %get3A_4] : memref<2x2048x128xf32, #tpu.memory_space<vmem>>, vector<1x2048x128xf32>
    %get3A_6 = vector.shape_cast %get3A_5 : vector<1x2048x128xf32> to vector<2048x128xf32>
    %get3A_7 = arith.constant 1 : index
    %get3A_8 = arith.constant 0 : index
    %get3A_9 = arith.constant 0 : index
    %get3A_10 = vector.load %arg1[%get3A_7, %get3A_8, %get3A_9] : memref<2x2048x128xf32, #tpu.memory_space<vmem>>, vector<1x2048x128xf32>
    %get3A_11 = vector.shape_cast %get3A_10 : vector<1x2048x128xf32> to vector<2048x128xf32>
    %add3A = arith.addf %get3A_6, %get3A_11 : vector<2048x128xf32>
    %get3A_12 = arith.constant 0 : index
    %get3A_13 = arith.constant 0 : index
    %get3A_14 = vector.load %arg2[%get3A_12, %get3A_13] : memref<2048x128xf32, #tpu.memory_space<vmem>>, vector<2048x128xf32>
    %sub3A = arith.subf %add3A, %get3A_14 : vector<2048x128xf32>
    %mul3A = vector.broadcast %get3A_1 : vector<2048x1xf32> to vector<2048x128xf32>
    %mul3A_15 = arith.mulf %mul3A, %sub3A : vector<2048x128xf32>
    %swap3A = arith.constant 0 : index
    %swap3A_16 = arith.constant 0 : index
    %swap3A_17 = vector.load %arg4[%swap3A, %swap3A_16] : memref<2048x128xf32, #tpu.memory_space<vmem>>, vector<2048x128xf32>
    tpu.vector_store %arg4[%swap3A, %swap3A_16], %mul3A_15 {strides = array<i32>} : memref<2048x128xf32, #tpu.memory_space<vmem>>, vector<2048x128xf32>,
    return
  }
  func.func @transform_0(%arg0: i32) -> (i32, i32, i32) {
    %c0_i32 = arith.constant 0 : i32
    %c0_i32_0 = arith.constant 0 : i32
    %c0_i32_1 = arith.constant 0 : i32
    return %c0_i32, %arg0, %c0_i32_0 : i32, i32, i32
  }
  func.func @transform_1(%arg0: i32) -> (i32, i32) {
    %c0_i32 = arith.constant 0 : i32
    %c0_i32_0 = arith.constant 0 : i32
    return %arg0, %c0_i32 : i32, i32
  }
  func.func @transform_2(%arg0: i32) -> (i32, i32) {
    %c0_i32 = arith.constant 0 : i32
    %c0_i32_0 = arith.constant 0 : i32
    return %arg0, %c0_i32 : i32, i32
  }
  func.func @transform_3(%arg0: i32) -> (i32, i32) {
    %c0_i32 = arith.constant 0 : i32
    %c0_i32_0 = arith.constant 0 : i32
    return %arg0, %c0_i32 : i32, i32
  }
}

</mosaic_0001>

<sc_bundles>
// kernel: kernel.11.cloned.1.call-start
scs
__scs_entry_jumppad:
0x0: {  	(pc) =	sbr.rel $0x88, $3  }
0x1: {  	(tag) =	ssettag $0x0;
	lr =	simm.s32 $0x1  }
0x2: {  	[smem:$0x3F9D] =	sst lr;
	_ =	strace $0xD0000000  }
0x3: {  	_ = 	snop  }
0x4: {  	_ = 	snop  }
0x5: {  	_ = 	snop  }
0x6: {  	_ = 	snop  }
0x7: {  	_ = 	snop  }
__scs_overlays_trampoline_lowered:
0x8: {  	[smem:$0x3FAC] =	sst s0  }
0x9: {  	[smem:$0x3FAD] =	sst s1  }
0xa: {  	[smem:$0x3FAE] =	sst s2  }
0xb: {  	[smem:$0x3FAF] =	sst s3  }
0xc: {  	[smem:$0x3FB0] =	sst s4  }
0xd: {  	[smem:$0x3FB1] =	sst s5  }
0xe: {  	[smem:$0x3FB2] =	sst s6  }
0xf: {  	[smem:$0x3FB3] =	sst s7  }
0x10: {  	[smem:$0x3FB4] =	sst s8  }
0x11: {  	[smem:$0x3FB5] =	sst s9;
	s0 =	simm.s32 @!p0 $0x0  }
0x12: {  	s1 =	sld [smem:$0x3F9B];
	s0 =	simm.s32 @p0 $0x1  }
0x13: {  	[smem:$0x3FB6] =	sst s0;
	s0 =	simm.s32 @!p1 $0x0  }
0x14: {  	s2 =	sld [smem:$0x3F9A];
	s0 =	simm.s32 @p1 $0x1  }
0x15: {  	[smem:$0x3FB7] =	sst s0;
	s0 =	simm.s32 @!p2 $0x0  }
0x16: {  	s3 =	sld [smem:$0x3FDB];
	s0 =	simm.s32 @p2 $0x1  }
0x17: {  	s4 =	simm.s32 $0x1BF5;
	[smem:$0x3FB9] =	sst s0  }
0x18: {  	s0 =	sld [smem:$0x3F9C];
	_ =	swait.ge [sflag:s4], $0x0  }
0x19: {  	s7 =	sld [smem:$0x3F9D]  }
0x1a: {  	s8 =	sadd.s32 $0xFFFFE003, lr  }
0x1b: {  	s9 =	sadd.s32 $0xFFFFFEF7, lr;
	s5 =	simm.s32 $0xFFFFFFFF;
	p2 =	slt.u32 s8, $0xFFFFF086  }
0x1c: {  	p1 =	slt.u32 s9, $0xF7A;
	s5 =	simm.s32 @!p2 $0x0  }
0x1d: {  	s5 =	simm.s32 @p1 $0x1;
	p0 =	seq.s32 s7, s2  }
0x1e: {  	s7 =	smul.u32 @!p0 $0xF7A, s2;
	p2 =	seq.s32 @!p0 s5, $0x0  }
0x1f: {  	s9 =	smul.u32 $0xF7A, s1;
	s8 =	simm.s32 @!p0 $0x1BF5;
	p2 =	por !p2, p0  }
0x20: {  	[sflag:s8] =	ssyncset.s32 @!p0 $0xFFFFF086;
	s6 =	sadd.s32 @!p0 s3, s7;
	s7 =	simm.s32 @!p0 $0x108  }
0x21: {  	s3 =	sadd.s32 s3, s9;
	s6 =	sadd.s32 @!p0 $0x88, s6;
	s7 =	simm.s32 @p2 $0x1082  }
0x22: {  	[simem:s7], [sflag:s8] =	dma.local @!p0 [hbm:s6], $0xF7A  }
0x23: {  	s9 =	sor.u32 $0xD0000000, s2;
	s6 =	simm.s32 $0x108;
	_ =	swait.ge @!p0 [sflag:s8], $0x0  }
0x24: {  	s3 =	sadd.s32 $0x88, s3;
	s6 =	simm.s32 @!p1 $0x1082;
	[sflag:s4] =	ssyncset.s32 $0xFFFFF086  }
0x25: {  	[simem:s6], [sflag:s4] =	dma.local [hbm:s3], $0xF7A  }
0x26: {  	[smem:$0x3F9D] =	sst s1;
	(tag) =	ssettag s2;
	_ =	strace s9  }
0x27: {  	s1 =	sld [smem:$0x3FAD]  }
0x28: {  	s2 =	sld [smem:$0x3FAE]  }
0x29: {  	s4 =	sld [smem:$0x3FB0]  }
0x2a: {  	p0 =	seq.s32 s5, $0x0;
	s5 =	sld [smem:$0x3FB1]  }
0x2b: {  	s6 =	sld [smem:$0x3FB2]  }
0x2c: {  	s7 =	sld [smem:$0x3FB3]  }
0x2d: {  	s3 =	simm.s32 $0x108;
	s8 =	sld [smem:$0x3FB4]  }
0x2e: {  	s3 =	simm.s32 @!p0 $0x1082;
	s9 =	sld [smem:$0x3FB5]  }
0x2f: {  	lr =	sadd.s32 s0, s3;
	s0 =	sld [smem:$0x3FAC]  }
0x30: {  	s3 =	sld [smem:$0x3FAF]  }
0x31: {  	[smem:$0x3FB8] =	sst s10  }
0x32: {  	s10 =	sld [smem:$0x3FB6];
	_ =	sdelay $0x3  }
0x33: {  	p0 =	seq.s32 s10, $0x1;
	s10 =	sld [smem:$0x3FB8];
	_ =	sdelay $0x3  }
0x34: {  	[smem:$0x3FB8] =	sst s10  }
0x35: {  	s10 =	sld [smem:$0x3FB7];
	_ =	sdelay $0x3  }
0x36: {  	p1 =	seq.s32 s10, $0x1;
	s10 =	sld [smem:$0x3FB8];
	_ =	sdelay $0x3  }
0x37: {  	[smem:$0x3FB8] =	sst s10  }
0x38: {  	s10 =	sld [smem:$0x3FB9]  }
0x39: {  	_ = 	snop;
	(pc) =	sbr.ind lr, $3  }
0x3a: {  	_ = 	snop  }
0x3b: {  	_ = 	snop  }
0x3c: {  	p2 =	seq.s32 s10, $0x1;
	s10 =	sld [smem:$0x3FB8]  }
0x3d: {  	_ =	shalt  }
0x3e: {  	_ =	shalt  }
0x3f: {  	_ =	shalt  }
0x40: {  	_ =	shalt  }
0x41: {  	_ =	shalt  }
0x42: {  	_ =	shalt  }
0x43: {  	_ =	shalt  }
0x44: {  	_ =	shalt  }
0x45: {  	_ =	shalt  }
0x46: {  	_ =	shalt  }
0x47: {  	_ =	shalt  }
0x48: {  	_ =	shalt  }
0x49: {  	_ =	shalt  }
0x4a: {  	_ =	shalt  }
0x4b: {  	_ =	shalt  }
0x4c: {  	_ =	shalt  }
0x4d: {  	_ =	shalt  }
0x4e: {  	_ =	shalt  }
0x4f: {  	_ =	shalt  }
0x50: {  	_ =	shalt  }
0x51: {  	_ =	shalt  }
0x52: {  	_ =	shalt  }
0x53: {  	_ =	shalt  }
0x54: {  	_ =	shalt  }
0x55: {  	_ =	shalt  }
0x56: {  	_ =	shalt  }
0x57: {  	_ =	shalt  }
0x58: {  	_ =	shalt  }
0x59: {  	_ =	shalt  }
0x5a: {  	_ =	shalt  }
0x5b: {  	_ =	shalt  }
0x5c: {  	_ =	shalt  }
0x5d: {  	_ =	shalt  }
0x5e: {  	_ =	shalt  }
0x5f: {  	_ =	shalt  }
0x60: {  	_ =	shalt  }
0x61: {  	_ =	shalt  }
0x62: {  	_ =	shalt  }
0x63: {  	_ =	shalt  }
0x64: {  	_ =	shalt  }
0x65: {  	_ =	shalt  }
0x66: {  	_ =	shalt  }
0x67: {  	_ =	shalt  }
0x68: {  	_ =	shalt  }
0x69: {  	_ =	shalt  }
0x6a: {  	_ =	shalt  }
0x6b: {  	_ =	shalt  }
0x6c: {  	_ =	shalt  }
0x6d: {  	_ =	shalt  }
0x6e: {  	_ =	shalt  }
0x6f: {  	_ =	shalt  }
0x70: {  	_ =	shalt  }
0x71: {  	_ =	shalt  }
0x72: {  	_ =	shalt  }
0x73: {  	_ =	shalt  }
0x74: {  	_ =	shalt  }
0x75: {  	_ =	shalt  }
0x76: {  	_ =	shalt  }
0x77: {  	_ =	shalt  }
0x78: {  	_ =	shalt  }
0x79: {  	_ =	shalt  }
0x7a: {  	_ =	shalt  }
0x7b: {  	_ =	shalt  }
0x7c: {  	_ =	shalt  }
0x7d: {  	_ =	shalt  }
0x7e: {  	_ =	shalt  }
0x7f: {  	_ =	shalt  }
0x80: {  	_ =	shalt  }
0x81: {  	_ =	shalt  }
0x82: {  	_ =	shalt  }
0x83: {  	_ =	shalt  }
0x84: {  	_ =	shalt  }
0x85: {  	_ =	shalt  }
0x86: {  	_ =	shalt  }
0x87: {  	_ =	shalt  }
.Lfunc_end0:
.L_simem_size_0:
called_computation.1_lowered:
.L_overlay_start_0:
0x88: {  	s2 =	sld [smem:$0x3FD9]  }
0x89: {  	s3 =	sld [smem:$0x3FFE];
	_ =	sdelay $0x1  }
0x8a: {  	s1 =	srdreg.scid  }
0x8b: {  	s0 =	sand.u32 $0x1, s1  }
0x8c: {  	s17 =	sshll.u32 s0, $0xA;
	s2 =	sadd.s32 s3, s2  }
0x8d: {  	s2 =	sadd.s32 s2, s17  }
0x8e: {  	[smem:$0x3FC4] =	sst s2  }
0x8f: {  	_ = 	snop  }
0x90: {  	s2 =	sld [smem:$0x3FD0];
	(tm) =	ssettm $0x1  }
0x91: {  	s18 =	sld [smem:$0x3FFB];
	_ =	sdelay $0x3  }
0x92: {  	_ =	strace s18  }
0x93: {  	s3 =	sld [smem:$0x3FFC];
	_ =	sdelay $0x3  }
0x94: {  	_ =	strace s3  }
0x95: {  	s3 =	sld [smem:$0x3FFD];
	_ =	sdelay $0x3  }
0x96: {  	_ =	strace s3  }
0x97: {  	_ =	strace $0x8FFFFFFF  }
0x98: {  	s19 =	sld [smem:$0x3FDB];
	_ =	sdelay $0x1  }
0x99: {  	s4 =	simm.s32 $_scs_section_size  }
0x9a: {  	s5 =	simm.s32 $_size__tile_overlayer_lowered;
	s6 =	simm.s32 $_tile_overlayer_lowered  }
0x9b: {  	s22 =	simm.s32 $0x1BFF;
	s21 =	sshll.u32 s6, $0x1;
	s3 =	sadd.s32 s4, s19  }
0x9c: {  	s7 =	simm.s32 $0x0;
	s20 =	sshll.u32 s5, $0x1;
	s5 =	sadd.s32 s21, s3  }
0x9d: {  	[timem:s7], [sflag:s22] =	dma.local [hbm:s5], s20  }
0x9e: {  	_ =	swait.ge [sflag:s22], s20  }
0x9f: {  	s4 =	ssub.s32 $0x0, s20;
	[sflag:s22] =	ssyncset.done $0x0  }
0xa0: {  	[sflag:s22] =	ssyncadd.s32 s4;
	_ =	sdelay $0x1  }
0xa1: {  	s23 =	simm.s32 $0x1B8B  }
0xa2: {  	_ =	swait.ge [sflag:s23], $0x1  }
0xa3: {  	[sflag:s23] =	ssyncset.done $0x0  }
0xa4: {  	s25 =	simm.s32 $0x1B8E;
	s24 =	sld [smem:$0x3FFE];
	[sflag:s23] =	ssyncadd.s32 $0xFFFFFFFF  }
0xa5: {  	s26 =	simm.s32 $execute0_lowered;
	[smem:$0x3FD2] =	sst s25  }
0xa6: {  	s5 =	sshll.u32 s26, $0x1;
	_ =	strace $0x80000049;
	[dreg:$0x1] =	wrdreg $0xFFFFFFFF  }
0xa7: {  	s28 =	simm.s32 $_size_execute0_lowered;
	s3 =	sadd.s32 s3, s5;
	[dreg:$0x0] =	wrdreg $0x0  }
0xa8: {  	s5 =	sshll.u32 s28, $0x1;
	[dreg:$0x2] =	wrdreg s3  }
0xa9: {  	[dreg:$0x3] =	wrdreg s5  }
0xaa: {  	[dreg:$0x4] =	wrdreg $0xC0  }
0xab: {  	_ =	task [dreg:s7], $0x5FFFF  }
0xac: {  	[dreg:$0x1] =	wrdreg $0xFFFFFFFF  }
0xad: {  	[dreg:$0x0] =	wrdreg $0x60  }
0xae: {  	[dreg:$0x2] =	wrdreg s24  }
0xaf: {  	[dreg:$0x3] =	wrdreg s2  }
0xb0: {  	[dreg:$0x4] =	wrdreg $0x88000  }
0xb1: {  	[dreg:$0x5] =	wrdreg $0x9  }
0xb2: {  	_ =	task.clear_ibuf [dreg:s7], $0x6FFFF;
	_ =	strace $0x90000049  }
0xb3: {  	s29 =	simm.s32 $0x9;
	_ =	strace $0x8000004B  }
0xb4: {  	_ =	swait.ge [sflag:s29], $0x1  }
0xb5: {  	[sflag:s29] =	ssyncadd.s32 $0xFFFFFFFF  }
0xb6: {  	_ =	strace $0x9000004B  }
0xb7: {  	_ =	sfence  }
0xb8: {  	s30 =	sld [smem:$0x0];
	_ =	sdelay $0x2  }
0xb9: {  	s31 =	sshll.u32 s1, $0xD;
	s1 =	sshrl.u32 s1, $0x2  }
0xba: {  	s3 =	sand.u32 $0x4000, s31;
	s1 =	sadd.s32 s1, s30  }
0xbb: {  	s0 =	sor.u32 s3, s0;
	s1 =	sshll.u32 s1, $0x11  }
0xbc: {  	s0 =	sor.u32 s1, s0  }
0xbd: {  	s0 =	sadd.s32 $0x8F2B, s0  }
0xbe: {  	[sflag:s0] =	ssyncadd.remote.s32 $0x1  }
0xbf: {  	_ =	sfence.sel $0xFFFF  }
0xc0: {  	[dreg:$0x0] =	wrdreg $0xFFFFFFFF;
	(pc) =	sbr.abs _section_cstart, $3  }
0xc1: {  	[dreg:$0x1] =	wrdreg $0xFFFFFFFF  }
0xc2: {  	_ =	task.clear_ibuf [dreg:s7], $0x2FFFF;
	_ =	strace $0x9FFFFFFF  }
0xc3: {  	(tm) =	ssettm $0x7FFFFFFF  }
tec
execute0_lowered:
.L_overlay_start_1:
0x0: {  	(tag) =	ssettag $0x1  }
0x1: {  	s0 =	srdreg.scid;
	s3 =	rddreg [dreg:$0x1]  }
0x2: {  	s12 =	stileid.u32;
	s31 =	rddreg [dreg:$0x2]  }
0x3: {  	s29 =	simm.s32 $0x10;
	s4 =	sand.u32 $0x1, s0;
	s0 =	rddreg [dreg:$0x0]  }
0x4: {  	s17 =	smul.u32 $0x2800, s12;
	p0 =	seq.s32 s12, $0xF;
	s1 =	sshll.u32 s4, $0x4  }
0x5: {  	s5 =	sadd.s32 $0x2000, s0;
	s6 =	ssub.s32 $0x2, s4;
	s13 =	smul.u32 $0x138800, s4  }
0x6: {  	s7 =	sadd.s32 $0x34000, s0;
	s4 =	smul.u32 $0x28000, s4;
	s28 =	sadd.s32 $0xC000, s0  }
0x7: {  	s0 =	sadd.s32 $0x31080, s0;
	s2 =	sor.u32 s12, s1;
	s1 =	simm.s32 $0x0  }
0x8: {  	s8 =	sshrl.u32 s6, $0x1;
	s2 =	smul.u32 $0x2800, s2;
	s4 =	sadd.s32 s17, s4  }
0x9: {  	[smem:$0x7FF] =	sst s1;
	s21 =	sor.u32 $0x300, s4;
	s22 =	sor.u32 $0x2C0, s4  }
0xa: {  	s9 =	sshrl.u32 s2, $0x3;
	s2 =	ssub.s32 s6, s8;
	s8 =	sshrl.u32 s13, $0x3  }
0xb: {  	s24 =	sshrl.u32 s22, $0x3;
	s22 =	smul.u32 $0x4F000, s12;
	s26 =	sadd.s32 s5, s9  }
0xc: {  	s30 =	sor.u32 $0x8, s9;
	s10 =	sadd.s32 s3, s9;
	[dreg:$0x4] =	wrdreg s26  }
0xd: {  	s14 =	sor.u32 $0x10, s9;
	s25 =	sadd.s32 s24, s3;
	[dreg:$0x5] =	wrdreg s10  }
0xe: {  	s15 =	sor.u32 $0x18, s9;
	s11 =	sadd.s32 s5, s30;
	[dreg:$0x11] =	wrdreg s25  }
0xf: {  	s9 =	sor.u32 $0x20, s9;
	s6 =	sadd.s32 s3, s30;
	[dreg:$0x6] =	wrdreg s11  }
0x10: {  	s10 =	smul.u32 $0x13C00, s12;
	s16 =	sadd.s32 s5, s15;
	[dreg:$0x7] =	wrdreg s6  }
0x11: {  	s18 =	sadd.s32 s5, s9;
	s19 =	sadd.s32 s3, s9;
	[dreg:$0xa] =	wrdreg s16  }
0x12: {  	s26 =	sor.u32 $0x280, s4;
	s30 =	sor.u32 $0x240, s4;
	[dreg:$0xc] =	wrdreg s18  }
0x13: {  	s9 =	simm.s32 $0x40;
	s11 =	sadd.s32 s5, s14;
	[dreg:$0xd] =	wrdreg s19  }
0x14: {  	s6 =	sadd.s32 s3, s14;
	s16 =	sor.u32 $0x1C0, s4;
	[dreg:$0x8] =	wrdreg s11  }
0x15: {  	s18 =	sor.u32 $0x180, s4;
	[dreg:$0x9] =	wrdreg s6;
	s11 =	sadd.s32 s3, s15  }
0x16: {  	s10 =	sadd.s32 s10, s13;
	s6 =	sshrl.u32 s21, $0x3;
	s17 =	sshrl.u32 s16, $0x3  }
0x17: {  	s16 =	simm.s32 $0x800;
	[dreg:$0xb] =	wrdreg s11;
	s10 =	sshrl.u32 s10, $0x3  }
0x18: {  	s23 =	sadd.s32 s6, s3;
	s6 =	sadd.s32 s6, s5;
	s11 =	sor.u32 $0x200, s4  }
0x19: {  	s4 =	sor.u32 $0x140, s4;
	s19 =	sadd.s32 s17, s3;
	[dreg:$0xf] =	wrdreg s23  }
0x1a: {  	s20 =	sadd.s32 s7, s10;
	s7 =	sadd.s32 s7, s8;
	[dreg:$0x10] =	wrdreg s6  }
0x1b: {  	s8 =	sadd.s32 s24, s5;
	s6 =	sshrl.u32 s26, $0x3;
	s13 =	sshrl.u32 s11, $0x3  }
0x1c: {  	[dreg:$0x19] =	wrdreg s19;
	s4 =	sshrl.u32 s4, $0x3;
	s23 =	smul.u32 $0x2780, s12  }
0x1d: {  	s26 =	smax.u32 s2, $0x1;
	s11 =	simm.s32 $0x1;
	[dreg:$0xe] =	wrdreg s20  }
0x1e: {  	s12 =	simm.s32 $0xB;
	[dreg:$0x12] =	wrdreg s8;
	s10 =	sadd.s32 s6, s3  }
0x1f: {  	s8 =	sshrl.u32 s30, $0x3;
	s6 =	sadd.s32 s6, s5;
	s15 =	sadd.s32 s13, s3  }
0x20: {  	s25 =	sadd.s32 $0x25080, s7;
	s30 =	sadd.s32 $0x128400, s31;
	[dreg:$0x13] =	wrdreg s10  }
0x21: {  	s7 =	simm.s32 $0xA;
	[dreg:$0x14] =	wrdreg s6;
	s14 =	sadd.s32 s8, s3  }
0x22: {  	s8 =	sadd.s32 s8, s5;
	[dreg:$0x17] =	wrdreg s15;
	s6 =	sadd.s32 s13, s5  }
0x23: {  	s24 =	sadd.s32 s28, s23;
	s13 =	simm.s32 $0xC;
	[dreg:$0x15] =	wrdreg s14  }
0x24: {  	s23 =	simm.s32 $0xE;
	s10 =	simm.s32 $0x380;
	[dreg:$0x16] =	wrdreg s8  }
0x25: {  	[dreg:$0x18] =	wrdreg s6;
	s8 =	sshrl.u32 s18, $0x3;
	s6 =	sadd.s32 s17, s5  }
0x26: {  	s14 =	simm.s32 $0x6800;
	[dreg:$0x1a] =	wrdreg s6;
	s20 =	sadd.s32 s8, s3  }
0x27: {  	s18 =	simm.s32 $0xD;
	s21 =	sadd.s32 s8, s5;
	[dreg:$0x1b] =	wrdreg s20  }
0x28: {  	s17 =	simm.s32 $0x4800;
	s3 =	sadd.s32 s4, s3;
	[dreg:$0x1c] =	wrdreg s21  }
0x29: {  	s4 =	sadd.s32 s4, s5;
	s6 =	simm.s32 $0x200;
	[dreg:$0x1d] =	wrdreg s3  }
0x2a: {  	s8 =	simm.s32 $0x2800;
	s5 =	simm.s32 $0x0;
	[dreg:$0x1e] =	wrdreg s4  }
0x2b: {  	s3 =	sshrl.u32 s22, $0x2;
	_ =	strace $0x8000004A;
	[smem:$0x7F9] =	sst s24  }
.Ltmp0:
0x2c: {  	s4 =	simm.s32 $0x2;
	[smem:$0x7FA] =	sst s0;
	(pc) =	sbr.rel .LBB2_1-.Ltmp0, $4  }
0x2d: {  	s21 =	simm.s32 $0x4;
	s22 =	simm.s32 $0x6;
	[smem:$0x7FB] =	sst s25  }
0x2e: {  	s20 =	simm.s32 $0x300;
	s3 =	sadd.s32 s3, s31;
	[smem:$0x7FC] =	sst s26  }
0x2f: {  	[smem:$0x7FD] =	sst s30;
	s0 =	simm.s32 $0x800;
	s25 =	simm.s32 $0xF  }
0x30: {  	s26 =	simm.s32 $0x8;
	s24 =	simm.s32 $0x780;
	[dreg:$0x1f] =	wrdreg s3  }
.LBB2_4:
0x31: {  	s2 =	simm.s32 $0x7  }
0x32: {  	_ =	swait.ge [sflag:s2], $0x2000  }
0x33: {  	[sflag:s2] =	ssyncset.done $0x0  }
0x34: {  	[sflag:s2] =	ssyncadd.s32 $0xFFFFE000  }
0x35: {  	_ =	swait.ge [sflag:s26], $0x2000  }
0x36: {  	[sflag:s26] =	ssyncset.done $0x0  }
0x37: {  	[sflag:s26] =	ssyncadd.s32 $0xFFFFE000  }
0x38: {  	[bflag:$0x0] =	sbarrier.arrive $0xFFFF  }
0x39: {  	s3 =	sld [smem:$0x7FB]  }
0x3a: {  	s5 =	sld [smem:$0x7F6];
	_ =	sdelay $0x1  }
0x3b: {  	s2 =	simm.s32 @p0 $0x1FD1  }
0x3c: {  	[hbm:s3], [sflag:s2] =	dma.local @p0 [spmem:s5], $0x2080  }
0x3d: {  	s2 =	simm.s32 @p0 $0x11  }
0x3e: {  	_ =	swait.ge @p0 [sflag:s2], $0x2080  }
0x3f: {  	s3 =	sld [smem:$0x7F7]  }
0x40: {  	s5 =	sld [smem:$0x7F8]  }
0x41: {  	[sflag:s2] =	ssyncset.done @p0 $0x0  }
0x42: {  	[sflag:s2] =	ssyncadd.s32 @p0 $0xFFFFDF80;
	s2 =	rddreg [dreg:$0xe]  }
0x43: {  	[hbm:s2], [sflag:s3] =	dma.local @!p0 [spmem:s5], $0x2780  }
0x44: {  	s2 =	simm.s32 @!p0 $0x11  }
0x45: {  	_ =	swait.ge @!p0 [sflag:s2], $0x2780  }
0x46: {  	s19 =	sld [smem:$0x7F5]  }
0x47: {  	s30 =	sld [smem:$0x7FC];
	_ =	sdelay $0x1  }
0x48: {  	s5 =	sadd.s32 $0x1, s19  }
0x49: {  	p1 =	sne.s32 s5, s30  }
.Ltmp1:
0x4a: {  	_ = 	snop;
	(pc) =	sbr.rel @!p1 .LBB2_5-.Ltmp1, $3  }
0x4b: {  	_ =	sdelay $0x1  }
0x4c: {  	[sflag:s2] =	ssyncset.done @!p0 $0x0  }
0x4d: {  	s6 =	simm.s32 $0x200;
	[sflag:s2] =	ssyncadd.s32 @!p0 $0xFFFFD880  }
.LBB2_1:
0x4e: {  	s2 =	sld [smem:$0x7FD];
	_ =	sdelay $0x2  }
0x4f: {  	s3 =	sshrl.u32 @p0 s2, $0x3;
	s2 =	sld [smem:$0x7FA]  }
0x50: {  	[smem:$0x7F5] =	sst s5  }
0x51: {  	s5 =	simm.s32 @p0 $0x1FD1;
	[smem:$0x7F6] =	sst s3  }
0x52: {  	[spmem:s3], [sflag:s5] =	dma.local @p0 [hbm:s2], $0x2080  }
0x53: {  	s5 =	simm.s32 @p0 $0x11;
	s2 =	stileid.u32  }
0x54: {  	_ =	swait.ge @p0 [sflag:s5], $0x2080;
	s30 =	sshll.u32 @!p0 s2, $0x6  }
0x55: {  	[sflag:s5] =	ssyncset.done @p0 $0x0;
	s3 =	sor.u32 @!p0 $0x1C11, s30;
	s2 =	rddreg [dreg:$0x1f]  }
0x56: {  	[sflag:s5] =	ssyncadd.s32 @p0 $0xFFFFDF80;
	s5 =	sshrl.u32 @!p0 s2, $0x3;
	s2 =	sld [smem:$0x7F9]  }
0x57: {  	[smem:$0x7F7] =	sst s3  }
0x58: {  	[smem:$0x7F8] =	sst s5  }
0x59: {  	[spmem:s5], [sflag:s3] =	dma.local @!p0 [hbm:s2], $0x2780  }
0x5a: {  	s5 =	simm.s32 @!p0 $0x11  }
0x5b: {  	_ =	swait.ge @!p0 [sflag:s5], $0x2780  }
0x5c: {  	[sflag:s5] =	ssyncset.done @!p0 $0x0  }
0x5d: {  	s3 =	simm.s32 $0x11;
	[sflag:s5] =	ssyncadd.s32 @!p0 $0xFFFFD880;
	s5 =	rddreg [dreg:$0x4]  }
0x5e: {  	[tilespmem:s1], [sflag:$0x11] =	stream.linear.gather [hbm4b:s5+s1], $0x40, $0x38;
	[tilespmem:$0x1C080] =	vst v63  }
0x5f: {  	_ =	swait.ge [sflag:s3], $0x40  }
0x60: {  	[sflag:s3] =	ssyncset.done $0x0  }
0x61: {  	s19 =	simm.s32 $0x400;
	s15 =	rddreg [dreg:$0x5];
	[sflag:s3] =	ssyncadd.s32 $0xFFFFFFC0  }
0x62: {  	[tilespmem:s19], [sflag:$0x11] =	stream.linear.gather [hbm4b:s15+s1], $0x40, $0x38;
	[tilespmem:$0x1C080] =	vst v63  }
0x63: {  	_ =	swait.ge [sflag:s3], $0x40  }
0x64: {  	[sflag:s3] =	ssyncset.done $0x0  }
0x65: {  	[sflag:s3] =	ssyncadd.s32 $0xFFFFFFC0  }
0x66: {  	[tilespmem:s0], [sflag:$0x1] =	stream.indirect.gather [hbm4b:s28+s9], $0x80, s1, s9, $0xb8;
	[tilespmem:$0x1C080] =	vst v63  }
0x67: {  	s15 =	rddreg [dreg:$0x6];
	s3 =	simm.s32 $0x80  }
0x68: {  	[tilespmem:s3], [sflag:$0xA] =	stream.linear.gather [hbm4b:s15+s1], $0x40, $0x38;
	[tilespmem:$0x1C080] =	vst v63  }
0x69: {  	s19 =	rddreg [dreg:$0x7];
	s0 =	simm.s32 $0x480  }
0x6a: {  	[tilespmem:s0], [sflag:$0xA] =	stream.linear.gather [hbm4b:s19+s1], $0x40, $0x38;
	[tilespmem:$0x1C080] =	vst v63  }
0x6b: {  	s5 =	rddreg [dreg:$0x8];
	s15 =	simm.s32 $0x100  }
0x6c: {  	[tilespmem:s15], [sflag:$0xB] =	stream.linear.gather [hbm4b:s5+s1], $0x40, $0x38;
	[tilespmem:$0x1C080] =	vst v63  }
0x6d: {  	s19 =	rddreg [dreg:$0x9];
	s0 =	simm.s32 $0x500  }
0x6e: {  	[tilespmem:s0], [sflag:$0xB] =	stream.linear.gather [hbm4b:s19+s1], $0x40, $0x38;
	[tilespmem:$0x1C080] =	vst v63  }
0x6f: {  	s5 =	rddreg [dreg:$0xa];
	s15 =	simm.s32 $0x180  }
0x70: {  	[tilespmem:s15], [sflag:$0xC] =	stream.linear.gather [hbm4b:s5+s1], $0x40, $0x38;
	[tilespmem:$0x1C080] =	vst v63  }
0x71: {  	s19 =	rddreg [dreg:$0xb];
	s0 =	simm.s32 $0x580  }
0x72: {  	[tilespmem:s0], [sflag:$0xC] =	stream.linear.gather [hbm4b:s19+s1], $0x40, $0x38;
	[tilespmem:$0x1C080] =	vst v63  }
0x73: {  	s5 =	rddreg [dreg:$0xc]  }
0x74: {  	[tilespmem:s6], [sflag:$0xD] =	stream.linear.gather [hbm4b:s5+s1], $0x40, $0x38;
	[tilespmem:$0x1C080] =	vst v63  }
0x75: {  	s15 =	rddreg [dreg:$0xd];
	s19 =	simm.s32 $0x600  }
0x76: {  	[tilespmem:s19], [sflag:$0xD] =	stream.linear.gather [hbm4b:s15+s1], $0x40, $0x38;
	[tilespmem:$0x1C080] =	vst v63  }
0x77: {  	_ =	swait.ge [sflag:s7], $0x40  }
0x78: {  	[sflag:s7] =	ssyncset.done $0x0  }
0x79: {  	[sflag:s7] =	ssyncadd.s32 $0xFFFFFFC0  }
0x7a: {  	_ =	swait.ge [sflag:s7], $0x40  }
0x7b: {  	[sflag:s7] =	ssyncset.done $0x0  }
0x7c: {  	[sflag:s7] =	ssyncadd.s32 $0xFFFFFFC0  }
0x7d: {  	[tilespmem:s8], [sflag:$0x2] =	stream.indirect.gather [hbm4b:s28+s9], $0x80, s3, s9, $0xb8;
	[tilespmem:$0x1C080] =	vst v63  }
0x7e: {  	s30 =	simm.s32 $0x0;
	s3 =	simm.s32 $0x600;
	[bflag:$0x0] =	sbarrier.arrive $0xFFFF  }
.LBB2_2:
0x7f: {  	_ =	swait.ge [sflag:s11], $0x2000  }
0x80: {  	p1 =	seq.s32 s30, $0x0;
	[sflag:s11] =	ssyncset.done $0x0  }
0x81: {  	s2 =	simm.s32 $0x400;
	s5 =	simm.s32 @!p1 $0x7;
	[sflag:s11] =	ssyncadd.s32 $0xFFFFE000  }
0x82: {  	[spmem:s31] =	stream.indirect.scatter.add.f32 [tilespmem:s16], [sflag:$0x5], $0x80, s2, s9, $0xb8;
	[tilespmem:$0x1C080] =	vst v63  }
0x83: {  	_ =	swait.ge @!p1 [sflag:s5], $0x2000  }
0x84: {  	[sflag:s5] =	ssyncset.done @!p1 $0x0  }
0x85: {  	[sflag:s5] =	ssyncadd.s32 @!p1 $0xFFFFE000  }
0x86: {  	_ =	swait.ge [sflag:s12], $0x40  }
0x87: {  	[sflag:s12] =	ssyncset.done $0x0  }
0x88: {  	[sflag:s12] =	ssyncadd.s32 $0xFFFFFFC0  }
0x89: {  	_ =	swait.ge [sflag:s12], $0x40  }
0x8a: {  	[sflag:s12] =	ssyncset.done $0x0  }
0x8b: {  	s5 =	simm.s32 $0x100;
	s15 =	rddreg [dreg:$0x1e];
	[sflag:s12] =	ssyncadd.s32 $0xFFFFFFC0  }
0x8c: {  	[tilespmem:s17], [sflag:$0x3] =	stream.indirect.gather [hbm4b:s28+s9], $0x80, s5, s9, $0xb8;
	[tilespmem:$0x1C080] =	vst v63  }
0x8d: {  	s0 =	rddreg [dreg:$0x1d];
	s19 =	sadd.s32 s30, s15;
	s15 =	simm.s32 $0x280  }
0x8e: {  	[tilespmem:s15], [sflag:$0xE] =	stream.linear.gather [hbm4b:s19+s1], $0x40, $0x38;
	[tilespmem:$0x1C080] =	vst v63  }
0x8f: {  	s2 =	sadd.s32 s30, s0;
	s19 =	simm.s32 $0x680  }
0x90: {  	[tilespmem:s19], [sflag:$0xE] =	stream.linear.gather [hbm4b:s2+s1], $0x40, $0x38;
	[tilespmem:$0x1C080] =	vst v63  }
0x91: {  	_ =	swait.ge [sflag:s4], $0x2000  }
0x92: {  	[sflag:s4] =	ssyncset.done $0x0  }
0x93: {  	s0 =	simm.s32 $0x480;
	s5 =	simm.s32 @!p1 $0x8;
	[sflag:s4] =	ssyncadd.s32 $0xFFFFE000  }
0x94: {  	[spmem:s31] =	stream.indirect.scatter.add.f32 [tilespmem:s8], [sflag:$0x6], $0x80, s0, s9, $0xb8;
	[tilespmem:$0x1C080] =	vst v63  }
0x95: {  	_ =	swait.ge @!p1 [sflag:s5], $0x2000  }
0x96: {  	[sflag:s5] =	ssyncset.done @!p1 $0x0  }
0x97: {  	[sflag:s5] =	ssyncadd.s32 @!p1 $0xFFFFE000  }
0x98: {  	_ =	swait.ge [sflag:s13], $0x40  }
0x99: {  	[sflag:s13] =	ssyncset.done $0x0  }
0x9a: {  	[sflag:s13] =	ssyncadd.s32 $0xFFFFFFC0  }
0x9b: {  	_ =	swait.ge [sflag:s13], $0x40  }
0x9c: {  	[sflag:s13] =	ssyncset.done $0x0  }
0x9d: {  	s5 =	simm.s32 $0x180;
	s0 =	rddreg [dreg:$0x1c];
	[sflag:s13] =	ssyncadd.s32 $0xFFFFFFC0  }
0x9e: {  	[tilespmem:s14], [sflag:$0x4] =	stream.indirect.gather [hbm4b:s28+s9], $0x80, s5, s9, $0xb8;
	[tilespmem:$0x1C080] =	vst v63  }
0x9f: {  	s2 =	sadd.s32 s30, s0;
	s0 =	rddreg [dreg:$0x1b]  }
0xa0: {  	[tilespmem:s20], [sflag:$0xF] =	stream.linear.gather [hbm4b:s2+s1], $0x40, $0x38;
	[tilespmem:$0x1C080] =	vst v63  }
0xa1: {  	s2 =	sadd.s32 s30, s0;
	s0 =	simm.s32 $0x700  }
0xa2: {  	[tilespmem:s0], [sflag:$0xF] =	stream.linear.gather [hbm4b:s2+s1], $0x40, $0x38;
	[tilespmem:$0x1C080] =	vst v63  }
0xa3: {  	s0 =	simm.s32 $0x3  }
0xa4: {  	_ =	swait.ge [sflag:s0], $0x2000  }
0xa5: {  	[sflag:s0] =	ssyncset.done $0x0  }
0xa6: {  	s2 =	simm.s32 $0x5;
	[sflag:s0] =	ssyncadd.s32 $0xFFFFE000;
	s0 =	simm.s32 $0x500  }
0xa7: {  	[spmem:s31] =	stream.indirect.scatter.add.f32 [tilespmem:s17], [sflag:$0x7], $0x80, s0, s9, $0xb8;
	[tilespmem:$0x1C080] =	vst v63  }
0xa8: {  	_ =	swait.ge [sflag:s2], $0x2000  }
0xa9: {  	[sflag:s2] =	ssyncset.done $0x0  }
0xaa: {  	[sflag:s2] =	ssyncadd.s32 $0xFFFFE000  }
0xab: {  	_ =	swait.ge [sflag:s18], $0x40  }
0xac: {  	[sflag:s18] =	ssyncset.done $0x0  }
0xad: {  	[sflag:s18] =	ssyncadd.s32 $0xFFFFFFC0  }
0xae: {  	_ =	swait.ge [sflag:s18], $0x40  }
0xaf: {  	[sflag:s18] =	ssyncset.done $0x0  }
0xb0: {  	s5 =	rddreg [dreg:$0x1a];
	[sflag:s18] =	ssyncadd.s32 $0xFFFFFFC0  }
0xb1: {  	[tilespmem:s16], [sflag:$0x1] =	stream.indirect.gather [hbm4b:s28+s9], $0x80, s6, s9, $0xb8;
	[tilespmem:$0x1C080] =	vst v63  }
0xb2: {  	s0 =	rddreg [dreg:$0x19];
	s6 =	sadd.s32 s30, s5  }
0xb3: {  	[tilespmem:s10], [sflag:$0x10] =	stream.linear.gather [hbm4b:s6+s1], $0x40, $0x38;
	[tilespmem:$0x1C080] =	vst v63  }
0xb4: {  	s2 =	sadd.s32 s30, s0  }
0xb5: {  	[tilespmem:s24], [sflag:$0x10] =	stream.linear.gather [hbm4b:s2+s1], $0x40, $0x38;
	[tilespmem:$0x1C080] =	vst v63  }
0xb6: {  	_ =	swait.ge [sflag:s21], $0x2000  }
0xb7: {  	[sflag:s21] =	ssyncset.done $0x0  }
0xb8: {  	s5 =	simm.s32 $0x580;
	[sflag:s21] =	ssyncadd.s32 $0xFFFFE000  }
0xb9: {  	[spmem:s31] =	stream.indirect.scatter.add.f32 [tilespmem:s14], [sflag:$0x8], $0x80, s5, s9, $0xb8;
	[tilespmem:$0x1C080] =	vst v63  }
0xba: {  	_ =	swait.ge [sflag:s22], $0x2000  }
0xbb: {  	[sflag:s22] =	ssyncset.done $0x0  }
0xbc: {  	[sflag:s22] =	ssyncadd.s32 $0xFFFFE000  }
0xbd: {  	_ =	swait.ge [sflag:s23], $0x40  }
0xbe: {  	[sflag:s23] =	ssyncset.done $0x0  }
0xbf: {  	[sflag:s23] =	ssyncadd.s32 $0xFFFFFFC0  }
0xc0: {  	_ =	swait.ge [sflag:s23], $0x40  }
0xc1: {  	[sflag:s23] =	ssyncset.done $0x0  }
0xc2: {  	p1 =	seq.s32 s30, $0x4C0;
	s2 =	rddreg [dreg:$0x18];
	[sflag:s23] =	ssyncadd.s32 $0xFFFFFFC0  }
0xc3: {  	[tilespmem:s8], [sflag:$0x2] =	stream.indirect.gather [hbm4b:s28+s9], $0x80, s15, s9, $0xb8;
	[tilespmem:$0x1C080] =	vst v63  }
0xc4: {  	s5 =	simm.s32 @!p1 $0x0;
	s6 =	sadd.s32 @!p1 s30, s2;
	s2 =	rddreg [dreg:$0x17]  }
0xc5: {  	[tilespmem:s5], [sflag:$0x9] =	stream.linear.gather @!p1 [hbm4b:s6+s5], $0x40, $0x38;
	[tilespmem:$0x1C080] =	vst v63  }
0xc6: {  	s6 =	sadd.s32 @!p1 s30, s2;
	s2 =	simm.s32 @!p1 $0x400  }
0xc7: {  	[tilespmem:s2], [sflag:$0x9] =	stream.linear.gather @!p1 [hbm4b:s6+s5], $0x40, $0x38;
	[tilespmem:$0x1C080] =	vst v63  }
0xc8: {  	_ =	swait.ge [sflag:s11], $0x2000  }
0xc9: {  	[sflag:s11] =	ssyncset.done $0x0  }
0xca: {  	s6 =	simm.s32 $0x7;
	[sflag:s11] =	ssyncadd.s32 $0xFFFFE000  }
0xcb: {  	[spmem:s31] =	stream.indirect.scatter.add.f32 [tilespmem:s16], [sflag:$0x5], $0x80, s3, s9, $0xb8;
	[tilespmem:$0x1C080] =	vst v63  }
0xcc: {  	_ =	swait.ge [sflag:s6], $0x2000  }
0xcd: {  	[sflag:s6] =	ssyncset.done $0x0  }
0xce: {  	[sflag:s6] =	ssyncadd.s32 $0xFFFFE000  }
0xcf: {  	_ =	swait.ge [sflag:s25], $0x40  }
0xd0: {  	[sflag:s25] =	ssyncset.done $0x0  }
0xd1: {  	[sflag:s25] =	ssyncadd.s32 $0xFFFFFFC0  }
0xd2: {  	_ =	swait.ge [sflag:s25], $0x40  }
0xd3: {  	[sflag:s25] =	ssyncset.done $0x0  }
0xd4: {  	s2 =	rddreg [dreg:$0x16];
	[sflag:s25] =	ssyncadd.s32 $0xFFFFFFC0  }
0xd5: {  	[tilespmem:s17], [sflag:$0x3] =	stream.indirect.gather [hbm4b:s28+s9], $0x80, s20, s9, $0xb8;
	[tilespmem:$0x1C080] =	vst v63  }
0xd6: {  	s6 =	simm.s32 @!p1 $0x80;
	s2 =	sadd.s32 @!p1 s30, s2  }
0xd7: {  	[tilespmem:s6], [sflag:$0xA] =	stream.linear.gather @!p1 [hbm4b:s2+s5], $0x40, $0x38;
	[tilespmem:$0x1C080] =	vst v63  }
0xd8: {  	s2 =	rddreg [dreg:$0x15]  }
0xd9: {  	s6 =	simm.s32 @!p1 $0x480;
	s2 =	sadd.s32 @!p1 s30, s2  }
0xda: {  	[tilespmem:s6], [sflag:$0xA] =	stream.linear.gather @!p1 [hbm4b:s2+s5], $0x40, $0x38;
	[tilespmem:$0x1C080] =	vst v63  }
0xdb: {  	_ =	swait.ge [sflag:s4], $0x2000  }
0xdc: {  	[sflag:s4] =	ssyncset.done $0x0  }
0xdd: {  	[sflag:s4] =	ssyncadd.s32 $0xFFFFE000  }
0xde: {  	[spmem:s31] =	stream.indirect.scatter.add.f32 [tilespmem:s8], [sflag:$0x6], $0x80, s19, s9, $0xb8;
	[tilespmem:$0x1C080] =	vst v63  }
0xdf: {  	_ =	swait.ge [sflag:s26], $0x2000  }
0xe0: {  	[sflag:s26] =	ssyncset.done $0x0  }
0xe1: {  	[sflag:s26] =	ssyncadd.s32 $0xFFFFE000  }
0xe2: {  	_ =	swait.ge [sflag:s29], $0x40  }
0xe3: {  	[sflag:s29] =	ssyncset.done $0x0  }
0xe4: {  	[sflag:s29] =	ssyncadd.s32 $0xFFFFFFC0  }
0xe5: {  	_ =	swait.ge [sflag:s29], $0x40  }
0xe6: {  	[sflag:s29] =	ssyncset.done $0x0  }
0xe7: {  	s2 =	simm.s32 @p1 $0x3;
	[sflag:s29] =	ssyncadd.s32 $0xFFFFFFC0  }
0xe8: {  	[tilespmem:s14], [sflag:$0x4] =	stream.indirect.gather [hbm4b:s28+s9], $0x80, s10, s9, $0xb8;
	[tilespmem:$0x1C080] =	vst v63  }
0xe9: {  	_ =	swait.ge @p1 [sflag:s2], $0x2000  }
0xea: {  	s3 =	simm.s32 @p1 $0x4800;
	[sflag:s2] =	ssyncset.done @p1 $0x0  }
0xeb: {  	s6 =	simm.s32 @p1 $0x700;
	[sflag:s2] =	ssyncadd.s32 @p1 $0xFFFFE000;
	s2 =	simm.s32 @p1 $0x40  }
0xec: {  	[spmem:s31] =	stream.indirect.scatter.add.f32 @p1 [tilespmem:s3], [sflag:$0x7], $0x80, s6, s2, $0xb8;
	[tilespmem:$0x1C080] =	vst v63  }
0xed: {  	s2 =	simm.s32 @p1 $0x5  }
0xee: {  	_ =	swait.ge @p1 [sflag:s2], $0x2000  }
0xef: {  	[sflag:s2] =	ssyncset.done @p1 $0x0  }
0xf0: {  	[sflag:s2] =	ssyncadd.s32 @p1 $0xFFFFE000;
	s2 =	rddreg [dreg:$0x14]  }
0xf1: {  	s3 =	simm.s32 @!p1 $0x100;
	s2 =	sadd.s32 @!p1 s30, s2  }
0xf2: {  	[tilespmem:s3], [sflag:$0xB] =	stream.linear.gather @!p1 [hbm4b:s2+s5], $0x40, $0x38;
	[tilespmem:$0x1C080] =	vst v63  }
0xf3: {  	s2 =	rddreg [dreg:$0x13]  }
0xf4: {  	s3 =	simm.s32 @!p1 $0x500;
	s2 =	sadd.s32 @!p1 s30, s2  }
0xf5: {  	[tilespmem:s3], [sflag:$0xB] =	stream.linear.gather @!p1 [hbm4b:s2+s5], $0x40, $0x38;
	[tilespmem:$0x1C080] =	vst v63  }
0xf6: {  	s2 =	simm.s32 @!p1 $0x3  }
0xf7: {  	_ =	swait.ge @!p1 [sflag:s2], $0x2000  }
0xf8: {  	s6 =	simm.s32 @!p1 $0x4800;
	[sflag:s2] =	ssyncset.done @!p1 $0x0  }
0xf9: {  	s3 =	simm.s32 @!p1 $0x700;
	[sflag:s2] =	ssyncadd.s32 @!p1 $0xFFFFE000;
	s2 =	simm.s32 @!p1 $0x40  }
0xfa: {  	[spmem:s31] =	stream.indirect.scatter.add.f32 @!p1 [tilespmem:s6], [sflag:$0x7], $0x80, s3, s2, $0xb8;
	[tilespmem:$0x1C080] =	vst v63  }
0xfb: {  	s3 =	simm.s32 @!p1 $0x5  }
0xfc: {  	_ =	swait.ge @!p1 [sflag:s3], $0x2000  }
0xfd: {  	[sflag:s3] =	ssyncset.done @!p1 $0x0  }
0xfe: {  	[sflag:s3] =	ssyncadd.s32 @!p1 $0xFFFFE000;
	s3 =	simm.s32 @!p1 $0x9  }
0xff: {  	_ =	swait.ge @!p1 [sflag:s3], $0x40  }
0x100: {  	[sflag:s3] =	ssyncset.done @!p1 $0x0  }
0x101: {  	[sflag:s3] =	ssyncadd.s32 @!p1 $0xFFFFFFC0  }
0x102: {  	_ =	swait.ge @!p1 [sflag:s3], $0x40  }
0x103: {  	[sflag:s3] =	ssyncset.done @!p1 $0x0  }
0x104: {  	[sflag:s3] =	ssyncadd.s32 @!p1 $0xFFFFFFC0;
	s3 =	simm.s32 @!p1 $0x800  }
0x105: {  	[tilespmem:s3], [sflag:$0x1] =	stream.indirect.gather @!p1 [hbm4b:s28+s2], $0x80, s5, s2, $0xb8;
	[tilespmem:$0x1C080] =	vst v63  }
0x106: {  	s2 =	rddreg [dreg:$0x12]  }
0x107: {  	s3 =	simm.s32 @!p1 $0x180;
	s2 =	sadd.s32 @!p1 s30, s2  }
0x108: {  	[tilespmem:s3], [sflag:$0xC] =	stream.linear.gather @!p1 [hbm4b:s2+s5], $0x40, $0x38;
	[tilespmem:$0x1C080] =	vst v63  }
0x109: {  	s2 =	rddreg [dreg:$0x11]  }
0x10a: {  	s3 =	simm.s32 @!p1 $0x580;
	s2 =	sadd.s32 @!p1 s30, s2  }
0x10b: {  	[tilespmem:s3], [sflag:$0xC] =	stream.linear.gather @!p1 [hbm4b:s2+s5], $0x40, $0x38;
	[tilespmem:$0x1C080] =	vst v63  }
0x10c: {  	_ =	swait.ge [sflag:s21], $0x2000  }
0x10d: {  	[sflag:s21] =	ssyncset.done $0x0  }
.Ltmp2:
0x10e: {  	[sflag:s21] =	ssyncadd.s32 $0xFFFFE000;
	(pc) =	sbr.rel @p1 .LBB2_4-.Ltmp2, $4  }
0x10f: {  	[spmem:s31] =	stream.indirect.scatter.add.f32 [tilespmem:s14], [sflag:$0x8], $0x80, s24, s9, $0xb8;
	[tilespmem:$0x1C080] =	vst v63  }
0x110: {  	_ =	swait.ge [sflag:s22], $0x2000  }
0x111: {  	s0 =	simm.s32 $0x800;
	[sflag:s22] =	ssyncset.done $0x0  }
0x112: {  	s15 =	simm.s32 $0x200;
	s19 =	simm.s32 $0x600;
	[sflag:s22] =	ssyncadd.s32 $0xFFFFE000  }
0x113: {  	_ =	swait.ge [sflag:s7], $0x40  }
0x114: {  	[sflag:s7] =	ssyncset.done $0x0  }
0x115: {  	[sflag:s7] =	ssyncadd.s32 $0xFFFFFFC0  }
0x116: {  	_ =	swait.ge [sflag:s7], $0x40  }
0x117: {  	[sflag:s7] =	ssyncset.done $0x0  }
0x118: {  	s2 =	simm.s32 $0x80;
	s6 =	rddreg [dreg:$0x10];
	[sflag:s7] =	ssyncadd.s32 $0xFFFFFFC0  }
0x119: {  	[tilespmem:s8], [sflag:$0x2] =	stream.indirect.gather [hbm4b:s28+s9], $0x80, s2, s9, $0xb8;
	[tilespmem:$0x1C080] =	vst v63  }
.Ltmp3:
0x11a: {  	s2 =	sadd.s32 s30, s6;
	(pc) =	sbr.rel .LBB2_2-.Ltmp3, $4  }
0x11b: {  	[tilespmem:s15], [sflag:$0xD] =	stream.linear.gather [hbm4b:s2+s1], $0x40, $0x38;
	[tilespmem:$0x1C080] =	vst v63  }
0x11c: {  	s3 =	simm.s32 $0x600;
	s15 =	rddreg [dreg:$0xf]  }
0x11d: {  	s6 =	simm.s32 $0x200;
	s2 =	sadd.s32 s30, s15;
	s30 =	sadd.s32 $0x40, s30  }
0x11e: {  	[tilespmem:s19], [sflag:$0xD] =	stream.linear.gather [hbm4b:s2+s1], $0x40, $0x38;
	[tilespmem:$0x1C080] =	vst v63  }
.LBB2_5:
0x11f: {  	_ =	sfence.sel $0x180000  }
0x120: {  	[bflag:$0x0] =	sbarrier.arrive $0xFFFF  }
0x121: {  	_ =	strace $0x9000004A  }
0x122: {  	s0 =	stileid.u32;
	[bflag:$0x2] =	sbarrier.arrive $0xFFFF  }
0x123: {  	p0 =	sne.s32 s0, $0x0;
	s0 =	rddreg [dreg:$0x3]  }
0x124: {  	s0 =	sadd.s32 @!p0 $0x100000, s0  }
0x125: {  	[sflag:s0] =	ssyncadd.tile.s32 @!p0 $0x1;
	_ =	shalt  }
.Lfunc_end2:
_tile_overlayer_lowered:
.L_overlay_start_2:
0x126: {  	(tag) =	ssettag $0x2  }
0x127: {  	s0 =	rddreg [dreg:$0x0];
	s2 =	stileid.u32  }
0x128: {  	s1 =	rddreg [dreg:$0x1];
	p0 =	sne.s32 s2, $0x0  }
0x129: {  	s3 =	rddreg [dreg:$0x2];
	[bflag:$0x3] =	sbarrier.arrive $0xFFFF;
	s2 =	simm.s32 @!p0 $0x1C11  }
0x12a: {  	[timem:s3], [sflag:s2] =	dma.local @!p0 [hbm:s0], s1  }
0x12b: {  	s0 =	simm.s32 @!p0 $0x11  }
0x12c: {  	_ =	swait.ge @!p0 [sflag:s0], s1  }
0x12d: {  	s1 =	ssub.s32 @!p0 $0x0, s1;
	[sflag:s0] =	ssyncset.done @!p0 $0x0  }
0x12e: {  	[sflag:s0] =	ssyncadd.s32 @!p0 s1  }
0x12f: {  	[bflag:$0x3] =	sbarrier.arrive $0xFFFF  }
0x130: {  	_ =	shalt  }

// kernel: kernel.8.cloned.1.call-start
scs
__scs_entry_jumppad:
0x0: {  	(pc) =	sbr.rel $0x88, $3  }
0x1: {  	(tag) =	ssettag $0x0;
	lr =	simm.s32 $0x1  }
0x2: {  	[smem:$0x3F9D] =	sst lr;
	_ =	strace $0xD0000000  }
0x3: {  	_ = 	snop  }
0x4: {  	_ = 	snop  }
0x5: {  	_ = 	snop  }
0x6: {  	_ = 	snop  }
0x7: {  	_ = 	snop  }
__scs_overlays_trampoline_lowered:
0x8: {  	[smem:$0x3FAC] =	sst s0  }
0x9: {  	[smem:$0x3FAD] =	sst s1  }
0xa: {  	[smem:$0x3FAE] =	sst s2  }
0xb: {  	[smem:$0x3FAF] =	sst s3  }
0xc: {  	[smem:$0x3FB0] =	sst s4  }
0xd: {  	[smem:$0x3FB1] =	sst s5  }
0xe: {  	[smem:$0x3FB2] =	sst s6  }
0xf: {  	[smem:$0x3FB3] =	sst s7  }
0x10: {  	[smem:$0x3FB4] =	sst s8  }
0x11: {  	[smem:$0x3FB5] =	sst s9;
	s0 =	simm.s32 @!p0 $0x0  }
0x12: {  	s1 =	sld [smem:$0x3F9B];
	s0 =	simm.s32 @p0 $0x1  }
0x13: {  	[smem:$0x3FB6] =	sst s0;
	s0 =	simm.s32 @!p1 $0x0  }
0x14: {  	s2 =	sld [smem:$0x3F9A];
	s0 =	simm.s32 @p1 $0x1  }
0x15: {  	[smem:$0x3FB7] =	sst s0;
	s0 =	simm.s32 @!p2 $0x0  }
0x16: {  	s3 =	sld [smem:$0x3FDB];
	s0 =	simm.s32 @p2 $0x1  }
0x17: {  	s4 =	simm.s32 $0x1BF5;
	[smem:$0x3FB9] =	sst s0  }
0x18: {  	s0 =	sld [smem:$0x3F9C];
	_ =	swait.ge [sflag:s4], $0x0  }
0x19: {  	s7 =	sld [smem:$0x3F9D]  }
0x1a: {  	s8 =	sadd.s32 $0xFFFFE003, lr  }
0x1b: {  	s9 =	sadd.s32 $0xFFFFFEF7, lr;
	s5 =	simm.s32 $0xFFFFFFFF;
	p2 =	slt.u32 s8, $0xFFFFF086  }
0x1c: {  	p1 =	slt.u32 s9, $0xF7A;
	s5 =	simm.s32 @!p2 $0x0  }
0x1d: {  	s5 =	simm.s32 @p1 $0x1;
	p0 =	seq.s32 s7, s2  }
0x1e: {  	s7 =	smul.u32 @!p0 $0xF7A, s2;
	p2 =	seq.s32 @!p0 s5, $0x0  }
0x1f: {  	s9 =	smul.u32 $0xF7A, s1;
	s8 =	simm.s32 @!p0 $0x1BF5;
	p2 =	por !p2, p0  }
0x20: {  	[sflag:s8] =	ssyncset.s32 @!p0 $0xFFFFF086;
	s6 =	sadd.s32 @!p0 s3, s7;
	s7 =	simm.s32 @!p0 $0x108  }
0x21: {  	s3 =	sadd.s32 s3, s9;
	s6 =	sadd.s32 @!p0 $0x88, s6;
	s7 =	simm.s32 @p2 $0x1082  }
0x22: {  	[simem:s7], [sflag:s8] =	dma.local @!p0 [hbm:s6], $0xF7A  }
0x23: {  	s9 =	sor.u32 $0xD0000000, s2;
	s6 =	simm.s32 $0x108;
	_ =	swait.ge @!p0 [sflag:s8], $0x0  }
0x24: {  	s3 =	sadd.s32 $0x88, s3;
	s6 =	simm.s32 @!p1 $0x1082;
	[sflag:s4] =	ssyncset.s32 $0xFFFFF086  }
0x25: {  	[simem:s6], [sflag:s4] =	dma.local [hbm:s3], $0xF7A  }
0x26: {  	[smem:$0x3F9D] =	sst s1;
	(tag) =	ssettag s2;
	_ =	strace s9  }
0x27: {  	s1 =	sld [smem:$0x3FAD]  }
0x28: {  	s2 =	sld [smem:$0x3FAE]  }
0x29: {  	s4 =	sld [smem:$0x3FB0]  }
0x2a: {  	p0 =	seq.s32 s5, $0x0;
	s5 =	sld [smem:$0x3FB1]  }
0x2b: {  	s6 =	sld [smem:$0x3FB2]  }
0x2c: {  	s7 =	sld [smem:$0x3FB3]  }
0x2d: {  	s3 =	simm.s32 $0x108;
	s8 =	sld [smem:$0x3FB4]  }
0x2e: {  	s3 =	simm.s32 @!p0 $0x1082;
	s9 =	sld [smem:$0x3FB5]  }
0x2f: {  	lr =	sadd.s32 s0, s3;
	s0 =	sld [smem:$0x3FAC]  }
0x30: {  	s3 =	sld [smem:$0x3FAF]  }
0x31: {  	[smem:$0x3FB8] =	sst s10  }
0x32: {  	s10 =	sld [smem:$0x3FB6];
	_ =	sdelay $0x3  }
0x33: {  	p0 =	seq.s32 s10, $0x1;
	s10 =	sld [smem:$0x3FB8];
	_ =	sdelay $0x3  }
0x34: {  	[smem:$0x3FB8] =	sst s10  }
0x35: {  	s10 =	sld [smem:$0x3FB7];
	_ =	sdelay $0x3  }
0x36: {  	p1 =	seq.s32 s10, $0x1;
	s10 =	sld [smem:$0x3FB8];
	_ =	sdelay $0x3  }
0x37: {  	[smem:$0x3FB8] =	sst s10  }
0x38: {  	s10 =	sld [smem:$0x3FB9]  }
0x39: {  	_ = 	snop;
	(pc) =	sbr.ind lr, $3  }
0x3a: {  	_ = 	snop  }
0x3b: {  	_ = 	snop  }
0x3c: {  	p2 =	seq.s32 s10, $0x1;
	s10 =	sld [smem:$0x3FB8]  }
0x3d: {  	_ =	shalt  }
0x3e: {  	_ =	shalt  }
0x3f: {  	_ =	shalt  }
0x40: {  	_ =	shalt  }
0x41: {  	_ =	shalt  }
0x42: {  	_ =	shalt  }
0x43: {  	_ =	shalt  }
0x44: {  	_ =	shalt  }
0x45: {  	_ =	shalt  }
0x46: {  	_ =	shalt  }
0x47: {  	_ =	shalt  }
0x48: {  	_ =	shalt  }
0x49: {  	_ =	shalt  }
0x4a: {  	_ =	shalt  }
0x4b: {  	_ =	shalt  }
0x4c: {  	_ =	shalt  }
0x4d: {  	_ =	shalt  }
0x4e: {  	_ =	shalt  }
0x4f: {  	_ =	shalt  }
0x50: {  	_ =	shalt  }
0x51: {  	_ =	shalt  }
0x52: {  	_ =	shalt  }
0x53: {  	_ =	shalt  }
0x54: {  	_ =	shalt  }
0x55: {  	_ =	shalt  }
0x56: {  	_ =	shalt  }
0x57: {  	_ =	shalt  }
0x58: {  	_ =	shalt  }
0x59: {  	_ =	shalt  }
0x5a: {  	_ =	shalt  }
0x5b: {  	_ =	shalt  }
0x5c: {  	_ =	shalt  }
0x5d: {  	_ =	shalt  }
0x5e: {  	_ =	shalt  }
0x5f: {  	_ =	shalt  }
0x60: {  	_ =	shalt  }
0x61: {  	_ =	shalt  }
0x62: {  	_ =	shalt  }
0x63: {  	_ =	shalt  }
0x64: {  	_ =	shalt  }
0x65: {  	_ =	shalt  }
0x66: {  	_ =	shalt  }
0x67: {  	_ =	shalt  }
0x68: {  	_ =	shalt  }
0x69: {  	_ =	shalt  }
0x6a: {  	_ =	shalt  }
0x6b: {  	_ =	shalt  }
0x6c: {  	_ =	shalt  }
0x6d: {  	_ =	shalt  }
0x6e: {  	_ =	shalt  }
0x6f: {  	_ =	shalt  }
0x70: {  	_ =	shalt  }
0x71: {  	_ =	shalt  }
0x72: {  	_ =	shalt  }
0x73: {  	_ =	shalt  }
0x74: {  	_ =	shalt  }
0x75: {  	_ =	shalt  }
0x76: {  	_ =	shalt  }
0x77: {  	_ =	shalt  }
0x78: {  	_ =	shalt  }
0x79: {  	_ =	shalt  }
0x7a: {  	_ =	shalt  }
0x7b: {  	_ =	shalt  }
0x7c: {  	_ =	shalt  }
0x7d: {  	_ =	shalt  }
0x7e: {  	_ =	shalt  }
0x7f: {  	_ =	shalt  }
0x80: {  	_ =	shalt  }
0x81: {  	_ =	shalt  }
0x82: {  	_ =	shalt  }
0x83: {  	_ =	shalt  }
0x84: {  	_ =	shalt  }
0x85: {  	_ =	shalt  }
0x86: {  	_ =	shalt  }
0x87: {  	_ =	shalt  }
.Lfunc_end0:
.L_simem_size_0:
called_computation_lowered:
.L_overlay_start_0:
0x88: {  	s2 =	sld [smem:$0x3FD9]  }
0x89: {  	s3 =	sld [smem:$0x3FFE];
	_ =	sdelay $0x1  }
0x8a: {  	s1 =	srdreg.scid  }
0x8b: {  	s0 =	sand.u32 $0x1, s1  }
0x8c: {  	s17 =	sshll.u32 s0, $0xA;
	s2 =	sadd.s32 s3, s2  }
0x8d: {  	s2 =	sadd.s32 s2, s17  }
0x8e: {  	[smem:$0x3FC4] =	sst s2  }
0x8f: {  	_ = 	snop  }
0x90: {  	s2 =	sld [smem:$0x3FD0];
	(tm) =	ssettm $0x1  }
0x91: {  	s18 =	sld [smem:$0x3FFB];
	_ =	sdelay $0x3  }
0x92: {  	_ =	strace s18  }
0x93: {  	s3 =	sld [smem:$0x3FFC];
	_ =	sdelay $0x3  }
0x94: {  	_ =	strace s3  }
0x95: {  	s3 =	sld [smem:$0x3FFD];
	_ =	sdelay $0x3  }
0x96: {  	_ =	strace s3  }
0x97: {  	_ =	strace $0x8FFFFFFF  }
0x98: {  	s19 =	sld [smem:$0x3FDB];
	_ =	sdelay $0x1  }
0x99: {  	s4 =	simm.s32 $_scs_section_size  }
0x9a: {  	s5 =	simm.s32 $_size__tile_overlayer_lowered;
	s6 =	simm.s32 $_tile_overlayer_lowered  }
0x9b: {  	s22 =	simm.s32 $0x1BFF;
	s21 =	sshll.u32 s6, $0x1;
	s3 =	sadd.s32 s4, s19  }
0x9c: {  	s7 =	simm.s32 $0x0;
	s20 =	sshll.u32 s5, $0x1;
	s5 =	sadd.s32 s21, s3  }
0x9d: {  	[timem:s7], [sflag:s22] =	dma.local [hbm:s5], s20  }
0x9e: {  	_ =	swait.ge [sflag:s22], s20  }
0x9f: {  	s4 =	ssub.s32 $0x0, s20;
	[sflag:s22] =	ssyncset.done $0x0  }
0xa0: {  	[sflag:s22] =	ssyncadd.s32 s4;
	_ =	sdelay $0x1  }
0xa1: {  	s23 =	simm.s32 $0x1B8B  }
0xa2: {  	_ =	swait.ge [sflag:s23], $0x1  }
0xa3: {  	[sflag:s23] =	ssyncset.done $0x0  }
0xa4: {  	s25 =	simm.s32 $0x1B8E;
	s24 =	sld [smem:$0x3FFE];
	[sflag:s23] =	ssyncadd.s32 $0xFFFFFFFF  }
0xa5: {  	s26 =	simm.s32 $execute0_lowered;
	[smem:$0x3FD2] =	sst s25  }
0xa6: {  	s5 =	sshll.u32 s26, $0x1;
	_ =	strace $0x80000046;
	[dreg:$0x1] =	wrdreg $0xFFFFFFFF  }
0xa7: {  	s28 =	simm.s32 $_size_execute0_lowered;
	s3 =	sadd.s32 s3, s5;
	[dreg:$0x0] =	wrdreg $0x0  }
0xa8: {  	s5 =	sshll.u32 s28, $0x1;
	[dreg:$0x2] =	wrdreg s3  }
0xa9: {  	[dreg:$0x3] =	wrdreg s5  }
0xaa: {  	[dreg:$0x4] =	wrdreg $0xC0  }
0xab: {  	_ =	task [dreg:s7], $0x5FFFF  }
0xac: {  	[dreg:$0x1] =	wrdreg $0xFFFFFFFF  }
0xad: {  	[dreg:$0x0] =	wrdreg $0x60  }
0xae: {  	[dreg:$0x2] =	wrdreg s2  }
0xaf: {  	[dreg:$0x3] =	wrdreg s24  }
0xb0: {  	[dreg:$0x4] =	wrdreg $0x5000  }
0xb1: {  	[dreg:$0x5] =	wrdreg $0x9  }
0xb2: {  	_ =	task.clear_ibuf [dreg:s7], $0x6FFFF;
	_ =	strace $0x90000046  }
0xb3: {  	s29 =	simm.s32 $0x9;
	_ =	strace $0x80000048  }
0xb4: {  	_ =	swait.ge [sflag:s29], $0x1  }
0xb5: {  	[sflag:s29] =	ssyncadd.s32 $0xFFFFFFFF  }
0xb6: {  	_ =	strace $0x90000048  }
0xb7: {  	_ =	sfence  }
0xb8: {  	s30 =	sld [smem:$0x0];
	_ =	sdelay $0x2  }
0xb9: {  	s31 =	sshll.u32 s1, $0xD;
	s1 =	sshrl.u32 s1, $0x2  }
0xba: {  	s3 =	sand.u32 $0x4000, s31;
	s1 =	sadd.s32 s1, s30  }
0xbb: {  	s0 =	sor.u32 s3, s0;
	s1 =	sshll.u32 s1, $0x11  }
0xbc: {  	s0 =	sor.u32 s1, s0  }
0xbd: {  	s0 =	sadd.s32 $0x8F2B, s0  }
0xbe: {  	[sflag:s0] =	ssyncadd.remote.s32 $0x1  }
0xbf: {  	_ =	sfence.sel $0xFFFF  }
0xc0: {  	[dreg:$0x0] =	wrdreg $0xFFFFFFFF;
	(pc) =	sbr.abs _section_cstart, $3  }
0xc1: {  	[dreg:$0x1] =	wrdreg $0xFFFFFFFF  }
0xc2: {  	_ =	task.clear_ibuf [dreg:s7], $0x2FFFF;
	_ =	strace $0x9FFFFFFF  }
0xc3: {  	(tm) =	ssettm $0x7FFFFFFF  }
tec
execute0_lowered:
.L_overlay_start_1:
0x0: {  	(tag) =	ssettag $0x1  }
0x1: {  	s0 =	rddreg [dreg:$0x0]  }
0x2: {  	s1 =	srdreg.scid;
	s4 =	rddreg [dreg:$0x1]  }
0x3: {  	s15 =	stileid.u32;
	s2 =	rddreg [dreg:$0x2];
	s19 =	simm.s32 $0x6  }
0x4: {  	s28 =	simm.s32 $0x4;
	s1 =	sand.u32 $0x1, s1;
	s5 =	smul.u32 $0x500, s15  }
0x5: {  	s29 =	simm.s32 $0x5;
	s20 =	smul.u32 $0xA00, s15;
	s3 =	sshll.u32 s1, $0x4  }
0x6: {  	s6 =	sshll.u32 s1, $0x7;
	s21 =	ssub.s32 $0x2, s1;
	s1 =	smul.u32 $0x28000, s1  }
0x7: {  	s7 =	sor.u32 s15, s3;
	s3 =	simm.s32 $0x0;
	s5 =	sor.u32 s6, s5  }
0x8: {  	s22 =	sshrl.u32 s21, $0x1;
	s6 =	sshrl.u32 s20, $0x2;
	s15 =	smul.u32 $0x2800, s15  }
0x9: {  	s20 =	simm.s32 $0x80;
	s8 =	smul.u32 $0x2800, s7;
	[smem:$0x7FF] =	sst s3  }
0xa: {  	s5 =	sshrl.u32 s5, $0x3;
	s10 =	ssub.s32 s21, s22;
	s21 =	simm.s32 $0x100  }
0xb: {  	s22 =	simm.s32 $0x2;
	_ =	strace $0x80000047;
	s9 =	sadd.s32 s5, s4  }
0xc: {  	s4 =	sadd.s32 s6, s2;
	s1 =	sadd.s32 s15, s1;
	s7 =	sshrl.u32 s8, $0x3  }
0xd: {  	s11 =	sor.u32 $0x180, s8;
	s12 =	sor.u32 $0x200, s8;
	s13 =	sor.u32 $0x280, s8  }
0xe: {  	s14 =	sor.u32 $0x300, s8;
	s8 =	sadd.s32 $0xC000, s9;
	s9 =	smax.u32 s10, $0x1  }
0xf: {  	s31 =	sor.u32 $0x500, s1;
	s15 =	sor.u32 $0x480, s1;
	s16 =	sor.u32 $0x400, s1  }
0x10: {  	s1 =	sor.u32 $0x380, s1;
	s5 =	sadd.s32 s0, s7;
	s24 =	sshrl.u32 s11, $0x3  }
0x11: {  	s25 =	sshrl.u32 s12, $0x3;
	s26 =	sshrl.u32 s13, $0x3;
	s30 =	sshrl.u32 s14, $0x3  }
0x12: {  	s14 =	sshrl.u32 s31, $0x3;
	s15 =	sshrl.u32 s15, $0x3;
	s16 =	sshrl.u32 s16, $0x3  }
0x13: {  	s1 =	sshrl.u32 s1, $0x3;
	s23 =	sadd.s32 $0x10, s5;
	s7 =	sadd.s32 $0x20, s5  }
.Ltmp0:
0x14: {  	s10 =	sadd.s32 s0, s24;
	s11 =	sadd.s32 s0, s25;
	(pc) =	sbr.rel .LBB2_1-.Ltmp0, $4  }
0x15: {  	s12 =	sadd.s32 s0, s26;
	s13 =	sadd.s32 s0, s30;
	s14 =	sadd.s32 s14, s0  }
0x16: {  	s15 =	sadd.s32 s15, s0;
	s16 =	sadd.s32 s16, s0;
	s17 =	sadd.s32 s1, s0  }
0x17: {  	s24 =	simm.s32 $0x180;
	s25 =	simm.s32 $0x3;
	s26 =	simm.s32 $0x1  }
0x18: {  	v0 =	vimm.f32 $1.000000000e+00;
	v1 =	vimm.f32 $0.0e+00;
	s1 =	simm.s32 $0x0;
	[dreg:$0x4] =	wrdreg s23;
	s23 =	simm.s32 $0x200  }
.LBB2_4:
0x19: {  	_ =	swait.ge [sflag:s26], $0x80  }
0x1a: {  	s0 =	stileid.u32;
	s6 =	sshrl.u32 s4, $0x3;
	s18 =	simm.s32 $0x20  }
0x1b: {  	s30 =	simm.s32 $0x10;
	s1 =	sadd.s32 $0x1, s1;
	[sflag:s26] =	ssyncset.done $0x0  }
0x1c: {  	s0 =	sshll.u32 s0, $0x6;
	p0 =	sne.s32 s1, s9;
	[sflag:s26] =	ssyncadd.s32 $0xFFFFFF80  }
.Ltmp1:
0x1d: {  	s0 =	sor.u32 $0x1C06, s0;
	[bflag:$0x0] =	sbarrier.arrive $0xFFFF;
	(pc) =	sbr.rel @!p0 .LBB2_5-.Ltmp1, $4  }
0x1e: {  	[hbm:s8@s18], [sflag:s0] =	dma.strided [spmem:s6@s30], $0x50, s26, $0x10   }
0x1f: {  	_ =	swait.ge [sflag:s19], $0x50  }
0x20: {  	[sflag:s19] =	ssyncset.done $0x0  }
0x21: {  	[sflag:s19] =	ssyncadd.s32 $0xFFFFFFB0  }
.LBB2_1:
0x22: {  	[tilespmem:$0x200] =	vst v0  }
0x23: {  	[tilespmem:$0x210] =	vst v0  }
0x24: {  	[tilespmem:$0x220] =	vst v0  }
0x25: {  	[tilespmem:$0x230] =	vst v0  }
0x26: {  	[tilespmem:$0x240] =	vst v0  }
0x27: {  	[tilespmem:$0x250] =	vst v0  }
0x28: {  	[tilespmem:$0x260] =	vst v0  }
0x29: {  	[tilespmem:$0x270] =	vst v0  }
0x2a: {  	[tilespmem:$0x280] =	vst v1  }
0x2b: {  	[tilespmem:$0x290] =	vst v1  }
0x2c: {  	[tilespmem:$0x2A0] =	vst v1  }
0x2d: {  	[tilespmem:$0x2B0] =	vst v1  }
0x2e: {  	[tilespmem:$0x2C0] =	vst v1  }
0x2f: {  	[tilespmem:$0x2D0] =	vst v1  }
0x30: {  	[tilespmem:$0x2E0] =	vst v1  }
0x31: {  	[tilespmem:$0x2F0] =	vst v1  }
0x32: {  	[tilespmem:$0x300] =	vst v1  }
0x33: {  	[tilespmem:$0x310] =	vst v1  }
0x34: {  	[tilespmem:$0x320] =	vst v1  }
0x35: {  	[tilespmem:$0x330] =	vst v1  }
0x36: {  	[tilespmem:$0x340] =	vst v1  }
0x37: {  	[tilespmem:$0x350] =	vst v1  }
0x38: {  	[tilespmem:$0x360] =	vst v1  }
0x39: {  	[tilespmem:$0x370] =	vst v1  }
0x3a: {  	[tilespmem:$0x380] =	vst v1  }
0x3b: {  	[tilespmem:$0x390] =	vst v1  }
0x3c: {  	[tilespmem:$0x3A0] =	vst v1  }
0x3d: {  	[tilespmem:$0x3B0] =	vst v1  }
0x3e: {  	[tilespmem:$0x3C0] =	vst v1  }
0x3f: {  	[tilespmem:$0x3D0] =	vst v1  }
0x40: {  	[tilespmem:$0x3E0] =	vst v1  }
0x41: {  	[tilespmem:$0x3F0] =	vst v1  }
0x42: {  	[tilespmem:$0x400] =	vst v1  }
0x43: {  	[tilespmem:$0x410] =	vst v1  }
0x44: {  	[tilespmem:$0x420] =	vst v1  }
0x45: {  	[tilespmem:$0x430] =	vst v1  }
0x46: {  	[tilespmem:$0x440] =	vst v1  }
0x47: {  	[tilespmem:$0x450] =	vst v1  }
0x48: {  	[tilespmem:$0x460] =	vst v1  }
0x49: {  	[tilespmem:$0x470] =	vst v1  }
0x4a: {  	[tilespmem:$0x480] =	vst v1  }
0x4b: {  	[tilespmem:$0x490] =	vst v1  }
0x4c: {  	[tilespmem:$0x4A0] =	vst v1  }
0x4d: {  	[tilespmem:$0x4B0] =	vst v1  }
0x4e: {  	[tilespmem:$0x4C0] =	vst v1  }
0x4f: {  	[tilespmem:$0x4D0] =	vst v1  }
0x50: {  	[tilespmem:$0x4E0] =	vst v1  }
0x51: {  	[tilespmem:$0x4F0] =	vst v1;
	s0 =	simm.s32 $0x280  }
0x52: {  	[spmem:s4] =	stream.linear.scatter [tilespmem:s0], [sflag:$0x6], $0x280, $0x38;
	[tilespmem:$0x780] =	vst v63  }
0x53: {  	_ =	swait.ge [sflag:s19], $0x280  }
0x54: {  	[sflag:s19] =	ssyncset.done $0x0  }
0x55: {  	[sflag:s19] =	ssyncadd.s32 $0xFFFFFD80  }
0x56: {  	[tilespmem:s3], [sflag:$0x2] =	stream.linear.gather [hbm4b:s5+s3], $0x80, $0x38;
	[tilespmem:$0x780] =	vst v63  }
0x57: {  	s31 =	rddreg [dreg:$0x4]  }
0x58: {  	[tilespmem:s20], [sflag:$0x3] =	stream.linear.gather [hbm4b:s31+s3], $0x80, $0x38;
	[tilespmem:$0x780] =	vst v63  }
0x59: {  	_ = 	snop  }
0x5a: {  	[tilespmem:s21], [sflag:$0x4] =	stream.linear.gather [hbm4b:s7+s3], $0x80, $0x38;
	[tilespmem:$0x780] =	vst v63  }
0x5b: {  	[bflag:$0x0] =	sbarrier.arrive $0xFFFF  }
0x5c: {  	_ =	swait.ge [sflag:s22], $0x80  }
0x5d: {  	[sflag:s22] =	ssyncset.done $0x0  }
0x5e: {  	[sflag:s22] =	ssyncadd.s32 $0xFFFFFF80  }
0x5f: {  	[spmem:s2] =	stream.indirect.scatter.add.f32 [tilespmem:s23], [sflag:$0x1], $0x1, s3, s20, $0xb8;
	[tilespmem:$0x780] =	vst v63  }
0x60: {  	_ = 	snop  }
0x61: {  	[tilespmem:s24], [sflag:$0x5] =	stream.linear.gather [hbm4b:s10+s3], $0x80, $0x38;
	[tilespmem:$0x780] =	vst v63  }
0x62: {  	_ =	swait.ge [sflag:s25], $0x80  }
0x63: {  	[sflag:s25] =	ssyncset.done $0x0  }
0x64: {  	[sflag:s25] =	ssyncadd.s32 $0xFFFFFF80  }
0x65: {  	[spmem:s2] =	stream.indirect.scatter.add.f32 [tilespmem:s23], [sflag:$0x1], $0x1, s20, s20, $0xb8;
	[tilespmem:$0x780] =	vst v63  }
0x66: {  	_ =	swait.ge [sflag:s26], $0x80  }
0x67: {  	[sflag:s26] =	ssyncset.done $0x0  }
0x68: {  	[sflag:s26] =	ssyncadd.s32 $0xFFFFFF80  }
0x69: {  	[tilespmem:s3], [sflag:$0x2] =	stream.linear.gather [hbm4b:s11+s3], $0x80, $0x38;
	[tilespmem:$0x780] =	vst v63  }
0x6a: {  	_ =	swait.ge [sflag:s28], $0x80  }
0x6b: {  	[sflag:s28] =	ssyncset.done $0x0  }
0x6c: {  	[sflag:s28] =	ssyncadd.s32 $0xFFFFFF80  }
0x6d: {  	[spmem:s2] =	stream.indirect.scatter.add.f32 [tilespmem:s23], [sflag:$0x1], $0x1, s21, s20, $0xb8;
	[tilespmem:$0x780] =	vst v63  }
0x6e: {  	_ =	swait.ge [sflag:s26], $0x80  }
0x6f: {  	[sflag:s26] =	ssyncset.done $0x0  }
0x70: {  	[sflag:s26] =	ssyncadd.s32 $0xFFFFFF80  }
0x71: {  	[tilespmem:s20], [sflag:$0x3] =	stream.linear.gather [hbm4b:s12+s3], $0x80, $0x38;
	[tilespmem:$0x780] =	vst v63  }
0x72: {  	_ =	swait.ge [sflag:s29], $0x80  }
0x73: {  	[sflag:s29] =	ssyncset.done $0x0  }
0x74: {  	[sflag:s29] =	ssyncadd.s32 $0xFFFFFF80  }
0x75: {  	[spmem:s2] =	stream.indirect.scatter.add.f32 [tilespmem:s23], [sflag:$0x1], $0x1, s24, s20, $0xb8;
	[tilespmem:$0x780] =	vst v63  }
0x76: {  	_ =	swait.ge [sflag:s26], $0x80  }
0x77: {  	[sflag:s26] =	ssyncset.done $0x0  }
0x78: {  	s0 =	simm.s32 $0x0;
	[sflag:s26] =	ssyncadd.s32 $0xFFFFFF80  }
0x79: {  	[tilespmem:s21], [sflag:$0x4] =	stream.linear.gather [hbm4b:s13+s3], $0x80, $0x38;
	[tilespmem:$0x780] =	vst v63  }
.LBB2_2:
0x7a: {  	_ =	swait.ge [sflag:s22], $0x80  }
0x7b: {  	[sflag:s22] =	ssyncset.done $0x0  }
0x7c: {  	[sflag:s22] =	ssyncadd.s32 $0xFFFFFF80  }
0x7d: {  	[spmem:s2] =	stream.indirect.scatter.add.f32 [tilespmem:s23], [sflag:$0x1], $0x1, s3, s20, $0xb8;
	[tilespmem:$0x780] =	vst v63  }
0x7e: {  	_ =	swait.ge [sflag:s26], $0x80  }
0x7f: {  	[sflag:s26] =	ssyncset.done $0x0  }
0x80: {  	s18 =	sadd.s32 s0, s17;
	[sflag:s26] =	ssyncadd.s32 $0xFFFFFF80  }
0x81: {  	[tilespmem:s24], [sflag:$0x5] =	stream.linear.gather [hbm4b:s18+s3], $0x80, $0x38;
	[tilespmem:$0x780] =	vst v63  }
0x82: {  	_ =	swait.ge [sflag:s25], $0x80  }
0x83: {  	[sflag:s25] =	ssyncset.done $0x0  }
0x84: {  	[sflag:s25] =	ssyncadd.s32 $0xFFFFFF80  }
0x85: {  	[spmem:s2] =	stream.indirect.scatter.add.f32 [tilespmem:s23], [sflag:$0x1], $0x1, s20, s20, $0xb8;
	[tilespmem:$0x780] =	vst v63  }
0x86: {  	_ =	swait.ge [sflag:s26], $0x80  }
0x87: {  	p0 =	seq.s32 s0, $0x480;
	[sflag:s26] =	ssyncset.done $0x0  }
0x88: {  	s18 =	simm.s32 @p0 $0x4;
	[sflag:s26] =	ssyncadd.s32 $0xFFFFFF80  }
0x89: {  	_ =	swait.ge @p0 [sflag:s18], $0x80  }
0x8a: {  	s30 =	simm.s32 @p0 $0x100;
	[sflag:s18] =	ssyncset.done @p0 $0x0  }
0x8b: {  	s31 =	simm.s32 @p0 $0x200;
	[sflag:s18] =	ssyncadd.s32 @p0 $0xFFFFFF80;
	s18 =	simm.s32 @p0 $0x80  }
0x8c: {  	[spmem:s2] =	stream.indirect.scatter.add.f32 @p0 [tilespmem:s31], [sflag:$0x1], $0x1, s30, s18, $0xb8;
	[tilespmem:$0x780] =	vst v63  }
0x8d: {  	s18 =	simm.s32 @p0 $0x1  }
0x8e: {  	_ =	swait.ge @p0 [sflag:s18], $0x80  }
0x8f: {  	[sflag:s18] =	ssyncset.done @p0 $0x0  }
0x90: {  	s30 =	simm.s32 @!p0 $0x0;
	[sflag:s18] =	ssyncadd.s32 @p0 $0xFFFFFF80;
	s18 =	sadd.s32 @!p0 s0, s16  }
0x91: {  	[tilespmem:s30], [sflag:$0x2] =	stream.linear.gather @!p0 [hbm4b:s18+s30], $0x80, $0x38;
	[tilespmem:$0x780] =	vst v63  }
0x92: {  	s18 =	simm.s32 @!p0 $0x4  }
0x93: {  	_ =	swait.ge @!p0 [sflag:s18], $0x80  }
0x94: {  	s6 =	simm.s32 @!p0 $0x200;
	[sflag:s18] =	ssyncset.done @!p0 $0x0  }
0x95: {  	s31 =	simm.s32 @!p0 $0x100;
	[sflag:s18] =	ssyncadd.s32 @!p0 $0xFFFFFF80;
	s18 =	simm.s32 @!p0 $0x80  }
0x96: {  	[spmem:s2] =	stream.indirect.scatter.add.f32 @!p0 [tilespmem:s6], [sflag:$0x1], $0x1, s31, s18, $0xb8;
	[tilespmem:$0x780] =	vst v63  }
0x97: {  	s6 =	simm.s32 @!p0 $0x1  }
0x98: {  	_ =	swait.ge @!p0 [sflag:s6], $0x80  }
0x99: {  	[sflag:s6] =	ssyncset.done @!p0 $0x0  }
0x9a: {  	[sflag:s6] =	ssyncadd.s32 @!p0 $0xFFFFFF80;
	s6 =	sadd.s32 @!p0 s0, s15  }
0x9b: {  	[tilespmem:s18], [sflag:$0x3] =	stream.linear.gather @!p0 [hbm4b:s6+s30], $0x80, $0x38;
	[tilespmem:$0x780] =	vst v63  }
0x9c: {  	_ =	swait.ge [sflag:s29], $0x80  }
0x9d: {  	[sflag:s29] =	ssyncset.done $0x0  }
.Ltmp2:
0x9e: {  	[sflag:s29] =	ssyncadd.s32 $0xFFFFFF80;
	(pc) =	sbr.rel @p0 .LBB2_4-.Ltmp2, $4  }
0x9f: {  	[spmem:s2] =	stream.indirect.scatter.add.f32 [tilespmem:s23], [sflag:$0x1], $0x1, s24, s20, $0xb8;
	[tilespmem:$0x780] =	vst v63  }
0xa0: {  	_ =	swait.ge [sflag:s26], $0x80  }
0xa1: {  	[sflag:s26] =	ssyncset.done $0x0  }
0xa2: {  	[sflag:s26] =	ssyncadd.s32 $0xFFFFFF80  }
.Ltmp3:
0xa3: {  	(pc) =	sbr.rel .LBB2_2-.Ltmp3, $3  }
0xa4: {  	_ =	sdelay $0x1  }
0xa5: {  	s6 =	sadd.s32 s0, s14;
	s0 =	sadd.s32 $0x40, s0  }
0xa6: {  	[tilespmem:s21], [sflag:$0x4] =	stream.linear.gather [hbm4b:s6+s3], $0x80, $0x38;
	[tilespmem:$0x780] =	vst v63  }
.LBB2_5:
0xa7: {  	_ =	sfence.sel $0x180000  }
0xa8: {  	[bflag:$0x0] =	sbarrier.arrive $0xFFFF  }
0xa9: {  	_ =	strace $0x90000047  }
0xaa: {  	s0 =	stileid.u32;
	[bflag:$0x2] =	sbarrier.arrive $0xFFFF  }
0xab: {  	p0 =	sne.s32 s0, $0x0;
	s0 =	rddreg [dreg:$0x3]  }
0xac: {  	s0 =	sadd.s32 @!p0 $0x100000, s0  }
0xad: {  	[sflag:s0] =	ssyncadd.tile.s32 @!p0 $0x1;
	_ =	shalt  }
.Lfunc_end2:
_tile_overlayer_lowered:
.L_overlay_start_2:
0xae: {  	(tag) =	ssettag $0x2  }
0xaf: {  	s0 =	rddreg [dreg:$0x0];
	s2 =	stileid.u32  }
0xb0: {  	s1 =	rddreg [dreg:$0x1];
	p0 =	sne.s32 s2, $0x0  }
0xb1: {  	s3 =	rddreg [dreg:$0x2];
	[bflag:$0x3] =	sbarrier.arrive $0xFFFF;
	s2 =	simm.s32 @!p0 $0x1C06  }
0xb2: {  	[timem:s3], [sflag:s2] =	dma.local @!p0 [hbm:s0], s1  }
0xb3: {  	s0 =	simm.s32 @!p0 $0x6  }
0xb4: {  	_ =	swait.ge @!p0 [sflag:s0], s1  }
0xb5: {  	s1 =	ssub.s32 @!p0 $0x0, s1;
	[sflag:s0] =	ssyncset.done @!p0 $0x0  }
0xb6: {  	[sflag:s0] =	ssyncadd.s32 @!p0 s1  }
0xb7: {  	[bflag:$0x3] =	sbarrier.arrive $0xFFFF  }
0xb8: {  	_ =	shalt  }

</sc_bundles>
